<compile_context>
chip_gen: v7x
topology: tpu7x:2x2x1
jax: 0.10.2.dev20260603
libtpu: 0.0.44.dev20260713+nightly
codegen_flags: <defaults>
</compile_context>

<pallas_src>
import functools

import numpy as np
import jax
import jax.numpy as jnp
from jax import lax
from jax.experimental import pallas as pl
from jax.experimental.pallas import tpu as pltpu
from jax.experimental.pallas import tpu_sc as plsc

_N = 10000
_E = 320000
_F = 128
_G = 64
_NSPL = 8
_NC = 2
_NS = 16
_NW = _NC * _NS
_CHUNK = 128
_EDGES_PER_TILE = 10240
_EP = _NW * _EDGES_PER_TILE
_CHUNKS_PER_TILE = _EDGES_PER_TILE // _CHUNK
_STAGE_CHUNKS = 40
_IDX_ROWS = _EP // _CHUNK
_REAL_ROWS = _E // _CHUNK
_PAD_ROWS = _IDX_ROWS - _REAL_ROWS
_ACC_ROWS = 10240
_ZROWS = _ACC_ROWS // _NS
_B = 2000
_NBLK = _N // _B

_GRIDV = [float(v) for v in
          (np.arange(-3, 9, dtype=np.float32) * np.float32(2.0 / 5)
           - np.float32(1.0))]


def _sc_segment_sum(h, src2d, dst2d, zblk):
    mesh = plsc.VectorSubcoreMesh(core_axis_name="c", subcore_axis_name="s")

    @functools.partial(
        pl.kernel,
        out_type=jax.ShapeDtypeStruct((_NC, _ACC_ROWS, _F), jnp.float32),
        mesh=mesh,
        scratch_types=[
            pltpu.VMEM((_STAGE_CHUNKS, _CHUNK), jnp.int32),
            pltpu.VMEM((_STAGE_CHUNKS, _CHUNK), jnp.int32),
            pltpu.VMEM((_CHUNK, _F), jnp.float32),
            pltpu.VMEM((_CHUNK, _F), jnp.float32),
            pltpu.VMEM_SHARED((_ACC_ROWS, _F), jnp.float32),
            pltpu.SemaphoreType.DMA,
            pltpu.SemaphoreType.DMA,
        ],
    )
    def seg_kernel(h_hbm, src_hbm, dst_hbm, z_hbm, out_hbm,
                   sidx, didx, rows0, rows1, acc,
                   gsem0, gsem1):
        c = lax.axis_index("c")
        s = lax.axis_index("s")
        rows = [rows0, rows1]
        gsem = [gsem0, gsem1]
        pltpu.sync_copy(z_hbm, acc.at[pl.ds(s * _ZROWS, _ZROWS)])
        w = c * _NS + s
        row0 = w * _CHUNKS_PER_TILE
        plsc.subcore_barrier()

        def wait_g(b):
            pltpu.make_async_copy(h_hbm.at[sidx.at[0]], rows[b],
                                  gsem[b]).wait()

        for t in range(_CHUNKS_PER_TILE // _STAGE_CHUNKS):
            base = row0 + t * _STAGE_CHUNKS
            pltpu.sync_copy(src_hbm.at[pl.ds(base, _STAGE_CHUNKS)], sidx)
            pltpu.sync_copy(dst_hbm.at[pl.ds(base, _STAGE_CHUNKS)], didx)
            pltpu.async_copy(h_hbm.at[sidx.at[0]], rows[0], gsem[0])

            @pl.loop(0, _STAGE_CHUNKS // 2)
            def _(k):
                j = k * 2
                pltpu.async_copy(h_hbm.at[sidx.at[j + 1]], rows[1], gsem[1])
                wait_g(0)
                pltpu.sync_copy(rows[0], acc.at[didx.at[j]], add=True)

                @pl.when(j + 2 < _STAGE_CHUNKS)
                def _():
                    pltpu.async_copy(h_hbm.at[sidx.at[j + 2]], rows[0],
                                     gsem[0])

                wait_g(1)
                pltpu.sync_copy(rows[1], acc.at[didx.at[j + 1]], add=True)

        plsc.subcore_barrier()
        pltpu.sync_copy(acc.at[pl.ds(s * _ZROWS, _ZROWS)],
                        out_hbm.at[c, pl.ds(s * _ZROWS, _ZROWS)])

    return seg_kernel(h, src2d, dst2d, zblk)


def _kan(x, w_ref):
    g = _GRIDV
    sig = 1.0 / (1.0 + jnp.exp(-x))
    t = (x - g[0]) * (1.0 / (g[1] - g[0]))
    i = jnp.floor(t)
    u = t - i
    u2 = u * u
    u3 = u2 * u
    v = 1.0 - u
    s6 = 1.0 / 6.0
    w3 = u3 * s6
    w2 = s6 + 0.5 * (u + u2 - u3)
    w1 = 2.0 / 3.0 - u2 + 0.5 * u3
    w0 = v * v * v * s6
    e = [i == float(k) for k in range(11)]
    zero = jnp.zeros_like(x)
    cols = []
    for j in range(_NSPL):
        a = jnp.where(e[j], w3, zero)
        a = jnp.where(e[j + 1], w2, a)
        a = jnp.where(e[j + 2], w1, a)
        a = jnp.where(e[j + 3], w0, a)
        cols.append(a)
    feats = jnp.concatenate([x * sig] + cols, axis=1)
    return lax.dot_general(feats, w_ref[...], (((1,), (0,)), ((), ())),
                           preferred_element_type=jnp.float32)


def _layer_compute(eps_ref, h_ref, a_ref, w1_ref, w2_ref):
    eps = eps_ref[0, 0]
    h2 = (1.0 + eps) * h_ref[...] + a_ref[0] + a_ref[1]
    return _kan(_kan(h2, w1_ref), w2_ref)


def _mid_body(eps_ref, h_ref, a_ref, w1_ref, w2_ref, o_ref):
    t = _layer_compute(eps_ref, h_ref, a_ref, w1_ref, w2_ref)
    o_ref[...] = jnp.where(t >= 0, t, 0.01 * t)


def _last_body(eps_ref, h_ref, a_ref, w1_ref, w2_ref,
               b_ref, pool_ref, cnt_ref):
    i = pl.program_id(0)

    @pl.when(i == 0)
    def _():
        pool_ref[...] = jnp.zeros_like(pool_ref)
        cnt_ref[...] = jnp.zeros_like(cnt_ref)

    t = _layer_compute(eps_ref, h_ref, a_ref, w1_ref, w2_ref)
    bvec = b_ref[0, 0, :]
    onehot = (bvec[:, None]
              == lax.broadcasted_iota(jnp.int32, (_B, _G), 1)
              ).astype(jnp.float32)
    pool_ref[...] += lax.dot_general(
        onehot, t, (((0,), (0,)), ((), ())),
        preferred_element_type=jnp.float32)
    cnt_ref[...] += lax.dot_general(
        onehot, jnp.ones((_B, _F), jnp.float32), (((0,), (0,)), ((), ())),
        preferred_element_type=jnp.float32)

    @pl.when(i == _NBLK - 1)
    def _():
        pool_ref[...] = pool_ref[...] / jnp.maximum(cnt_ref[...], 1.0)


_EPS_SPEC = pl.BlockSpec((1, 1), lambda i: (0, 0))
_H_SPEC = pl.BlockSpec((_B, _F), lambda i: (i, 0))
_A_SPEC = pl.BlockSpec((_NC, _B, _F), lambda i: (0, i, 0))
_W_SPEC = pl.BlockSpec(((_NSPL + 1) * _F, _F), lambda i: (0, 0))


def _tc_mid(eps11, h, agg, w1, w2):
    return pl.pallas_call(
        _mid_body,
        grid=(_NBLK,),
        in_specs=[_EPS_SPEC, _H_SPEC, _A_SPEC, _W_SPEC, _W_SPEC],
        out_specs=_H_SPEC,
        out_shape=jax.ShapeDtypeStruct((_N, _F), jnp.float32),
    )(eps11, h, agg, w1, w2)


def _tc_last(eps11, h, agg, w1, w2, batch3):
    return pl.pallas_call(
        _last_body,
        grid=(_NBLK,),
        in_specs=[_EPS_SPEC, _H_SPEC, _A_SPEC, _W_SPEC, _W_SPEC,
                  pl.BlockSpec((1, 1, _B), lambda i: (i, 0, 0))],
        out_specs=pl.BlockSpec((_G, _F), lambda i: (0, 0)),
        out_shape=jax.ShapeDtypeStruct((_G, _F), jnp.float32),
        scratch_shapes=[pltpu.VMEM((_G, _F), jnp.float32)],
    )(eps11, h, agg, w1, w2, batch3)


def kernel(x, edge_index, batch, params):
    pad_ar = np.arange(_EP - _E)
    pad_src = jnp.asarray((pad_ar * 997) % _N, jnp.int32)
    pad_dst = jnp.asarray(_N + pad_ar % (_ACC_ROWS - _N), jnp.int32)
    src2d = jnp.concatenate([edge_index[0].astype(jnp.int32), pad_src]
                            ).reshape(_IDX_ROWS, _CHUNK)
    dst2d = jnp.concatenate([edge_index[1].astype(jnp.int32), pad_dst]
                            ).reshape(_IDX_ROWS, _CHUNK)
    zblk = jnp.zeros((_ZROWS, _F), jnp.float32)
    batch3 = batch.astype(jnp.int32).reshape(_NBLK, 1, _B)

    def wcat(p):
        ws = jnp.transpose(p[1] * p[2][..., None], (2, 1, 0))
        return jnp.concatenate([p[0].T, ws.reshape(_NSPL * _F, _F)], axis=0)

    layer_args = []
    for (eps, p0, p1) in params:
        layer_args.append((
            jnp.reshape(eps, (1, 1)).astype(jnp.float32),
            wcat(p0),
            wcat(p1),
        ))

    h = x
    pooled = None
    for li in range(3):
        eps11, w1, w2 = layer_args[li]
        agg = _sc_segment_sum(h, src2d, dst2d, zblk)
        if li < 2:
            h = _tc_mid(eps11, h, agg, w1, w2)
        else:
            pooled = _tc_last(eps11, h, agg, w1, w2, batch3)
    return (pooled, 0)

# --- scband reference (transcript-rebuilt; emitter-appended) ---
"""Pipeline reference for scband-kanbased-gin-84112639525602 (READ-ONLY COPY).

The authoritative reference and input builder live on the scoring server;
editing this copy changes nothing except your own understanding.
"""

import jax, jax.numpy as jnp
import numpy as np

N_NODES = 10000
N_EDGES = 320000
N_GRAPHS = 64
IN_C = 128
HID = 128
OUT_C = 128
NUM_LAYERS = 3
GRID_SIZE = 5
SPLINE_ORDER = 3
N_BASES = GRID_SIZE + SPLINE_ORDER  # 8


def _make_grid():
    h = 2.0 / GRID_SIZE
    return jnp.arange(-SPLINE_ORDER, GRID_SIZE + SPLINE_ORDER + 1, dtype=jnp.float32) * h - 1.0


def b_splines(x, grid):
    # x: (N, in_dim); grid: (GRID_SIZE + 2*SPLINE_ORDER + 1,)
    x = x[..., None]  # (N, in, 1)
    g = grid[None, None, :]
    bases = ((x >= g[..., :-1]) & (x < g[..., 1:])).astype(x.dtype)
    for k in range(1, SPLINE_ORDER + 1):
        left = (x - g[..., : -(k + 1)]) / (g[..., k:-1] - g[..., : -(k + 1)])
        right = (g[..., k + 1:] - x) / (g[..., k + 1:] - g[..., 1:-k])
        bases = left * bases[..., :-1] + right * bases[..., 1:]
    return bases  # (N, in, N_BASES)


def kan_linear(x, base_w, spline_w, spline_s, grid):
    # efficient-KAN KANLinear: base path (silu + linear) plus scaled spline path
    base_out = jax.nn.silu(x) @ base_w.T
    nb = x.shape[0]
    spl = b_splines(x, grid).reshape(nb, -1)
    scaled = (spline_w * spline_s[..., None]).reshape(spline_w.shape[0], -1)
    return base_out + spl @ scaled.T


def _network(x, edge_index, batch, params, grid):
    h = x
    src = edge_index[0]
    dst = edge_index[1]
    for i, (eps, p0, p1) in enumerate(params):
        agg = jax.ops.segment_sum(h[src], dst, num_segments=N_NODES)
        h2 = (1.0 + eps) * h + agg  # GIN aggregation
        h2 = kan_linear(h2, p0[0], p0[1], p0[2], grid)
        h2 = kan_linear(h2, p1[0], p1[1], p1[2], grid)
        h = h2
        if i < NUM_LAYERS - 1:
            h = jax.nn.leaky_relu(h, negative_slope=0.01)
    sums = jax.ops.segment_sum(h, batch, num_segments=N_GRAPHS)
    counts = jnp.clip(jnp.bincount(batch, length=N_GRAPHS), 1)
    return sums / counts[:, None].astype(h.dtype)


def setup_inputs(seed: int = 0) -> dict:
    key = jax.random.key(seed)
    ks = jax.random.split(key, 4 + NUM_LAYERS * 6)
    x = jax.random.normal(ks[0], (N_NODES, IN_C), dtype=jnp.float32)
    edge_index = jax.random.randint(ks[1], (2, N_EDGES), 0, N_NODES, dtype=jnp.int64)
    batch = jnp.sort(jax.random.randint(ks[2], (N_NODES,), 0, N_GRAPHS, dtype=jnp.int64))
    dims = [(IN_C, HID, HID), (HID, HID, HID), (HID, HID, OUT_C)]
    params = []
    ki = 4
    for (d_in, d_hid, d_out) in dims:
        layer_params = []
        for (li, lo) in [(d_in, d_hid), (d_hid, d_out)]:
            bw = jax.random.normal(ks[ki], (lo, li), dtype=jnp.float32) * (1.0 / np.sqrt(li)); ki += 1
            sw = jax.random.normal(ks[ki], (lo, li, N_BASES), dtype=jnp.float32) * 0.1; ki += 1
            ss = 1.0 + jax.random.normal(ks[ki], (lo, li), dtype=jnp.float32) * 0.01; ki += 1
            layer_params.append((bw, sw, ss))
        eps = jnp.zeros((), dtype=jnp.float32)
        params.append((eps, layer_params[0], layer_params[1]))
    return {"x": x, "edge_index": edge_index, "batch": batch, "params": tuple(params)}


def reference(x, edge_index, batch, params):
    grid = _make_grid()
    global_feature = _network(x, edge_index, batch, params, grid)
    return (global_feature, 0)

if __name__ == "__main__":
    import jax
    _d = setup_inputs()
    print(jax.jit(kernel)(*tuple(_d.values())))

</pallas_src>

<mosaic_0001>
#map = affine_map<(d0, d1) -> (0, 0)>
#map1 = affine_map<(d0, d1) -> (0, 0, 0)>
module attributes {stable_mosaic.version = 14 : i64} {
  func.func @seg_kernel(%arg0: i32, %arg1: i32, %arg2: memref<10000x128xf32, #tpu.memory_space<hbm>>, %arg3: memref<2560x128xi32, #tpu.memory_space<hbm>>, %arg4: memref<2560x128xi32, #tpu.memory_space<hbm>>, %arg5: memref<640x128xf32, #tpu.memory_space<hbm>>, %arg6: memref<2x10240x128xf32, #tpu.memory_space<hbm>>, %arg7: memref<40x128xi32, #tpu.memory_space<vmem>>, %arg8: memref<40x128xi32, #tpu.memory_space<vmem>>, %arg9: memref<128x128xf32, #tpu.memory_space<vmem>>, %arg10: memref<128x128xf32, #tpu.memory_space<vmem>>, %arg11: memref<10240x128xf32, #tpu.memory_space<vmem_shared>>, %arg12: memref<!tpu.dma_semaphore, #tpu.memory_space<semaphore_mem>>, %arg13: memref<!tpu.dma_semaphore, #tpu.memory_space<semaphore_mem>>) attributes {dimension_semantics = [#tpu.dimension_semantics<core_parallel>, #tpu.dimension_semantics<subcore_parallel>], iteration_bounds = array<i64: 2, 16>, scalar_prefetch = 0 : i64, scratch_operands = 7 : i64, tpu.core_type = #tpu.core_type<sc_vector_subcore>, window_params = [{transform_indices = #map}, {transform_indices = #map}, {transform_indices = #map}, {transform_indices = #map}, {transform_indices = #map1}]} {
    %mul3A = arith.constant 640 : i32
    %mul3A_0 = arith.muli %arg1, %mul3A : i32
    "tpu.region"() ({
      %run_scoped3A = tpu.sem_alloc : memref<!tpu.dma_semaphore, #tpu.memory_space<semaphore_mem>>
      %dma_start3A_36 = arith.constant 0 : i32
      %dma_start3A_37 = tpu.memref_slice %arg11[%mul3A_0, %dma_start3A_36] : memref<10240x128xf32, #tpu.memory_space<vmem_shared>> -> memref<640x128xf32, #tpu.memory_space<vmem_shared>>
      tpu.enqueue_dma source(%arg5 : memref<640x128xf32, #tpu.memory_space<hbm>>) target(%dma_start3A_37 : memref<640x128xf32, #tpu.memory_space<vmem_shared>>) target_semaphore(%run_scoped3A : memref<!tpu.dma_semaphore, #tpu.memory_space<semaphore_mem>>)
      %dma_wait3A = arith.constant 0 : i32
      %dma_wait3A_38 = tpu.memref_slice %arg11[%mul3A_0, %dma_wait3A] : memref<10240x128xf32, #tpu.memory_space<vmem_shared>> -> memref<640x128xf32, #tpu.memory_space<vmem_shared>>
      tpu.wait_dma2 semaphore(%run_scoped3A : memref<!tpu.dma_semaphore, #tpu.memory_space<semaphore_mem>>) src(%arg5 : memref<640x128xf32, #tpu.memory_space<hbm>>) dst(%dma_wait3A_38 : memref<640x128xf32, #tpu.memory_space<vmem_shared>>)
      tpu.yield
    }) : () -> ()
    %mul3A_1 = arith.constant 16 : i32
    %mul3A_2 = arith.muli %arg0, %mul3A_1 : i32
    %add3A = arith.addi %mul3A_2, %arg1 : i32
    %mul3A_3 = arith.constant 80 : i32
    %mul3A_4 = arith.muli %add3A, %mul3A_3 : i32
    %barrier3A = arith.constant 0 : index
    tpu.barrier barrier_id(%barrier3A)
    %add3A_5 = arith.constant 0 : i32
    %add3A_6 = arith.addi %mul3A_4, %add3A_5 : i32
    "tpu.region"() ({
      %run_scoped3A = tpu.sem_alloc : memref<!tpu.dma_semaphore, #tpu.memory_space<semaphore_mem>>
      %dma_start3A_36 = arith.constant 0 : i32
      %dma_start3A_37 = tpu.memref_slice %arg3[%add3A_6, %dma_start3A_36] : memref<2560x128xi32, #tpu.memory_space<hbm>> -> memref<40x128xi32, #tpu.memory_space<hbm>>
      %dma_start3A_38 = arith.constant 0 : i32
      %dma_start3A_39 = tpu.memref_slice %arg3[%add3A_6, %dma_start3A_38] : memref<2560x128xi32, #tpu.memory_space<hbm>> -> memref<40x128xi32, #tpu.memory_space<hbm>>
      tpu.enqueue_dma source(%dma_start3A_39 : memref<40x128xi32, #tpu.memory_space<hbm>>) target(%arg7 : memref<40x128xi32, #tpu.memory_space<vmem>>) target_semaphore(%run_scoped3A : memref<!tpu.dma_semaphore, #tpu.memory_space<semaphore_mem>>)
      %dma_wait3A = arith.constant 0 : i32
      %dma_wait3A_40 = tpu.memref_slice %arg3[%add3A_6, %dma_wait3A] : memref<2560x128xi32, #tpu.memory_space<hbm>> -> memref<40x128xi32, #tpu.memory_space<hbm>>
      %dma_wait3A_41 = arith.constant 0 : i32
      %dma_wait3A_42 = tpu.memref_slice %arg3[%add3A_6, %dma_wait3A_41] : memref<2560x128xi32, #tpu.memory_space<hbm>> -> memref<40x128xi32, #tpu.memory_space<hbm>>
      tpu.wait_dma2 semaphore(%run_scoped3A : memref<!tpu.dma_semaphore, #tpu.memory_space<semaphore_mem>>) src(%dma_wait3A_42 : memref<40x128xi32, #tpu.memory_space<hbm>>) dst(%arg7 : memref<40x128xi32, #tpu.memory_space<vmem>>)
      tpu.yield
    }) : () -> ()
    "tpu.region"() ({
      %run_scoped3A = tpu.sem_alloc : memref<!tpu.dma_semaphore, #tpu.memory_space<semaphore_mem>>
      %dma_start3A_36 = arith.constant 0 : i32
      %dma_start3A_37 = tpu.memref_slice %arg4[%add3A_6, %dma_start3A_36] : memref<2560x128xi32, #tpu.memory_space<hbm>> -> memref<40x128xi32, #tpu.memory_space<hbm>>
      %dma_start3A_38 = arith.constant 0 : i32
      %dma_start3A_39 = tpu.memref_slice %arg4[%add3A_6, %dma_start3A_38] : memref<2560x128xi32, #tpu.memory_space<hbm>> -> memref<40x128xi32, #tpu.memory_space<hbm>>
      tpu.enqueue_dma source(%dma_start3A_39 : memref<40x128xi32, #tpu.memory_space<hbm>>) target(%arg8 : memref<40x128xi32, #tpu.memory_space<vmem>>) target_semaphore(%run_scoped3A : memref<!tpu.dma_semaphore, #tpu.memory_space<semaphore_mem>>)
      %dma_wait3A = arith.constant 0 : i32
      %dma_wait3A_40 = tpu.memref_slice %arg4[%add3A_6, %dma_wait3A] : memref<2560x128xi32, #tpu.memory_space<hbm>> -> memref<40x128xi32, #tpu.memory_space<hbm>>
      %dma_wait3A_41 = arith.constant 0 : i32
      %dma_wait3A_42 = tpu.memref_slice %arg4[%add3A_6, %dma_wait3A_41] : memref<2560x128xi32, #tpu.memory_space<hbm>> -> memref<40x128xi32, #tpu.memory_space<hbm>>
      tpu.wait_dma2 semaphore(%run_scoped3A : memref<!tpu.dma_semaphore, #tpu.memory_space<semaphore_mem>>) src(%dma_wait3A_42 : memref<40x128xi32, #tpu.memory_space<hbm>>) dst(%arg8 : memref<40x128xi32, #tpu.memory_space<vmem>>)
      tpu.yield
    }) : () -> ()
    %dma_start3A = arith.constant 0 : i32
    %dma_start3A_7 = arith.constant 0 : i32
    %dma_start3A_8 = tpu.memref_slice %arg7[%dma_start3A, %dma_start3A_7] : memref<40x128xi32, #tpu.memory_space<vmem>> -> memref<1x128xi32, #tpu.memory_space<vmem>>
    %dma_start3A_9 = tpu.memref_squeeze %dma_start3A_8 : memref<1x128xi32, #tpu.memory_space<vmem>> -> memref<128xi32, #tpu.memory_space<vmem>>
    %dma_start3A_10 = arith.constant 0 : i32
    %dma_start3A_11 = arith.constant 0 : i32
    %dma_start3A_12 = tpu.memref_slice %arg2[%dma_start3A_10, %dma_start3A_11] : memref<10000x128xf32, #tpu.memory_space<hbm>> -> memref<10000x128xf32, #tpu.memory_space<hbm>>
    tpu.enqueue_indirect_dma source(%dma_start3A_12 : memref<10000x128xf32, #tpu.memory_space<hbm>>) target(%arg9 : memref<128x128xf32, #tpu.memory_space<vmem>>) offsets(%dma_start3A_9 : memref<128xi32, #tpu.memory_space<vmem>>) semaphore(%arg12 : memref<!tpu.dma_semaphore, #tpu.memory_space<semaphore_mem>>)
    %scan3A = arith.constant 0 : i32
    %scan3A_13 = arith.constant 20 : i32
    %scan3A_14 = arith.addi %scan3A, %scan3A_13 : i32
    %scan3A_15 = arith.constant 1 : i32
    scf.for %scan3A_36 = %scan3A to %scan3A_14 step %scan3A_15  : i32 {
      %mul3A_37 = arith.constant 1 : i32
      %mul3A_38 = arith.muli %scan3A_36, %mul3A_37 : i32
      %add3A_39 = arith.constant 0 : i32
      %add3A_40 = arith.addi %add3A_39, %mul3A_38 : i32
      %mul3A_41 = arith.constant 2 : i32
      %mul3A_42 = arith.muli %add3A_40, %mul3A_41 : i32
      %add3A_43 = arith.constant 1 : i32
      %add3A_44 = arith.addi %mul3A_42, %add3A_43 : i32
      %dma_start3A_45 = arith.constant 0 : i32
      %dma_start3A_46 = tpu.memref_slice %arg7[%add3A_44, %dma_start3A_45] : memref<40x128xi32, #tpu.memory_space<vmem>> -> memref<1x128xi32, #tpu.memory_space<vmem>>
      %dma_start3A_47 = tpu.memref_squeeze %dma_start3A_46 : memref<1x128xi32, #tpu.memory_space<vmem>> -> memref<128xi32, #tpu.memory_space<vmem>>
      %dma_start3A_48 = arith.constant 0 : i32
      %dma_start3A_49 = arith.constant 0 : i32
      %dma_start3A_50 = tpu.memref_slice %arg2[%dma_start3A_48, %dma_start3A_49] : memref<10000x128xf32, #tpu.memory_space<hbm>> -> memref<10000x128xf32, #tpu.memory_space<hbm>>
      tpu.enqueue_indirect_dma source(%dma_start3A_50 : memref<10000x128xf32, #tpu.memory_space<hbm>>) target(%arg10 : memref<128x128xf32, #tpu.memory_space<vmem>>) offsets(%dma_start3A_47 : memref<128xi32, #tpu.memory_space<vmem>>) semaphore(%arg13 : memref<!tpu.dma_semaphore, #tpu.memory_space<semaphore_mem>>)
      %dma_wait3A = arith.constant 0 : i32
      %dma_wait3A_51 = arith.constant 0 : i32
      %dma_wait3A_52 = tpu.memref_slice %arg7[%dma_wait3A, %dma_wait3A_51] : memref<40x128xi32, #tpu.memory_space<vmem>> -> memref<1x128xi32, #tpu.memory_space<vmem>>
      %dma_wait3A_53 = tpu.memref_squeeze %dma_wait3A_52 : memref<1x128xi32, #tpu.memory_space<vmem>> -> memref<128xi32, #tpu.memory_space<vmem>>
      %dma_wait3A_54 = arith.constant 0 : i32
      %dma_wait3A_55 = arith.constant 0 : i32
      %dma_wait3A_56 = tpu.memref_slice %arg2[%dma_wait3A_54, %dma_wait3A_55] : memref<10000x128xf32, #tpu.memory_space<hbm>> -> memref<10000x128xf32, #tpu.memory_space<hbm>>
      tpu.wait_indirect_dma semaphore(%arg12 : memref<!tpu.dma_semaphore, #tpu.memory_space<semaphore_mem>>) src(%dma_wait3A_56 : memref<10000x128xf32, #tpu.memory_space<hbm>>) dst(%arg9 : memref<128x128xf32, #tpu.memory_space<vmem>>)
      "tpu.region"() ({
        %run_scoped3A = tpu.sem_alloc : memref<!tpu.dma_semaphore, #tpu.memory_space<semaphore_mem>>
        %dma_start3A_70 = arith.constant 0 : i32
        %dma_start3A_71 = tpu.memref_slice %arg8[%mul3A_42, %dma_start3A_70] : memref<40x128xi32, #tpu.memory_space<vmem>> -> memref<1x128xi32, #tpu.memory_space<vmem>>
        %dma_start3A_72 = tpu.memref_squeeze %dma_start3A_71 : memref<1x128xi32, #tpu.memory_space<vmem>> -> memref<128xi32, #tpu.memory_space<vmem>>
        %dma_start3A_73 = arith.constant 0 : i32
        %dma_start3A_74 = arith.constant 0 : i32
        %dma_start3A_75 = tpu.memref_slice %arg11[%dma_start3A_73, %dma_start3A_74] : memref<10240x128xf32, #tpu.memory_space<vmem_shared>> -> memref<10240x128xf32, #tpu.memory_space<vmem_shared>>
        tpu.enqueue_indirect_dma source(%arg9 : memref<128x128xf32, #tpu.memory_space<vmem>>) target(%dma_start3A_75 : memref<10240x128xf32, #tpu.memory_space<vmem_shared>>) offsets(%dma_start3A_72 : memref<128xi32, #tpu.memory_space<vmem>>) semaphore(%run_scoped3A : memref<!tpu.dma_semaphore, #tpu.memory_space<semaphore_mem>>) {add = true}
        %dma_wait3A_76 = arith.constant 0 : i32
        %dma_wait3A_77 = tpu.memref_slice %arg8[%mul3A_42, %dma_wait3A_76] : memref<40x128xi32, #tpu.memory_space<vmem>> -> memref<1x128xi32, #tpu.memory_space<vmem>>
        %dma_wait3A_78 = tpu.memref_squeeze %dma_wait3A_77 : memref<1x128xi32, #tpu.memory_space<vmem>> -> memref<128xi32, #tpu.memory_space<vmem>>
        %dma_wait3A_79 = arith.constant 0 : i32
        %dma_wait3A_80 = arith.constant 0 : i32
        %dma_wait3A_81 = tpu.memref_slice %arg11[%dma_wait3A_79, %dma_wait3A_80] : memref<10240x128xf32, #tpu.memory_space<vmem_shared>> -> memref<10240x128xf32, #tpu.memory_space<vmem_shared>>
        tpu.wait_indirect_dma semaphore(%run_scoped3A : memref<!tpu.dma_semaphore, #tpu.memory_space<semaphore_mem>>) src(%arg9 : memref<128x128xf32, #tpu.memory_space<vmem>>) dst(%dma_wait3A_81 : memref<10240x128xf32, #tpu.memory_space<vmem_shared>>)
        tpu.yield
      }) : () -> ()
      %add3A_57 = arith.constant 2 : i32
      %add3A_58 = arith.addi %mul3A_42, %add3A_57 : i32
      %lt3A = arith.constant 40 : i32
      %lt3A_59 = arith.cmpi slt, %add3A_58, %lt3A : i32
      %convert_element_type3A = arith.extui %lt3A_59 : i1 to i32
      %cond3A = arith.constant 0 : i32
      %cond3A_60 = arith.cmpi ne, %convert_element_type3A, %cond3A : i32
      scf.if %cond3A_60 {
        %add3A_70 = arith.constant 2 : i32
        %add3A_71 = arith.addi %mul3A_42, %add3A_70 : i32
        %dma_start3A_72 = arith.constant 0 : i32
        %dma_start3A_73 = tpu.memref_slice %arg7[%add3A_71, %dma_start3A_72] : memref<40x128xi32, #tpu.memory_space<vmem>> -> memref<1x128xi32, #tpu.memory_space<vmem>>
        %dma_start3A_74 = tpu.memref_squeeze %dma_start3A_73 : memref<1x128xi32, #tpu.memory_space<vmem>> -> memref<128xi32, #tpu.memory_space<vmem>>
        %dma_start3A_75 = arith.constant 0 : i32
        %dma_start3A_76 = arith.constant 0 : i32
        %dma_start3A_77 = tpu.memref_slice %arg2[%dma_start3A_75, %dma_start3A_76] : memref<10000x128xf32, #tpu.memory_space<hbm>> -> memref<10000x128xf32, #tpu.memory_space<hbm>>
        tpu.enqueue_indirect_dma source(%dma_start3A_77 : memref<10000x128xf32, #tpu.memory_space<hbm>>) target(%arg9 : memref<128x128xf32, #tpu.memory_space<vmem>>) offsets(%dma_start3A_74 : memref<128xi32, #tpu.memory_space<vmem>>) semaphore(%arg12 : memref<!tpu.dma_semaphore, #tpu.memory_space<semaphore_mem>>)
      } else {
      }
      %dma_wait3A_61 = arith.constant 0 : i32
      %dma_wait3A_62 = arith.constant 0 : i32
      %dma_wait3A_63 = tpu.memref_slice %arg7[%dma_wait3A_61, %dma_wait3A_62] : memref<40x128xi32, #tpu.memory_space<vmem>> -> memref<1x128xi32, #tpu.memory_space<vmem>>
      %dma_wait3A_64 = tpu.memref_squeeze %dma_wait3A_63 : memref<1x128xi32, #tpu.memory_space<vmem>> -> memref<128xi32, #tpu.memory_space<vmem>>
      %dma_wait3A_65 = arith.constant 0 : i32
      %dma_wait3A_66 = arith.constant 0 : i32
      %dma_wait3A_67 = tpu.memref_slice %arg2[%dma_wait3A_65, %dma_wait3A_66] : memref<10000x128xf32, #tpu.memory_space<hbm>> -> memref<10000x128xf32, #tpu.memory_space<hbm>>
      tpu.wait_indirect_dma semaphore(%arg13 : memref<!tpu.dma_semaphore, #tpu.memory_space<semaphore_mem>>) src(%dma_wait3A_67 : memref<10000x128xf32, #tpu.memory_space<hbm>>) dst(%arg10 : memref<128x128xf32, #tpu.memory_space<vmem>>)
      %add3A_68 = arith.constant 1 : i32
      %add3A_69 = arith.addi %mul3A_42, %add3A_68 : i32
      "tpu.region"() ({
        %run_scoped3A = tpu.sem_alloc : memref<!tpu.dma_semaphore, #tpu.memory_space<semaphore_mem>>
        %dma_start3A_70 = arith.constant 0 : i32
        %dma_start3A_71 = tpu.memref_slice %arg8[%add3A_69, %dma_start3A_70] : memref<40x128xi32, #tpu.memory_space<vmem>> -> memref<1x128xi32, #tpu.memory_space<vmem>>
        %dma_start3A_72 = tpu.memref_squeeze %dma_start3A_71 : memref<1x128xi32, #tpu.memory_space<vmem>> -> memref<128xi32, #tpu.memory_space<vmem>>
        %dma_start3A_73 = arith.constant 0 : i32
        %dma_start3A_74 = arith.constant 0 : i32
        %dma_start3A_75 = tpu.memref_slice %arg11[%dma_start3A_73, %dma_start3A_74] : memref<10240x128xf32, #tpu.memory_space<vmem_shared>> -> memref<10240x128xf32, #tpu.memory_space<vmem_shared>>
        tpu.enqueue_indirect_dma source(%arg10 : memref<128x128xf32, #tpu.memory_space<vmem>>) target(%dma_start3A_75 : memref<10240x128xf32, #tpu.memory_space<vmem_shared>>) offsets(%dma_start3A_72 : memref<128xi32, #tpu.memory_space<vmem>>) semaphore(%run_scoped3A : memref<!tpu.dma_semaphore, #tpu.memory_space<semaphore_mem>>) {add = true}
        %dma_wait3A_76 = arith.constant 0 : i32
        %dma_wait3A_77 = tpu.memref_slice %arg8[%add3A_69, %dma_wait3A_76] : memref<40x128xi32, #tpu.memory_space<vmem>> -> memref<1x128xi32, #tpu.memory_space<vmem>>
        %dma_wait3A_78 = tpu.memref_squeeze %dma_wait3A_77 : memref<1x128xi32, #tpu.memory_space<vmem>> -> memref<128xi32, #tpu.memory_space<vmem>>
        %dma_wait3A_79 = arith.constant 0 : i32
        %dma_wait3A_80 = arith.constant 0 : i32
        %dma_wait3A_81 = tpu.memref_slice %arg11[%dma_wait3A_79, %dma_wait3A_80] : memref<10240x128xf32, #tpu.memory_space<vmem_shared>> -> memref<10240x128xf32, #tpu.memory_space<vmem_shared>>
        tpu.wait_indirect_dma semaphore(%run_scoped3A : memref<!tpu.dma_semaphore, #tpu.memory_space<semaphore_mem>>) src(%arg10 : memref<128x128xf32, #tpu.memory_space<vmem>>) dst(%dma_wait3A_81 : memref<10240x128xf32, #tpu.memory_space<vmem_shared>>)
        tpu.yield
      }) : () -> ()
    }
    %scan3A_16 = arith.constant 20 : i32
    %add3A_17 = arith.constant 40 : i32
    %add3A_18 = arith.addi %mul3A_4, %add3A_17 : i32
    "tpu.region"() ({
      %run_scoped3A = tpu.sem_alloc : memref<!tpu.dma_semaphore, #tpu.memory_space<semaphore_mem>>
      %dma_start3A_36 = arith.constant 0 : i32
      %dma_start3A_37 = tpu.memref_slice %arg3[%add3A_18, %dma_start3A_36] : memref<2560x128xi32, #tpu.memory_space<hbm>> -> memref<40x128xi32, #tpu.memory_space<hbm>>
      %dma_start3A_38 = arith.constant 0 : i32
      %dma_start3A_39 = tpu.memref_slice %arg3[%add3A_18, %dma_start3A_38] : memref<2560x128xi32, #tpu.memory_space<hbm>> -> memref<40x128xi32, #tpu.memory_space<hbm>>
      tpu.enqueue_dma source(%dma_start3A_39 : memref<40x128xi32, #tpu.memory_space<hbm>>) target(%arg7 : memref<40x128xi32, #tpu.memory_space<vmem>>) target_semaphore(%run_scoped3A : memref<!tpu.dma_semaphore, #tpu.memory_space<semaphore_mem>>)
      %dma_wait3A = arith.constant 0 : i32
      %dma_wait3A_40 = tpu.memref_slice %arg3[%add3A_18, %dma_wait3A] : memref<2560x128xi32, #tpu.memory_space<hbm>> -> memref<40x128xi32, #tpu.memory_space<hbm>>
      %dma_wait3A_41 = arith.constant 0 : i32
      %dma_wait3A_42 = tpu.memref_slice %arg3[%add3A_18, %dma_wait3A_41] : memref<2560x128xi32, #tpu.memory_space<hbm>> -> memref<40x128xi32, #tpu.memory_space<hbm>>
      tpu.wait_dma2 semaphore(%run_scoped3A : memref<!tpu.dma_semaphore, #tpu.memory_space<semaphore_mem>>) src(%dma_wait3A_42 : memref<40x128xi32, #tpu.memory_space<hbm>>) dst(%arg7 : memref<40x128xi32, #tpu.memory_space<vmem>>)
      tpu.yield
    }) : () -> ()
    "tpu.region"() ({
      %run_scoped3A = tpu.sem_alloc : memref<!tpu.dma_semaphore, #tpu.memory_space<semaphore_mem>>
      %dma_start3A_36 = arith.constant 0 : i32
      %dma_start3A_37 = tpu.memref_slice %arg4[%add3A_18, %dma_start3A_36] : memref<2560x128xi32, #tpu.memory_space<hbm>> -> memref<40x128xi32, #tpu.memory_space<hbm>>
      %dma_start3A_38 = arith.constant 0 : i32
      %dma_start3A_39 = tpu.memref_slice %arg4[%add3A_18, %dma_start3A_38] : memref<2560x128xi32, #tpu.memory_space<hbm>> -> memref<40x128xi32, #tpu.memory_space<hbm>>
      tpu.enqueue_dma source(%dma_start3A_39 : memref<40x128xi32, #tpu.memory_space<hbm>>) target(%arg8 : memref<40x128xi32, #tpu.memory_space<vmem>>) target_semaphore(%run_scoped3A : memref<!tpu.dma_semaphore, #tpu.memory_space<semaphore_mem>>)
      %dma_wait3A = arith.constant 0 : i32
      %dma_wait3A_40 = tpu.memref_slice %arg4[%add3A_18, %dma_wait3A] : memref<2560x128xi32, #tpu.memory_space<hbm>> -> memref<40x128xi32, #tpu.memory_space<hbm>>
      %dma_wait3A_41 = arith.constant 0 : i32
      %dma_wait3A_42 = tpu.memref_slice %arg4[%add3A_18, %dma_wait3A_41] : memref<2560x128xi32, #tpu.memory_space<hbm>> -> memref<40x128xi32, #tpu.memory_space<hbm>>
      tpu.wait_dma2 semaphore(%run_scoped3A : memref<!tpu.dma_semaphore, #tpu.memory_space<semaphore_mem>>) src(%dma_wait3A_42 : memref<40x128xi32, #tpu.memory_space<hbm>>) dst(%arg8 : memref<40x128xi32, #tpu.memory_space<vmem>>)
      tpu.yield
    }) : () -> ()
    %dma_start3A_19 = arith.constant 0 : i32
    %dma_start3A_20 = arith.constant 0 : i32
    %dma_start3A_21 = tpu.memref_slice %arg7[%dma_start3A_19, %dma_start3A_20] : memref<40x128xi32, #tpu.memory_space<vmem>> -> memref<1x128xi32, #tpu.memory_space<vmem>>
    %dma_start3A_22 = tpu.memref_squeeze %dma_start3A_21 : memref<1x128xi32, #tpu.memory_space<vmem>> -> memref<128xi32, #tpu.memory_space<vmem>>
    %dma_start3A_23 = arith.constant 0 : i32
    %dma_start3A_24 = arith.constant 0 : i32
    %dma_start3A_25 = tpu.memref_slice %arg2[%dma_start3A_23, %dma_start3A_24] : memref<10000x128xf32, #tpu.memory_space<hbm>> -> memref<10000x128xf32, #tpu.memory_space<hbm>>
    tpu.enqueue_indirect_dma source(%dma_start3A_25 : memref<10000x128xf32, #tpu.memory_space<hbm>>) target(%arg9 : memref<128x128xf32, #tpu.memory_space<vmem>>) offsets(%dma_start3A_22 : memref<128xi32, #tpu.memory_space<vmem>>) semaphore(%arg12 : memref<!tpu.dma_semaphore, #tpu.memory_space<semaphore_mem>>)
    %scan3A_26 = arith.constant 0 : i32
    %scan3A_27 = arith.constant 20 : i32
    %scan3A_28 = arith.addi %scan3A_26, %scan3A_27 : i32
    %scan3A_29 = arith.constant 1 : i32
    scf.for %scan3A_36 = %scan3A_26 to %scan3A_28 step %scan3A_29  : i32 {
      %mul3A_37 = arith.constant 1 : i32
      %mul3A_38 = arith.muli %scan3A_36, %mul3A_37 : i32
      %add3A_39 = arith.constant 0 : i32
      %add3A_40 = arith.addi %add3A_39, %mul3A_38 : i32
      %mul3A_41 = arith.constant 2 : i32
      %mul3A_42 = arith.muli %add3A_40, %mul3A_41 : i32
      %add3A_43 = arith.constant 1 : i32
      %add3A_44 = arith.addi %mul3A_42, %add3A_43 : i32
      %dma_start3A_45 = arith.constant 0 : i32
      %dma_start3A_46 = tpu.memref_slice %arg7[%add3A_44, %dma_start3A_45] : memref<40x128xi32, #tpu.memory_space<vmem>> -> memref<1x128xi32, #tpu.memory_space<vmem>>
      %dma_start3A_47 = tpu.memref_squeeze %dma_start3A_46 : memref<1x128xi32, #tpu.memory_space<vmem>> -> memref<128xi32, #tpu.memory_space<vmem>>
      %dma_start3A_48 = arith.constant 0 : i32
      %dma_start3A_49 = arith.constant 0 : i32
      %dma_start3A_50 = tpu.memref_slice %arg2[%dma_start3A_48, %dma_start3A_49] : memref<10000x128xf32, #tpu.memory_space<hbm>> -> memref<10000x128xf32, #tpu.memory_space<hbm>>
      tpu.enqueue_indirect_dma source(%dma_start3A_50 : memref<10000x128xf32, #tpu.memory_space<hbm>>) target(%arg10 : memref<128x128xf32, #tpu.memory_space<vmem>>) offsets(%dma_start3A_47 : memref<128xi32, #tpu.memory_space<vmem>>) semaphore(%arg13 : memref<!tpu.dma_semaphore, #tpu.memory_space<semaphore_mem>>)
      %dma_wait3A = arith.constant 0 : i32
      %dma_wait3A_51 = arith.constant 0 : i32
      %dma_wait3A_52 = tpu.memref_slice %arg7[%dma_wait3A, %dma_wait3A_51] : memref<40x128xi32, #tpu.memory_space<vmem>> -> memref<1x128xi32, #tpu.memory_space<vmem>>
      %dma_wait3A_53 = tpu.memref_squeeze %dma_wait3A_52 : memref<1x128xi32, #tpu.memory_space<vmem>> -> memref<128xi32, #tpu.memory_space<vmem>>
      %dma_wait3A_54 = arith.constant 0 : i32
      %dma_wait3A_55 = arith.constant 0 : i32
      %dma_wait3A_56 = tpu.memref_slice %arg2[%dma_wait3A_54, %dma_wait3A_55] : memref<10000x128xf32, #tpu.memory_space<hbm>> -> memref<10000x128xf32, #tpu.memory_space<hbm>>
      tpu.wait_indirect_dma semaphore(%arg12 : memref<!tpu.dma_semaphore, #tpu.memory_space<semaphore_mem>>) src(%dma_wait3A_56 : memref<10000x128xf32, #tpu.memory_space<hbm>>) dst(%arg9 : memref<128x128xf32, #tpu.memory_space<vmem>>)
      "tpu.region"() ({
        %run_scoped3A = tpu.sem_alloc : memref<!tpu.dma_semaphore, #tpu.memory_space<semaphore_mem>>
        %dma_start3A_70 = arith.constant 0 : i32
        %dma_start3A_71 = tpu.memref_slice %arg8[%mul3A_42, %dma_start3A_70] : memref<40x128xi32, #tpu.memory_space<vmem>> -> memref<1x128xi32, #tpu.memory_space<vmem>>
        %dma_start3A_72 = tpu.memref_squeeze %dma_start3A_71 : memref<1x128xi32, #tpu.memory_space<vmem>> -> memref<128xi32, #tpu.memory_space<vmem>>
        %dma_start3A_73 = arith.constant 0 : i32
        %dma_start3A_74 = arith.constant 0 : i32
        %dma_start3A_75 = tpu.memref_slice %arg11[%dma_start3A_73, %dma_start3A_74] : memref<10240x128xf32, #tpu.memory_space<vmem_shared>> -> memref<10240x128xf32, #tpu.memory_space<vmem_shared>>
        tpu.enqueue_indirect_dma source(%arg9 : memref<128x128xf32, #tpu.memory_space<vmem>>) target(%dma_start3A_75 : memref<10240x128xf32, #tpu.memory_space<vmem_shared>>) offsets(%dma_start3A_72 : memref<128xi32, #tpu.memory_space<vmem>>) semaphore(%run_scoped3A : memref<!tpu.dma_semaphore, #tpu.memory_space<semaphore_mem>>) {add = true}
        %dma_wait3A_76 = arith.constant 0 : i32
        %dma_wait3A_77 = tpu.memref_slice %arg8[%mul3A_42, %dma_wait3A_76] : memref<40x128xi32, #tpu.memory_space<vmem>> -> memref<1x128xi32, #tpu.memory_space<vmem>>
        %dma_wait3A_78 = tpu.memref_squeeze %dma_wait3A_77 : memref<1x128xi32, #tpu.memory_space<vmem>> -> memref<128xi32, #tpu.memory_space<vmem>>
        %dma_wait3A_79 = arith.constant 0 : i32
        %dma_wait3A_80 = arith.constant 0 : i32
        %dma_wait3A_81 = tpu.memref_slice %arg11[%dma_wait3A_79, %dma_wait3A_80] : memref<10240x128xf32, #tpu.memory_space<vmem_shared>> -> memref<10240x128xf32, #tpu.memory_space<vmem_shared>>
        tpu.wait_indirect_dma semaphore(%run_scoped3A : memref<!tpu.dma_semaphore, #tpu.memory_space<semaphore_mem>>) src(%arg9 : memref<128x128xf32, #tpu.memory_space<vmem>>) dst(%dma_wait3A_81 : memref<10240x128xf32, #tpu.memory_space<vmem_shared>>)
        tpu.yield
      }) : () -> ()
      %add3A_57 = arith.constant 2 : i32
      %add3A_58 = arith.addi %mul3A_42, %add3A_57 : i32
      %lt3A = arith.constant 40 : i32
      %lt3A_59 = arith.cmpi slt, %add3A_58, %lt3A : i32
      %convert_element_type3A = arith.extui %lt3A_59 : i1 to i32
      %cond3A = arith.constant 0 : i32
      %cond3A_60 = arith.cmpi ne, %convert_element_type3A, %cond3A : i32
      scf.if %cond3A_60 {
        %add3A_70 = arith.constant 2 : i32
        %add3A_71 = arith.addi %mul3A_42, %add3A_70 : i32
        %dma_start3A_72 = arith.constant 0 : i32
        %dma_start3A_73 = tpu.memref_slice %arg7[%add3A_71, %dma_start3A_72] : memref<40x128xi32, #tpu.memory_space<vmem>> -> memref<1x128xi32, #tpu.memory_space<vmem>>
        %dma_start3A_74 = tpu.memref_squeeze %dma_start3A_73 : memref<1x128xi32, #tpu.memory_space<vmem>> -> memref<128xi32, #tpu.memory_space<vmem>>
        %dma_start3A_75 = arith.constant 0 : i32
        %dma_start3A_76 = arith.constant 0 : i32
        %dma_start3A_77 = tpu.memref_slice %arg2[%dma_start3A_75, %dma_start3A_76] : memref<10000x128xf32, #tpu.memory_space<hbm>> -> memref<10000x128xf32, #tpu.memory_space<hbm>>
        tpu.enqueue_indirect_dma source(%dma_start3A_77 : memref<10000x128xf32, #tpu.memory_space<hbm>>) target(%arg9 : memref<128x128xf32, #tpu.memory_space<vmem>>) offsets(%dma_start3A_74 : memref<128xi32, #tpu.memory_space<vmem>>) semaphore(%arg12 : memref<!tpu.dma_semaphore, #tpu.memory_space<semaphore_mem>>)
      } else {
      }
      %dma_wait3A_61 = arith.constant 0 : i32
      %dma_wait3A_62 = arith.constant 0 : i32
      %dma_wait3A_63 = tpu.memref_slice %arg7[%dma_wait3A_61, %dma_wait3A_62] : memref<40x128xi32, #tpu.memory_space<vmem>> -> memref<1x128xi32, #tpu.memory_space<vmem>>
      %dma_wait3A_64 = tpu.memref_squeeze %dma_wait3A_63 : memref<1x128xi32, #tpu.memory_space<vmem>> -> memref<128xi32, #tpu.memory_space<vmem>>
      %dma_wait3A_65 = arith.constant 0 : i32
      %dma_wait3A_66 = arith.constant 0 : i32
      %dma_wait3A_67 = tpu.memref_slice %arg2[%dma_wait3A_65, %dma_wait3A_66] : memref<10000x128xf32, #tpu.memory_space<hbm>> -> memref<10000x128xf32, #tpu.memory_space<hbm>>
      tpu.wait_indirect_dma semaphore(%arg13 : memref<!tpu.dma_semaphore, #tpu.memory_space<semaphore_mem>>) src(%dma_wait3A_67 : memref<10000x128xf32, #tpu.memory_space<hbm>>) dst(%arg10 : memref<128x128xf32, #tpu.memory_space<vmem>>)
      %add3A_68 = arith.constant 1 : i32
      %add3A_69 = arith.addi %mul3A_42, %add3A_68 : i32
      "tpu.region"() ({
        %run_scoped3A = tpu.sem_alloc : memref<!tpu.dma_semaphore, #tpu.memory_space<semaphore_mem>>
        %dma_start3A_70 = arith.constant 0 : i32
        %dma_start3A_71 = tpu.memref_slice %arg8[%add3A_69, %dma_start3A_70] : memref<40x128xi32, #tpu.memory_space<vmem>> -> memref<1x128xi32, #tpu.memory_space<vmem>>
        %dma_start3A_72 = tpu.memref_squeeze %dma_start3A_71 : memref<1x128xi32, #tpu.memory_space<vmem>> -> memref<128xi32, #tpu.memory_space<vmem>>
        %dma_start3A_73 = arith.constant 0 : i32
        %dma_start3A_74 = arith.constant 0 : i32
        %dma_start3A_75 = tpu.memref_slice %arg11[%dma_start3A_73, %dma_start3A_74] : memref<10240x128xf32, #tpu.memory_space<vmem_shared>> -> memref<10240x128xf32, #tpu.memory_space<vmem_shared>>
        tpu.enqueue_indirect_dma source(%arg10 : memref<128x128xf32, #tpu.memory_space<vmem>>) target(%dma_start3A_75 : memref<10240x128xf32, #tpu.memory_space<vmem_shared>>) offsets(%dma_start3A_72 : memref<128xi32, #tpu.memory_space<vmem>>) semaphore(%run_scoped3A : memref<!tpu.dma_semaphore, #tpu.memory_space<semaphore_mem>>) {add = true}
        %dma_wait3A_76 = arith.constant 0 : i32
        %dma_wait3A_77 = tpu.memref_slice %arg8[%add3A_69, %dma_wait3A_76] : memref<40x128xi32, #tpu.memory_space<vmem>> -> memref<1x128xi32, #tpu.memory_space<vmem>>
        %dma_wait3A_78 = tpu.memref_squeeze %dma_wait3A_77 : memref<1x128xi32, #tpu.memory_space<vmem>> -> memref<128xi32, #tpu.memory_space<vmem>>
        %dma_wait3A_79 = arith.constant 0 : i32
        %dma_wait3A_80 = arith.constant 0 : i32
        %dma_wait3A_81 = tpu.memref_slice %arg11[%dma_wait3A_79, %dma_wait3A_80] : memref<10240x128xf32, #tpu.memory_space<vmem_shared>> -> memref<10240x128xf32, #tpu.memory_space<vmem_shared>>
        tpu.wait_indirect_dma semaphore(%run_scoped3A : memref<!tpu.dma_semaphore, #tpu.memory_space<semaphore_mem>>) src(%arg10 : memref<128x128xf32, #tpu.memory_space<vmem>>) dst(%dma_wait3A_81 : memref<10240x128xf32, #tpu.memory_space<vmem_shared>>)
        tpu.yield
      }) : () -> ()
    }
    %scan3A_30 = arith.constant 20 : i32
    %barrier3A_31 = arith.constant 0 : index
    tpu.barrier barrier_id(%barrier3A_31)
    %mul3A_32 = arith.constant 640 : i32
    %mul3A_33 = arith.muli %arg1, %mul3A_32 : i32
    %mul3A_34 = arith.constant 640 : i32
    %mul3A_35 = arith.muli %arg1, %mul3A_34 : i32
    "tpu.region"() ({
      %run_scoped3A = tpu.sem_alloc : memref<!tpu.dma_semaphore, #tpu.memory_space<semaphore_mem>>
      %dma_start3A_36 = arith.constant 0 : i32
      %dma_start3A_37 = tpu.memref_slice %arg6[%arg0, %mul3A_35, %dma_start3A_36] : memref<2x10240x128xf32, #tpu.memory_space<hbm>> -> memref<1x640x128xf32, #tpu.memory_space<hbm>>
      %dma_start3A_38 = tpu.memref_squeeze %dma_start3A_37 : memref<1x640x128xf32, #tpu.memory_space<hbm>> -> memref<640x128xf32, #tpu.memory_space<hbm>>
      %dma_start3A_39 = arith.constant 0 : i32
      %dma_start3A_40 = tpu.memref_slice %arg11[%mul3A_33, %dma_start3A_39] : memref<10240x128xf32, #tpu.memory_space<vmem_shared>> -> memref<640x128xf32, #tpu.memory_space<vmem_shared>>
      tpu.enqueue_dma source(%dma_start3A_40 : memref<640x128xf32, #tpu.memory_space<vmem_shared>>) target(%dma_start3A_38 : memref<640x128xf32, #tpu.memory_space<hbm>>) target_semaphore(%run_scoped3A : memref<!tpu.dma_semaphore, #tpu.memory_space<semaphore_mem>>)
      %dma_wait3A = arith.constant 0 : i32
      %dma_wait3A_41 = tpu.memref_slice %arg6[%arg0, %mul3A_35, %dma_wait3A] : memref<2x10240x128xf32, #tpu.memory_space<hbm>> -> memref<1x640x128xf32, #tpu.memory_space<hbm>>
      %dma_wait3A_42 = tpu.memref_squeeze %dma_wait3A_41 : memref<1x640x128xf32, #tpu.memory_space<hbm>> -> memref<640x128xf32, #tpu.memory_space<hbm>>
      %dma_wait3A_43 = arith.constant 0 : i32
      %dma_wait3A_44 = tpu.memref_slice %arg11[%mul3A_33, %dma_wait3A_43] : memref<10240x128xf32, #tpu.memory_space<vmem_shared>> -> memref<640x128xf32, #tpu.memory_space<vmem_shared>>
      tpu.wait_dma2 semaphore(%run_scoped3A : memref<!tpu.dma_semaphore, #tpu.memory_space<semaphore_mem>>) src(%dma_wait3A_44 : memref<640x128xf32, #tpu.memory_space<vmem_shared>>) dst(%dma_wait3A_42 : memref<640x128xf32, #tpu.memory_space<hbm>>)
      tpu.yield
    }) : () -> ()
    return
  }
}

#map = affine_map<(d0, d1) -> (0, 0)>
#map1 = affine_map<(d0, d1) -> (0, 0, 0)>
module attributes {stable_mosaic.version = 14 : i64} {
  func.func @seg_kernel(%arg0: i32, %arg1: i32, %arg2: memref<10000x128xf32, #tpu.memory_space<hbm>>, %arg3: memref<2560x128xi32, #tpu.memory_space<hbm>>, %arg4: memref<2560x128xi32, #tpu.memory_space<hbm>>, %arg5: memref<640x128xf32, #tpu.memory_space<hbm>>, %arg6: memref<2x10240x128xf32, #tpu.memory_space<hbm>>, %arg7: memref<40x128xi32, #tpu.memory_space<vmem>>, %arg8: memref<40x128xi32, #tpu.memory_space<vmem>>, %arg9: memref<128x128xf32, #tpu.memory_space<vmem>>, %arg10: memref<128x128xf32, #tpu.memory_space<vmem>>, %arg11: memref<10240x128xf32, #tpu.memory_space<vmem_shared>>, %arg12: memref<!tpu.dma_semaphore, #tpu.memory_space<semaphore_mem>>, %arg13: memref<!tpu.dma_semaphore, #tpu.memory_space<semaphore_mem>>) attributes {dimension_semantics = [#tpu.dimension_semantics<core_parallel>, #tpu.dimension_semantics<subcore_parallel>], iteration_bounds = array<i64: 2, 16>, scalar_prefetch = 0 : i64, scratch_operands = 7 : i64, tpu.core_type = #tpu.core_type<sc_vector_subcore>, window_params = [{transform_indices = #map}, {transform_indices = #map}, {transform_indices = #map}, {transform_indices = #map}, {transform_indices = #map1}]} {
    %mul3A = arith.constant 640 : i32
    %mul3A_0 = arith.muli %arg1, %mul3A : i32
    "tpu.region"() ({
      %run_scoped3A = tpu.sem_alloc : memref<!tpu.dma_semaphore, #tpu.memory_space<semaphore_mem>>
      %dma_start3A_36 = arith.constant 0 : i32
      %dma_start3A_37 = tpu.memref_slice %arg11[%mul3A_0, %dma_start3A_36] : memref<10240x128xf32, #tpu.memory_space<vmem_shared>> -> memref<640x128xf32, #tpu.memory_space<vmem_shared>>
      tpu.enqueue_dma source(%arg5 : memref<640x128xf32, #tpu.memory_space<hbm>>) target(%dma_start3A_37 : memref<640x128xf32, #tpu.memory_space<vmem_shared>>) target_semaphore(%run_scoped3A : memref<!tpu.dma_semaphore, #tpu.memory_space<semaphore_mem>>)
      %dma_wait3A = arith.constant 0 : i32
      %dma_wait3A_38 = tpu.memref_slice %arg11[%mul3A_0, %dma_wait3A] : memref<10240x128xf32, #tpu.memory_space<vmem_shared>> -> memref<640x128xf32, #tpu.memory_space<vmem_shared>>
      tpu.wait_dma2 semaphore(%run_scoped3A : memref<!tpu.dma_semaphore, #tpu.memory_space<semaphore_mem>>) src(%arg5 : memref<640x128xf32, #tpu.memory_space<hbm>>) dst(%dma_wait3A_38 : memref<640x128xf32, #tpu.memory_space<vmem_shared>>)
      tpu.yield
    }) : () -> ()
    %mul3A_1 = arith.constant 16 : i32
    %mul3A_2 = arith.muli %arg0, %mul3A_1 : i32
    %add3A = arith.addi %mul3A_2, %arg1 : i32
    %mul3A_3 = arith.constant 80 : i32
    %mul3A_4 = arith.muli %add3A, %mul3A_3 : i32
    %barrier3A = arith.constant 0 : index
    tpu.barrier barrier_id(%barrier3A)
    %add3A_5 = arith.constant 0 : i32
    %add3A_6 = arith.addi %mul3A_4, %add3A_5 : i32
    "tpu.region"() ({
      %run_scoped3A = tpu.sem_alloc : memref<!tpu.dma_semaphore, #tpu.memory_space<semaphore_mem>>
      %dma_start3A_36 = arith.constant 0 : i32
      %dma_start3A_37 = tpu.memref_slice %arg3[%add3A_6, %dma_start3A_36] : memref<2560x128xi32, #tpu.memory_space<hbm>> -> memref<40x128xi32, #tpu.memory_space<hbm>>
      %dma_start3A_38 = arith.constant 0 : i32
      %dma_start3A_39 = tpu.memref_slice %arg3[%add3A_6, %dma_start3A_38] : memref<2560x128xi32, #tpu.memory_space<hbm>> -> memref<40x128xi32, #tpu.memory_space<hbm>>
      tpu.enqueue_dma source(%dma_start3A_39 : memref<40x128xi32, #tpu.memory_space<hbm>>) target(%arg7 : memref<40x128xi32, #tpu.memory_space<vmem>>) target_semaphore(%run_scoped3A : memref<!tpu.dma_semaphore, #tpu.memory_space<semaphore_mem>>)
      %dma_wait3A = arith.constant 0 : i32
      %dma_wait3A_40 = tpu.memref_slice %arg3[%add3A_6, %dma_wait3A] : memref<2560x128xi32, #tpu.memory_space<hbm>> -> memref<40x128xi32, #tpu.memory_space<hbm>>
      %dma_wait3A_41 = arith.constant 0 : i32
      %dma_wait3A_42 = tpu.memref_slice %arg3[%add3A_6, %dma_wait3A_41] : memref<2560x128xi32, #tpu.memory_space<hbm>> -> memref<40x128xi32, #tpu.memory_space<hbm>>
      tpu.wait_dma2 semaphore(%run_scoped3A : memref<!tpu.dma_semaphore, #tpu.memory_space<semaphore_mem>>) src(%dma_wait3A_42 : memref<40x128xi32, #tpu.memory_space<hbm>>) dst(%arg7 : memref<40x128xi32, #tpu.memory_space<vmem>>)
      tpu.yield
    }) : () -> ()
    "tpu.region"() ({
      %run_scoped3A = tpu.sem_alloc : memref<!tpu.dma_semaphore, #tpu.memory_space<semaphore_mem>>
      %dma_start3A_36 = arith.constant 0 : i32
      %dma_start3A_37 = tpu.memref_slice %arg4[%add3A_6, %dma_start3A_36] : memref<2560x128xi32, #tpu.memory_space<hbm>> -> memref<40x128xi32, #tpu.memory_space<hbm>>
      %dma_start3A_38 = arith.constant 0 : i32
      %dma_start3A_39 = tpu.memref_slice %arg4[%add3A_6, %dma_start3A_38] : memref<2560x128xi32, #tpu.memory_space<hbm>> -> memref<40x128xi32, #tpu.memory_space<hbm>>
      tpu.enqueue_dma source(%dma_start3A_39 : memref<40x128xi32, #tpu.memory_space<hbm>>) target(%arg8 : memref<40x128xi32, #tpu.memory_space<vmem>>) target_semaphore(%run_scoped3A : memref<!tpu.dma_semaphore, #tpu.memory_space<semaphore_mem>>)
      %dma_wait3A = arith.constant 0 : i32
      %dma_wait3A_40 = tpu.memref_slice %arg4[%add3A_6, %dma_wait3A] : memref<2560x128xi32, #tpu.memory_space<hbm>> -> memref<40x128xi32, #tpu.memory_space<hbm>>
      %dma_wait3A_41 = arith.constant 0 : i32
      %dma_wait3A_42 = tpu.memref_slice %arg4[%add3A_6, %dma_wait3A_41] : memref<2560x128xi32, #tpu.memory_space<hbm>> -> memref<40x128xi32, #tpu.memory_space<hbm>>
      tpu.wait_dma2 semaphore(%run_scoped3A : memref<!tpu.dma_semaphore, #tpu.memory_space<semaphore_mem>>) src(%dma_wait3A_42 : memref<40x128xi32, #tpu.memory_space<hbm>>) dst(%arg8 : memref<40x128xi32, #tpu.memory_space<vmem>>)
      tpu.yield
    }) : () -> ()
    %dma_start3A = arith.constant 0 : i32
    %dma_start3A_7 = arith.constant 0 : i32
    %dma_start3A_8 = tpu.memref_slice %arg7[%dma_start3A, %dma_start3A_7] : memref<40x128xi32, #tpu.memory_space<vmem>> -> memref<1x128xi32, #tpu.memory_space<vmem>>
    %dma_start3A_9 = tpu.memref_squeeze %dma_start3A_8 : memref<1x128xi32, #tpu.memory_space<vmem>> -> memref<128xi32, #tpu.memory_space<vmem>>
    %dma_start3A_10 = arith.constant 0 : i32
    %dma_start3A_11 = arith.constant 0 : i32
    %dma_start3A_12 = tpu.memref_slice %arg2[%dma_start3A_10, %dma_start3A_11] : memref<10000x128xf32, #tpu.memory_space<hbm>> -> memref<10000x128xf32, #tpu.memory_space<hbm>>
    tpu.enqueue_indirect_dma source(%dma_start3A_12 : memref<10000x128xf32, #tpu.memory_space<hbm>>) target(%arg9 : memref<128x128xf32, #tpu.memory_space<vmem>>) offsets(%dma_start3A_9 : memref<128xi32, #tpu.memory_space<vmem>>) semaphore(%arg12 : memref<!tpu.dma_semaphore, #tpu.memory_space<semaphore_mem>>)
    %scan3A = arith.constant 0 : i32
    %scan3A_13 = arith.constant 20 : i32
    %scan3A_14 = arith.addi %scan3A, %scan3A_13 : i32
    %scan3A_15 = arith.constant 1 : i32
    scf.for %scan3A_36 = %scan3A to %scan3A_14 step %scan3A_15  : i32 {
      %mul3A_37 = arith.constant 1 : i32
      %mul3A_38 = arith.muli %scan3A_36, %mul3A_37 : i32
      %add3A_39 = arith.constant 0 : i32
      %add3A_40 = arith.addi %add3A_39, %mul3A_38 : i32
      %mul3A_41 = arith.constant 2 : i32
      %mul3A_42 = arith.muli %add3A_40, %mul3A_41 : i32
      %add3A_43 = arith.constant 1 : i32
      %add3A_44 = arith.addi %mul3A_42, %add3A_43 : i32
      %dma_start3A_45 = arith.constant 0 : i32
      %dma_start3A_46 = tpu.memref_slice %arg7[%add3A_44, %dma_start3A_45] : memref<40x128xi32, #tpu.memory_space<vmem>> -> memref<1x128xi32, #tpu.memory_space<vmem>>
      %dma_start3A_47 = tpu.memref_squeeze %dma_start3A_46 : memref<1x128xi32, #tpu.memory_space<vmem>> -> memref<128xi32, #tpu.memory_space<vmem>>
      %dma_start3A_48 = arith.constant 0 : i32
      %dma_start3A_49 = arith.constant 0 : i32
      %dma_start3A_50 = tpu.memref_slice %arg2[%dma_start3A_48, %dma_start3A_49] : memref<10000x128xf32, #tpu.memory_space<hbm>> -> memref<10000x128xf32, #tpu.memory_space<hbm>>
      tpu.enqueue_indirect_dma source(%dma_start3A_50 : memref<10000x128xf32, #tpu.memory_space<hbm>>) target(%arg10 : memref<128x128xf32, #tpu.memory_space<vmem>>) offsets(%dma_start3A_47 : memref<128xi32, #tpu.memory_space<vmem>>) semaphore(%arg13 : memref<!tpu.dma_semaphore, #tpu.memory_space<semaphore_mem>>)
      %dma_wait3A = arith.constant 0 : i32
      %dma_wait3A_51 = arith.constant 0 : i32
      %dma_wait3A_52 = tpu.memref_slice %arg7[%dma_wait3A, %dma_wait3A_51] : memref<40x128xi32, #tpu.memory_space<vmem>> -> memref<1x128xi32, #tpu.memory_space<vmem>>
      %dma_wait3A_53 = tpu.memref_squeeze %dma_wait3A_52 : memref<1x128xi32, #tpu.memory_space<vmem>> -> memref<128xi32, #tpu.memory_space<vmem>>
      %dma_wait3A_54 = arith.constant 0 : i32
      %dma_wait3A_55 = arith.constant 0 : i32
      %dma_wait3A_56 = tpu.memref_slice %arg2[%dma_wait3A_54, %dma_wait3A_55] : memref<10000x128xf32, #tpu.memory_space<hbm>> -> memref<10000x128xf32, #tpu.memory_space<hbm>>
      tpu.wait_indirect_dma semaphore(%arg12 : memref<!tpu.dma_semaphore, #tpu.memory_space<semaphore_mem>>) src(%dma_wait3A_56 : memref<10000x128xf32, #tpu.memory_space<hbm>>) dst(%arg9 : memref<128x128xf32, #tpu.memory_space<vmem>>)
      "tpu.region"() ({
        %run_scoped3A = tpu.sem_alloc : memref<!tpu.dma_semaphore, #tpu.memory_space<semaphore_mem>>
        %dma_start3A_70 = arith.constant 0 : i32
        %dma_start3A_71 = tpu.memref_slice %arg8[%mul3A_42, %dma_start3A_70] : memref<40x128xi32, #tpu.memory_space<vmem>> -> memref<1x128xi32, #tpu.memory_space<vmem>>
        %dma_start3A_72 = tpu.memref_squeeze %dma_start3A_71 : memref<1x128xi32, #tpu.memory_space<vmem>> -> memref<128xi32, #tpu.memory_space<vmem>>
        %dma_start3A_73 = arith.constant 0 : i32
        %dma_start3A_74 = arith.constant 0 : i32
        %dma_start3A_75 = tpu.memref_slice %arg11[%dma_start3A_73, %dma_start3A_74] : memref<10240x128xf32, #tpu.memory_space<vmem_shared>> -> memref<10240x128xf32, #tpu.memory_space<vmem_shared>>
        tpu.enqueue_indirect_dma source(%arg9 : memref<128x128xf32, #tpu.memory_space<vmem>>) target(%dma_start3A_75 : memref<10240x128xf32, #tpu.memory_space<vmem_shared>>) offsets(%dma_start3A_72 : memref<128xi32, #tpu.memory_space<vmem>>) semaphore(%run_scoped3A : memref<!tpu.dma_semaphore, #tpu.memory_space<semaphore_mem>>) {add = true}
        %dma_wait3A_76 = arith.constant 0 : i32
        %dma_wait3A_77 = tpu.memref_slice %arg8[%mul3A_42, %dma_wait3A_76] : memref<40x128xi32, #tpu.memory_space<vmem>> -> memref<1x128xi32, #tpu.memory_space<vmem>>
        %dma_wait3A_78 = tpu.memref_squeeze %dma_wait3A_77 : memref<1x128xi32, #tpu.memory_space<vmem>> -> memref<128xi32, #tpu.memory_space<vmem>>
        %dma_wait3A_79 = arith.constant 0 : i32
        %dma_wait3A_80 = arith.constant 0 : i32
        %dma_wait3A_81 = tpu.memref_slice %arg11[%dma_wait3A_79, %dma_wait3A_80] : memref<10240x128xf32, #tpu.memory_space<vmem_shared>> -> memref<10240x128xf32, #tpu.memory_space<vmem_shared>>
        tpu.wait_indirect_dma semaphore(%run_scoped3A : memref<!tpu.dma_semaphore, #tpu.memory_space<semaphore_mem>>) src(%arg9 : memref<128x128xf32, #tpu.memory_space<vmem>>) dst(%dma_wait3A_81 : memref<10240x128xf32, #tpu.memory_space<vmem_shared>>)
        tpu.yield
      }) : () -> ()
      %add3A_57 = arith.constant 2 : i32
      %add3A_58 = arith.addi %mul3A_42, %add3A_57 : i32
      %lt3A = arith.constant 40 : i32
      %lt3A_59 = arith.cmpi slt, %add3A_58, %lt3A : i32
      %convert_element_type3A = arith.extui %lt3A_59 : i1 to i32
      %cond3A = arith.constant 0 : i32
      %cond3A_60 = arith.cmpi ne, %convert_element_type3A, %cond3A : i32
      scf.if %cond3A_60 {
        %add3A_70 = arith.constant 2 : i32
        %add3A_71 = arith.addi %mul3A_42, %add3A_70 : i32
        %dma_start3A_72 = arith.constant 0 : i32
        %dma_start3A_73 = tpu.memref_slice %arg7[%add3A_71, %dma_start3A_72] : memref<40x128xi32, #tpu.memory_space<vmem>> -> memref<1x128xi32, #tpu.memory_space<vmem>>
        %dma_start3A_74 = tpu.memref_squeeze %dma_start3A_73 : memref<1x128xi32, #tpu.memory_space<vmem>> -> memref<128xi32, #tpu.memory_space<vmem>>
        %dma_start3A_75 = arith.constant 0 : i32
        %dma_start3A_76 = arith.constant 0 : i32
        %dma_start3A_77 = tpu.memref_slice %arg2[%dma_start3A_75, %dma_start3A_76] : memref<10000x128xf32, #tpu.memory_space<hbm>> -> memref<10000x128xf32, #tpu.memory_space<hbm>>
        tpu.enqueue_indirect_dma source(%dma_start3A_77 : memref<10000x128xf32, #tpu.memory_space<hbm>>) target(%arg9 : memref<128x128xf32, #tpu.memory_space<vmem>>) offsets(%dma_start3A_74 : memref<128xi32, #tpu.memory_space<vmem>>) semaphore(%arg12 : memref<!tpu.dma_semaphore, #tpu.memory_space<semaphore_mem>>)
      } else {
      }
      %dma_wait3A_61 = arith.constant 0 : i32
      %dma_wait3A_62 = arith.constant 0 : i32
      %dma_wait3A_63 = tpu.memref_slice %arg7[%dma_wait3A_61, %dma_wait3A_62] : memref<40x128xi32, #tpu.memory_space<vmem>> -> memref<1x128xi32, #tpu.memory_space<vmem>>
      %dma_wait3A_64 = tpu.memref_squeeze %dma_wait3A_63 : memref<1x128xi32, #tpu.memory_space<vmem>> -> memref<128xi32, #tpu.memory_space<vmem>>
      %dma_wait3A_65 = arith.constant 0 : i32
      %dma_wait3A_66 = arith.constant 0 : i32
      %dma_wait3A_67 = tpu.memref_slice %arg2[%dma_wait3A_65, %dma_wait3A_66] : memref<10000x128xf32, #tpu.memory_space<hbm>> -> memref<10000x128xf32, #tpu.memory_space<hbm>>
      tpu.wait_indirect_dma semaphore(%arg13 : memref<!tpu.dma_semaphore, #tpu.memory_space<semaphore_mem>>) src(%dma_wait3A_67 : memref<10000x128xf32, #tpu.memory_space<hbm>>) dst(%arg10 : memref<128x128xf32, #tpu.memory_space<vmem>>)
      %add3A_68 = arith.constant 1 : i32
      %add3A_69 = arith.addi %mul3A_42, %add3A_68 : i32
      "tpu.region"() ({
        %run_scoped3A = tpu.sem_alloc : memref<!tpu.dma_semaphore, #tpu.memory_space<semaphore_mem>>
        %dma_start3A_70 = arith.constant 0 : i32
        %dma_start3A_71 = tpu.memref_slice %arg8[%add3A_69, %dma_start3A_70] : memref<40x128xi32, #tpu.memory_space<vmem>> -> memref<1x128xi32, #tpu.memory_space<vmem>>
        %dma_start3A_72 = tpu.memref_squeeze %dma_start3A_71 : memref<1x128xi32, #tpu.memory_space<vmem>> -> memref<128xi32, #tpu.memory_space<vmem>>
        %dma_start3A_73 = arith.constant 0 : i32
        %dma_start3A_74 = arith.constant 0 : i32
        %dma_start3A_75 = tpu.memref_slice %arg11[%dma_start3A_73, %dma_start3A_74] : memref<10240x128xf32, #tpu.memory_space<vmem_shared>> -> memref<10240x128xf32, #tpu.memory_space<vmem_shared>>
        tpu.enqueue_indirect_dma source(%arg10 : memref<128x128xf32, #tpu.memory_space<vmem>>) target(%dma_start3A_75 : memref<10240x128xf32, #tpu.memory_space<vmem_shared>>) offsets(%dma_start3A_72 : memref<128xi32, #tpu.memory_space<vmem>>) semaphore(%run_scoped3A : memref<!tpu.dma_semaphore, #tpu.memory_space<semaphore_mem>>) {add = true}
        %dma_wait3A_76 = arith.constant 0 : i32
        %dma_wait3A_77 = tpu.memref_slice %arg8[%add3A_69, %dma_wait3A_76] : memref<40x128xi32, #tpu.memory_space<vmem>> -> memref<1x128xi32, #tpu.memory_space<vmem>>
        %dma_wait3A_78 = tpu.memref_squeeze %dma_wait3A_77 : memref<1x128xi32, #tpu.memory_space<vmem>> -> memref<128xi32, #tpu.memory_space<vmem>>
        %dma_wait3A_79 = arith.constant 0 : i32
        %dma_wait3A_80 = arith.constant 0 : i32
        %dma_wait3A_81 = tpu.memref_slice %arg11[%dma_wait3A_79, %dma_wait3A_80] : memref<10240x128xf32, #tpu.memory_space<vmem_shared>> -> memref<10240x128xf32, #tpu.memory_space<vmem_shared>>
        tpu.wait_indirect_dma semaphore(%run_scoped3A : memref<!tpu.dma_semaphore, #tpu.memory_space<semaphore_mem>>) src(%arg10 : memref<128x128xf32, #tpu.memory_space<vmem>>) dst(%dma_wait3A_81 : memref<10240x128xf32, #tpu.memory_space<vmem_shared>>)
        tpu.yield
      }) : () -> ()
    }
    %scan3A_16 = arith.constant 20 : i32
    %add3A_17 = arith.constant 40 : i32
    %add3A_18 = arith.addi %mul3A_4, %add3A_17 : i32
    "tpu.region"() ({
      %run_scoped3A = tpu.sem_alloc : memref<!tpu.dma_semaphore, #tpu.memory_space<semaphore_mem>>
      %dma_start3A_36 = arith.constant 0 : i32
      %dma_start3A_37 = tpu.memref_slice %arg3[%add3A_18, %dma_start3A_36] : memref<2560x128xi32, #tpu.memory_space<hbm>> -> memref<40x128xi32, #tpu.memory_space<hbm>>
      %dma_start3A_38 = arith.constant 0 : i32
      %dma_start3A_39 = tpu.memref_slice %arg3[%add3A_18, %dma_start3A_38] : memref<2560x128xi32, #tpu.memory_space<hbm>> -> memref<40x128xi32, #tpu.memory_space<hbm>>
      tpu.enqueue_dma source(%dma_start3A_39 : memref<40x128xi32, #tpu.memory_space<hbm>>) target(%arg7 : memref<40x128xi32, #tpu.memory_space<vmem>>) target_semaphore(%run_scoped3A : memref<!tpu.dma_semaphore, #tpu.memory_space<semaphore_mem>>)
      %dma_wait3A = arith.constant 0 : i32
      %dma_wait3A_40 = tpu.memref_slice %arg3[%add3A_18, %dma_wait3A] : memref<2560x128xi32, #tpu.memory_space<hbm>> -> memref<40x128xi32, #tpu.memory_space<hbm>>
      %dma_wait3A_41 = arith.constant 0 : i32
      %dma_wait3A_42 = tpu.memref_slice %arg3[%add3A_18, %dma_wait3A_41] : memref<2560x128xi32, #tpu.memory_space<hbm>> -> memref<40x128xi32, #tpu.memory_space<hbm>>
      tpu.wait_dma2 semaphore(%run_scoped3A : memref<!tpu.dma_semaphore, #tpu.memory_space<semaphore_mem>>) src(%dma_wait3A_42 : memref<40x128xi32, #tpu.memory_space<hbm>>) dst(%arg7 : memref<40x128xi32, #tpu.memory_space<vmem>>)
      tpu.yield
    }) : () -> ()
    "tpu.region"() ({
      %run_scoped3A = tpu.sem_alloc : memref<!tpu.dma_semaphore, #tpu.memory_space<semaphore_mem>>
      %dma_start3A_36 = arith.constant 0 : i32
      %dma_start3A_37 = tpu.memref_slice %arg4[%add3A_18, %dma_start3A_36] : memref<2560x128xi32, #tpu.memory_space<hbm>> -> memref<40x128xi32, #tpu.memory_space<hbm>>
      %dma_start3A_38 = arith.constant 0 : i32
      %dma_start3A_39 = tpu.memref_slice %arg4[%add3A_18, %dma_start3A_38] : memref<2560x128xi32, #tpu.memory_space<hbm>> -> memref<40x128xi32, #tpu.memory_space<hbm>>
      tpu.enqueue_dma source(%dma_start3A_39 : memref<40x128xi32, #tpu.memory_space<hbm>>) target(%arg8 : memref<40x128xi32, #tpu.memory_space<vmem>>) target_semaphore(%run_scoped3A : memref<!tpu.dma_semaphore, #tpu.memory_space<semaphore_mem>>)
      %dma_wait3A = arith.constant 0 : i32
      %dma_wait3A_40 = tpu.memref_slice %arg4[%add3A_18, %dma_wait3A] : memref<2560x128xi32, #tpu.memory_space<hbm>> -> memref<40x128xi32, #tpu.memory_space<hbm>>
      %dma_wait3A_41 = arith.constant 0 : i32
      %dma_wait3A_42 = tpu.memref_slice %arg4[%add3A_18, %dma_wait3A_41] : memref<2560x128xi32, #tpu.memory_space<hbm>> -> memref<40x128xi32, #tpu.memory_space<hbm>>
      tpu.wait_dma2 semaphore(%run_scoped3A : memref<!tpu.dma_semaphore, #tpu.memory_space<semaphore_mem>>) src(%dma_wait3A_42 : memref<40x128xi32, #tpu.memory_space<hbm>>) dst(%arg8 : memref<40x128xi32, #tpu.memory_space<vmem>>)
      tpu.yield
    }) : () -> ()
    %dma_start3A_19 = arith.constant 0 : i32
    %dma_start3A_20 = arith.constant 0 : i32
    %dma_start3A_21 = tpu.memref_slice %arg7[%dma_start3A_19, %dma_start3A_20] : memref<40x128xi32, #tpu.memory_space<vmem>> -> memref<1x128xi32, #tpu.memory_space<vmem>>
    %dma_start3A_22 = tpu.memref_squeeze %dma_start3A_21 : memref<1x128xi32, #tpu.memory_space<vmem>> -> memref<128xi32, #tpu.memory_space<vmem>>
    %dma_start3A_23 = arith.constant 0 : i32
    %dma_start3A_24 = arith.constant 0 : i32
    %dma_start3A_25 = tpu.memref_slice %arg2[%dma_start3A_23, %dma_start3A_24] : memref<10000x128xf32, #tpu.memory_space<hbm>> -> memref<10000x128xf32, #tpu.memory_space<hbm>>
    tpu.enqueue_indirect_dma source(%dma_start3A_25 : memref<10000x128xf32, #tpu.memory_space<hbm>>) target(%arg9 : memref<128x128xf32, #tpu.memory_space<vmem>>) offsets(%dma_start3A_22 : memref<128xi32, #tpu.memory_space<vmem>>) semaphore(%arg12 : memref<!tpu.dma_semaphore, #tpu.memory_space<semaphore_mem>>)
    %scan3A_26 = arith.constant 0 : i32
    %scan3A_27 = arith.constant 20 : i32
    %scan3A_28 = arith.addi %scan3A_26, %scan3A_27 : i32
    %scan3A_29 = arith.constant 1 : i32
    scf.for %scan3A_36 = %scan3A_26 to %scan3A_28 step %scan3A_29  : i32 {
      %mul3A_37 = arith.constant 1 : i32
      %mul3A_38 = arith.muli %scan3A_36, %mul3A_37 : i32
      %add3A_39 = arith.constant 0 : i32
      %add3A_40 = arith.addi %add3A_39, %mul3A_38 : i32
      %mul3A_41 = arith.constant 2 : i32
      %mul3A_42 = arith.muli %add3A_40, %mul3A_41 : i32
      %add3A_43 = arith.constant 1 : i32
      %add3A_44 = arith.addi %mul3A_42, %add3A_43 : i32
      %dma_start3A_45 = arith.constant 0 : i32
      %dma_start3A_46 = tpu.memref_slice %arg7[%add3A_44, %dma_start3A_45] : memref<40x128xi32, #tpu.memory_space<vmem>> -> memref<1x128xi32, #tpu.memory_space<vmem>>
      %dma_start3A_47 = tpu.memref_squeeze %dma_start3A_46 : memref<1x128xi32, #tpu.memory_space<vmem>> -> memref<128xi32, #tpu.memory_space<vmem>>
      %dma_start3A_48 = arith.constant 0 : i32
      %dma_start3A_49 = arith.constant 0 : i32
      %dma_start3A_50 = tpu.memref_slice %arg2[%dma_start3A_48, %dma_start3A_49] : memref<10000x128xf32, #tpu.memory_space<hbm>> -> memref<10000x128xf32, #tpu.memory_space<hbm>>
      tpu.enqueue_indirect_dma source(%dma_start3A_50 : memref<10000x128xf32, #tpu.memory_space<hbm>>) target(%arg10 : memref<128x128xf32, #tpu.memory_space<vmem>>) offsets(%dma_start3A_47 : memref<128xi32, #tpu.memory_space<vmem>>) semaphore(%arg13 : memref<!tpu.dma_semaphore, #tpu.memory_space<semaphore_mem>>)
      %dma_wait3A = arith.constant 0 : i32
      %dma_wait3A_51 = arith.constant 0 : i32
      %dma_wait3A_52 = tpu.memref_slice %arg7[%dma_wait3A, %dma_wait3A_51] : memref<40x128xi32, #tpu.memory_space<vmem>> -> memref<1x128xi32, #tpu.memory_space<vmem>>
      %dma_wait3A_53 = tpu.memref_squeeze %dma_wait3A_52 : memref<1x128xi32, #tpu.memory_space<vmem>> -> memref<128xi32, #tpu.memory_space<vmem>>
      %dma_wait3A_54 = arith.constant 0 : i32
      %dma_wait3A_55 = arith.constant 0 : i32
      %dma_wait3A_56 = tpu.memref_slice %arg2[%dma_wait3A_54, %dma_wait3A_55] : memref<10000x128xf32, #tpu.memory_space<hbm>> -> memref<10000x128xf32, #tpu.memory_space<hbm>>
      tpu.wait_indirect_dma semaphore(%arg12 : memref<!tpu.dma_semaphore, #tpu.memory_space<semaphore_mem>>) src(%dma_wait3A_56 : memref<10000x128xf32, #tpu.memory_space<hbm>>) dst(%arg9 : memref<128x128xf32, #tpu.memory_space<vmem>>)
      "tpu.region"() ({
        %run_scoped3A = tpu.sem_alloc : memref<!tpu.dma_semaphore, #tpu.memory_space<semaphore_mem>>
        %dma_start3A_70 = arith.constant 0 : i32
        %dma_start3A_71 = tpu.memref_slice %arg8[%mul3A_42, %dma_start3A_70] : memref<40x128xi32, #tpu.memory_space<vmem>> -> memref<1x128xi32, #tpu.memory_space<vmem>>
        %dma_start3A_72 = tpu.memref_squeeze %dma_start3A_71 : memref<1x128xi32, #tpu.memory_space<vmem>> -> memref<128xi32, #tpu.memory_space<vmem>>
        %dma_start3A_73 = arith.constant 0 : i32
        %dma_start3A_74 = arith.constant 0 : i32
        %dma_start3A_75 = tpu.memref_slice %arg11[%dma_start3A_73, %dma_start3A_74] : memref<10240x128xf32, #tpu.memory_space<vmem_shared>> -> memref<10240x128xf32, #tpu.memory_space<vmem_shared>>
        tpu.enqueue_indirect_dma source(%arg9 : memref<128x128xf32, #tpu.memory_space<vmem>>) target(%dma_start3A_75 : memref<10240x128xf32, #tpu.memory_space<vmem_shared>>) offsets(%dma_start3A_72 : memref<128xi32, #tpu.memory_space<vmem>>) semaphore(%run_scoped3A : memref<!tpu.dma_semaphore, #tpu.memory_space<semaphore_mem>>) {add = true}
        %dma_wait3A_76 = arith.constant 0 : i32
        %dma_wait3A_77 = tpu.memref_slice %arg8[%mul3A_42, %dma_wait3A_76] : memref<40x128xi32, #tpu.memory_space<vmem>> -> memref<1x128xi32, #tpu.memory_space<vmem>>
        %dma_wait3A_78 = tpu.memref_squeeze %dma_wait3A_77 : memref<1x128xi32, #tpu.memory_space<vmem>> -> memref<128xi32, #tpu.memory_space<vmem>>
        %dma_wait3A_79 = arith.constant 0 : i32
        %dma_wait3A_80 = arith.constant 0 : i32
        %dma_wait3A_81 = tpu.memref_slice %arg11[%dma_wait3A_79, %dma_wait3A_80] : memref<10240x128xf32, #tpu.memory_space<vmem_shared>> -> memref<10240x128xf32, #tpu.memory_space<vmem_shared>>
        tpu.wait_indirect_dma semaphore(%run_scoped3A : memref<!tpu.dma_semaphore, #tpu.memory_space<semaphore_mem>>) src(%arg9 : memref<128x128xf32, #tpu.memory_space<vmem>>) dst(%dma_wait3A_81 : memref<10240x128xf32, #tpu.memory_space<vmem_shared>>)
        tpu.yield
      }) : () -> ()
      %add3A_57 = arith.constant 2 : i32
      %add3A_58 = arith.addi %mul3A_42, %add3A_57 : i32
      %lt3A = arith.constant 40 : i32
      %lt3A_59 = arith.cmpi slt, %add3A_58, %lt3A : i32
      %convert_element_type3A = arith.extui %lt3A_59 : i1 to i32
      %cond3A = arith.constant 0 : i32
      %cond3A_60 = arith.cmpi ne, %convert_element_type3A, %cond3A : i32
      scf.if %cond3A_60 {
        %add3A_70 = arith.constant 2 : i32
        %add3A_71 = arith.addi %mul3A_42, %add3A_70 : i32
        %dma_start3A_72 = arith.constant 0 : i32
        %dma_start3A_73 = tpu.memref_slice %arg7[%add3A_71, %dma_start3A_72] : memref<40x128xi32, #tpu.memory_space<vmem>> -> memref<1x128xi32, #tpu.memory_space<vmem>>
        %dma_start3A_74 = tpu.memref_squeeze %dma_start3A_73 : memref<1x128xi32, #tpu.memory_space<vmem>> -> memref<128xi32, #tpu.memory_space<vmem>>
        %dma_start3A_75 = arith.constant 0 : i32
        %dma_start3A_76 = arith.constant 0 : i32
        %dma_start3A_77 = tpu.memref_slice %arg2[%dma_start3A_75, %dma_start3A_76] : memref<10000x128xf32, #tpu.memory_space<hbm>> -> memref<10000x128xf32, #tpu.memory_space<hbm>>
        tpu.enqueue_indirect_dma source(%dma_start3A_77 : memref<10000x128xf32, #tpu.memory_space<hbm>>) target(%arg9 : memref<128x128xf32, #tpu.memory_space<vmem>>) offsets(%dma_start3A_74 : memref<128xi32, #tpu.memory_space<vmem>>) semaphore(%arg12 : memref<!tpu.dma_semaphore, #tpu.memory_space<semaphore_mem>>)
      } else {
      }
      %dma_wait3A_61 = arith.constant 0 : i32
      %dma_wait3A_62 = arith.constant 0 : i32
      %dma_wait3A_63 = tpu.memref_slice %arg7[%dma_wait3A_61, %dma_wait3A_62] : memref<40x128xi32, #tpu.memory_space<vmem>> -> memref<1x128xi32, #tpu.memory_space<vmem>>
      %dma_wait3A_64 = tpu.memref_squeeze %dma_wait3A_63 : memref<1x128xi32, #tpu.memory_space<vmem>> -> memref<128xi32, #tpu.memory_space<vmem>>
      %dma_wait3A_65 = arith.constant 0 : i32
      %dma_wait3A_66 = arith.constant 0 : i32
      %dma_wait3A_67 = tpu.memref_slice %arg2[%dma_wait3A_65, %dma_wait3A_66] : memref<10000x128xf32, #tpu.memory_space<hbm>> -> memref<10000x128xf32, #tpu.memory_space<hbm>>
      tpu.wait_indirect_dma semaphore(%arg13 : memref<!tpu.dma_semaphore, #tpu.memory_space<semaphore_mem>>) src(%dma_wait3A_67 : memref<10000x128xf32, #tpu.memory_space<hbm>>) dst(%arg10 : memref<128x128xf32, #tpu.memory_space<vmem>>)
      %add3A_68 = arith.constant 1 : i32
      %add3A_69 = arith.addi %mul3A_42, %add3A_68 : i32
      "tpu.region"() ({
        %run_scoped3A = tpu.sem_alloc : memref<!tpu.dma_semaphore, #tpu.memory_space<semaphore_mem>>
        %dma_start3A_70 = arith.constant 0 : i32
        %dma_start3A_71 = tpu.memref_slice %arg8[%add3A_69, %dma_start3A_70] : memref<40x128xi32, #tpu.memory_space<vmem>> -> memref<1x128xi32, #tpu.memory_space<vmem>>
        %dma_start3A_72 = tpu.memref_squeeze %dma_start3A_71 : memref<1x128xi32, #tpu.memory_space<vmem>> -> memref<128xi32, #tpu.memory_space<vmem>>
        %dma_start3A_73 = arith.constant 0 : i32
        %dma_start3A_74 = arith.constant 0 : i32
        %dma_start3A_75 = tpu.memref_slice %arg11[%dma_start3A_73, %dma_start3A_74] : memref<10240x128xf32, #tpu.memory_space<vmem_shared>> -> memref<10240x128xf32, #tpu.memory_space<vmem_shared>>
        tpu.enqueue_indirect_dma source(%arg10 : memref<128x128xf32, #tpu.memory_space<vmem>>) target(%dma_start3A_75 : memref<10240x128xf32, #tpu.memory_space<vmem_shared>>) offsets(%dma_start3A_72 : memref<128xi32, #tpu.memory_space<vmem>>) semaphore(%run_scoped3A : memref<!tpu.dma_semaphore, #tpu.memory_space<semaphore_mem>>) {add = true}
        %dma_wait3A_76 = arith.constant 0 : i32
        %dma_wait3A_77 = tpu.memref_slice %arg8[%add3A_69, %dma_wait3A_76] : memref<40x128xi32, #tpu.memory_space<vmem>> -> memref<1x128xi32, #tpu.memory_space<vmem>>
        %dma_wait3A_78 = tpu.memref_squeeze %dma_wait3A_77 : memref<1x128xi32, #tpu.memory_space<vmem>> -> memref<128xi32, #tpu.memory_space<vmem>>
        %dma_wait3A_79 = arith.constant 0 : i32
        %dma_wait3A_80 = arith.constant 0 : i32
        %dma_wait3A_81 = tpu.memref_slice %arg11[%dma_wait3A_79, %dma_wait3A_80] : memref<10240x128xf32, #tpu.memory_space<vmem_shared>> -> memref<10240x128xf32, #tpu.memory_space<vmem_shared>>
        tpu.wait_indirect_dma semaphore(%run_scoped3A : memref<!tpu.dma_semaphore, #tpu.memory_space<semaphore_mem>>) src(%arg10 : memref<128x128xf32, #tpu.memory_space<vmem>>) dst(%dma_wait3A_81 : memref<10240x128xf32, #tpu.memory_space<vmem_shared>>)
        tpu.yield
      }) : () -> ()
    }
    %scan3A_30 = arith.constant 20 : i32
    %barrier3A_31 = arith.constant 0 : index
    tpu.barrier barrier_id(%barrier3A_31)
    %mul3A_32 = arith.constant 640 : i32
    %mul3A_33 = arith.muli %arg1, %mul3A_32 : i32
    %mul3A_34 = arith.constant 640 : i32
    %mul3A_35 = arith.muli %arg1, %mul3A_34 : i32
    "tpu.region"() ({
      %run_scoped3A = tpu.sem_alloc : memref<!tpu.dma_semaphore, #tpu.memory_space<semaphore_mem>>
      %dma_start3A_36 = arith.constant 0 : i32
      %dma_start3A_37 = tpu.memref_slice %arg6[%arg0, %mul3A_35, %dma_start3A_36] : memref<2x10240x128xf32, #tpu.memory_space<hbm>> -> memref<1x640x128xf32, #tpu.memory_space<hbm>>
      %dma_start3A_38 = tpu.memref_squeeze %dma_start3A_37 : memref<1x640x128xf32, #tpu.memory_space<hbm>> -> memref<640x128xf32, #tpu.memory_space<hbm>>
      %dma_start3A_39 = arith.constant 0 : i32
      %dma_start3A_40 = tpu.memref_slice %arg11[%mul3A_33, %dma_start3A_39] : memref<10240x128xf32, #tpu.memory_space<vmem_shared>> -> memref<640x128xf32, #tpu.memory_space<vmem_shared>>
      tpu.enqueue_dma source(%dma_start3A_40 : memref<640x128xf32, #tpu.memory_space<vmem_shared>>) target(%dma_start3A_38 : memref<640x128xf32, #tpu.memory_space<hbm>>) target_semaphore(%run_scoped3A : memref<!tpu.dma_semaphore, #tpu.memory_space<semaphore_mem>>)
      %dma_wait3A = arith.constant 0 : i32
      %dma_wait3A_41 = tpu.memref_slice %arg6[%arg0, %mul3A_35, %dma_wait3A] : memref<2x10240x128xf32, #tpu.memory_space<hbm>> -> memref<1x640x128xf32, #tpu.memory_space<hbm>>
      %dma_wait3A_42 = tpu.memref_squeeze %dma_wait3A_41 : memref<1x640x128xf32, #tpu.memory_space<hbm>> -> memref<640x128xf32, #tpu.memory_space<hbm>>
      %dma_wait3A_43 = arith.constant 0 : i32
      %dma_wait3A_44 = tpu.memref_slice %arg11[%mul3A_33, %dma_wait3A_43] : memref<10240x128xf32, #tpu.memory_space<vmem_shared>> -> memref<640x128xf32, #tpu.memory_space<vmem_shared>>
      tpu.wait_dma2 semaphore(%run_scoped3A : memref<!tpu.dma_semaphore, #tpu.memory_space<semaphore_mem>>) src(%dma_wait3A_44 : memref<640x128xf32, #tpu.memory_space<vmem_shared>>) dst(%dma_wait3A_42 : memref<640x128xf32, #tpu.memory_space<hbm>>)
      tpu.yield
    }) : () -> ()
    return
  }
}

#map = affine_map<(d0, d1) -> (0, 0)>
#map1 = affine_map<(d0, d1) -> (0, 0, 0)>
module attributes {stable_mosaic.version = 14 : i64} {
  func.func @seg_kernel(%arg0: i32, %arg1: i32, %arg2: memref<10000x128xf32, #tpu.memory_space<hbm>>, %arg3: memref<2560x128xi32, #tpu.memory_space<hbm>>, %arg4: memref<2560x128xi32, #tpu.memory_space<hbm>>, %arg5: memref<640x128xf32, #tpu.memory_space<hbm>>, %arg6: memref<2x10240x128xf32, #tpu.memory_space<hbm>>, %arg7: memref<40x128xi32, #tpu.memory_space<vmem>>, %arg8: memref<40x128xi32, #tpu.memory_space<vmem>>, %arg9: memref<128x128xf32, #tpu.memory_space<vmem>>, %arg10: memref<128x128xf32, #tpu.memory_space<vmem>>, %arg11: memref<10240x128xf32, #tpu.memory_space<vmem_shared>>, %arg12: memref<!tpu.dma_semaphore, #tpu.memory_space<semaphore_mem>>, %arg13: memref<!tpu.dma_semaphore, #tpu.memory_space<semaphore_mem>>) attributes {dimension_semantics = [#tpu.dimension_semantics<core_parallel>, #tpu.dimension_semantics<subcore_parallel>], iteration_bounds = array<i64: 2, 16>, scalar_prefetch = 0 : i64, scratch_operands = 7 : i64, tpu.core_type = #tpu.core_type<sc_vector_subcore>, window_params = [{transform_indices = #map}, {transform_indices = #map}, {transform_indices = #map}, {transform_indices = #map}, {transform_indices = #map1}]} {
    %mul3A = arith.constant 640 : i32
    %mul3A_0 = arith.muli %arg1, %mul3A : i32
    "tpu.region"() ({
      %run_scoped3A = tpu.sem_alloc : memref<!tpu.dma_semaphore, #tpu.memory_space<semaphore_mem>>
      %dma_start3A_36 = arith.constant 0 : i32
      %dma_start3A_37 = tpu.memref_slice %arg11[%mul3A_0, %dma_start3A_36] : memref<10240x128xf32, #tpu.memory_space<vmem_shared>> -> memref<640x128xf32, #tpu.memory_space<vmem_shared>>
      tpu.enqueue_dma source(%arg5 : memref<640x128xf32, #tpu.memory_space<hbm>>) target(%dma_start3A_37 : memref<640x128xf32, #tpu.memory_space<vmem_shared>>) target_semaphore(%run_scoped3A : memref<!tpu.dma_semaphore, #tpu.memory_space<semaphore_mem>>)
      %dma_wait3A = arith.constant 0 : i32
      %dma_wait3A_38 = tpu.memref_slice %arg11[%mul3A_0, %dma_wait3A] : memref<10240x128xf32, #tpu.memory_space<vmem_shared>> -> memref<640x128xf32, #tpu.memory_space<vmem_shared>>
      tpu.wait_dma2 semaphore(%run_scoped3A : memref<!tpu.dma_semaphore, #tpu.memory_space<semaphore_mem>>) src(%arg5 : memref<640x128xf32, #tpu.memory_space<hbm>>) dst(%dma_wait3A_38 : memref<640x128xf32, #tpu.memory_space<vmem_shared>>)
      tpu.yield
    }) : () -> ()
    %mul3A_1 = arith.constant 16 : i32
    %mul3A_2 = arith.muli %arg0, %mul3A_1 : i32
    %add3A = arith.addi %mul3A_2, %arg1 : i32
    %mul3A_3 = arith.constant 80 : i32
    %mul3A_4 = arith.muli %add3A, %mul3A_3 : i32
    %barrier3A = arith.constant 0 : index
    tpu.barrier barrier_id(%barrier3A)
    %add3A_5 = arith.constant 0 : i32
    %add3A_6 = arith.addi %mul3A_4, %add3A_5 : i32
    "tpu.region"() ({
      %run_scoped3A = tpu.sem_alloc : memref<!tpu.dma_semaphore, #tpu.memory_space<semaphore_mem>>
      %dma_start3A_36 = arith.constant 0 : i32
      %dma_start3A_37 = tpu.memref_slice %arg3[%add3A_6, %dma_start3A_36] : memref<2560x128xi32, #tpu.memory_space<hbm>> -> memref<40x128xi32, #tpu.memory_space<hbm>>
      %dma_start3A_38 = arith.constant 0 : i32
      %dma_start3A_39 = tpu.memref_slice %arg3[%add3A_6, %dma_start3A_38] : memref<2560x128xi32, #tpu.memory_space<hbm>> -> memref<40x128xi32, #tpu.memory_space<hbm>>
      tpu.enqueue_dma source(%dma_start3A_39 : memref<40x128xi32, #tpu.memory_space<hbm>>) target(%arg7 : memref<40x128xi32, #tpu.memory_space<vmem>>) target_semaphore(%run_scoped3A : memref<!tpu.dma_semaphore, #tpu.memory_space<semaphore_mem>>)
      %dma_wait3A = arith.constant 0 : i32
      %dma_wait3A_40 = tpu.memref_slice %arg3[%add3A_6, %dma_wait3A] : memref<2560x128xi32, #tpu.memory_space<hbm>> -> memref<40x128xi32, #tpu.memory_space<hbm>>
      %dma_wait3A_41 = arith.constant 0 : i32
      %dma_wait3A_42 = tpu.memref_slice %arg3[%add3A_6, %dma_wait3A_41] : memref<2560x128xi32, #tpu.memory_space<hbm>> -> memref<40x128xi32, #tpu.memory_space<hbm>>
      tpu.wait_dma2 semaphore(%run_scoped3A : memref<!tpu.dma_semaphore, #tpu.memory_space<semaphore_mem>>) src(%dma_wait3A_42 : memref<40x128xi32, #tpu.memory_space<hbm>>) dst(%arg7 : memref<40x128xi32, #tpu.memory_space<vmem>>)
      tpu.yield
    }) : () -> ()
    "tpu.region"() ({
      %run_scoped3A = tpu.sem_alloc : memref<!tpu.dma_semaphore, #tpu.memory_space<semaphore_mem>>
      %dma_start3A_36 = arith.constant 0 : i32
      %dma_start3A_37 = tpu.memref_slice %arg4[%add3A_6, %dma_start3A_36] : memref<2560x128xi32, #tpu.memory_space<hbm>> -> memref<40x128xi32, #tpu.memory_space<hbm>>
      %dma_start3A_38 = arith.constant 0 : i32
      %dma_start3A_39 = tpu.memref_slice %arg4[%add3A_6, %dma_start3A_38] : memref<2560x128xi32, #tpu.memory_space<hbm>> -> memref<40x128xi32, #tpu.memory_space<hbm>>
      tpu.enqueue_dma source(%dma_start3A_39 : memref<40x128xi32, #tpu.memory_space<hbm>>) target(%arg8 : memref<40x128xi32, #tpu.memory_space<vmem>>) target_semaphore(%run_scoped3A : memref<!tpu.dma_semaphore, #tpu.memory_space<semaphore_mem>>)
      %dma_wait3A = arith.constant 0 : i32
      %dma_wait3A_40 = tpu.memref_slice %arg4[%add3A_6, %dma_wait3A] : memref<2560x128xi32, #tpu.memory_space<hbm>> -> memref<40x128xi32, #tpu.memory_space<hbm>>
      %dma_wait3A_41 = arith.constant 0 : i32
      %dma_wait3A_42 = tpu.memref_slice %arg4[%add3A_6, %dma_wait3A_41] : memref<2560x128xi32, #tpu.memory_space<hbm>> -> memref<40x128xi32, #tpu.memory_space<hbm>>
      tpu.wait_dma2 semaphore(%run_scoped3A : memref<!tpu.dma_semaphore, #tpu.memory_space<semaphore_mem>>) src(%dma_wait3A_42 : memref<40x128xi32, #tpu.memory_space<hbm>>) dst(%arg8 : memref<40x128xi32, #tpu.memory_space<vmem>>)
      tpu.yield
    }) : () -> ()
    %dma_start3A = arith.constant 0 : i32
    %dma_start3A_7 = arith.constant 0 : i32
    %dma_start3A_8 = tpu.memref_slice %arg7[%dma_start3A, %dma_start3A_7] : memref<40x128xi32, #tpu.memory_space<vmem>> -> memref<1x128xi32, #tpu.memory_space<vmem>>
    %dma_start3A_9 = tpu.memref_squeeze %dma_start3A_8 : memref<1x128xi32, #tpu.memory_space<vmem>> -> memref<128xi32, #tpu.memory_space<vmem>>
    %dma_start3A_10 = arith.constant 0 : i32
    %dma_start3A_11 = arith.constant 0 : i32
    %dma_start3A_12 = tpu.memref_slice %arg2[%dma_start3A_10, %dma_start3A_11] : memref<10000x128xf32, #tpu.memory_space<hbm>> -> memref<10000x128xf32, #tpu.memory_space<hbm>>
    tpu.enqueue_indirect_dma source(%dma_start3A_12 : memref<10000x128xf32, #tpu.memory_space<hbm>>) target(%arg9 : memref<128x128xf32, #tpu.memory_space<vmem>>) offsets(%dma_start3A_9 : memref<128xi32, #tpu.memory_space<vmem>>) semaphore(%arg12 : memref<!tpu.dma_semaphore, #tpu.memory_space<semaphore_mem>>)
    %scan3A = arith.constant 0 : i32
    %scan3A_13 = arith.constant 20 : i32
    %scan3A_14 = arith.addi %scan3A, %scan3A_13 : i32
    %scan3A_15 = arith.constant 1 : i32
    scf.for %scan3A_36 = %scan3A to %scan3A_14 step %scan3A_15  : i32 {
      %mul3A_37 = arith.constant 1 : i32
      %mul3A_38 = arith.muli %scan3A_36, %mul3A_37 : i32
      %add3A_39 = arith.constant 0 : i32
      %add3A_40 = arith.addi %add3A_39, %mul3A_38 : i32
      %mul3A_41 = arith.constant 2 : i32
      %mul3A_42 = arith.muli %add3A_40, %mul3A_41 : i32
      %add3A_43 = arith.constant 1 : i32
      %add3A_44 = arith.addi %mul3A_42, %add3A_43 : i32
      %dma_start3A_45 = arith.constant 0 : i32
      %dma_start3A_46 = tpu.memref_slice %arg7[%add3A_44, %dma_start3A_45] : memref<40x128xi32, #tpu.memory_space<vmem>> -> memref<1x128xi32, #tpu.memory_space<vmem>>
      %dma_start3A_47 = tpu.memref_squeeze %dma_start3A_46 : memref<1x128xi32, #tpu.memory_space<vmem>> -> memref<128xi32, #tpu.memory_space<vmem>>
      %dma_start3A_48 = arith.constant 0 : i32
      %dma_start3A_49 = arith.constant 0 : i32
      %dma_start3A_50 = tpu.memref_slice %arg2[%dma_start3A_48, %dma_start3A_49] : memref<10000x128xf32, #tpu.memory_space<hbm>> -> memref<10000x128xf32, #tpu.memory_space<hbm>>
      tpu.enqueue_indirect_dma source(%dma_start3A_50 : memref<10000x128xf32, #tpu.memory_space<hbm>>) target(%arg10 : memref<128x128xf32, #tpu.memory_space<vmem>>) offsets(%dma_start3A_47 : memref<128xi32, #tpu.memory_space<vmem>>) semaphore(%arg13 : memref<!tpu.dma_semaphore, #tpu.memory_space<semaphore_mem>>)
      %dma_wait3A = arith.constant 0 : i32
      %dma_wait3A_51 = arith.constant 0 : i32
      %dma_wait3A_52 = tpu.memref_slice %arg7[%dma_wait3A, %dma_wait3A_51] : memref<40x128xi32, #tpu.memory_space<vmem>> -> memref<1x128xi32, #tpu.memory_space<vmem>>
      %dma_wait3A_53 = tpu.memref_squeeze %dma_wait3A_52 : memref<1x128xi32, #tpu.memory_space<vmem>> -> memref<128xi32, #tpu.memory_space<vmem>>
      %dma_wait3A_54 = arith.constant 0 : i32
      %dma_wait3A_55 = arith.constant 0 : i32
      %dma_wait3A_56 = tpu.memref_slice %arg2[%dma_wait3A_54, %dma_wait3A_55] : memref<10000x128xf32, #tpu.memory_space<hbm>> -> memref<10000x128xf32, #tpu.memory_space<hbm>>
      tpu.wait_indirect_dma semaphore(%arg12 : memref<!tpu.dma_semaphore, #tpu.memory_space<semaphore_mem>>) src(%dma_wait3A_56 : memref<10000x128xf32, #tpu.memory_space<hbm>>) dst(%arg9 : memref<128x128xf32, #tpu.memory_space<vmem>>)
      "tpu.region"() ({
        %run_scoped3A = tpu.sem_alloc : memref<!tpu.dma_semaphore, #tpu.memory_space<semaphore_mem>>
        %dma_start3A_70 = arith.constant 0 : i32
        %dma_start3A_71 = tpu.memref_slice %arg8[%mul3A_42, %dma_start3A_70] : memref<40x128xi32, #tpu.memory_space<vmem>> -> memref<1x128xi32, #tpu.memory_space<vmem>>
        %dma_start3A_72 = tpu.memref_squeeze %dma_start3A_71 : memref<1x128xi32, #tpu.memory_space<vmem>> -> memref<128xi32, #tpu.memory_space<vmem>>
        %dma_start3A_73 = arith.constant 0 : i32
        %dma_start3A_74 = arith.constant 0 : i32
        %dma_start3A_75 = tpu.memref_slice %arg11[%dma_start3A_73, %dma_start3A_74] : memref<10240x128xf32, #tpu.memory_space<vmem_shared>> -> memref<10240x128xf32, #tpu.memory_space<vmem_shared>>
        tpu.enqueue_indirect_dma source(%arg9 : memref<128x128xf32, #tpu.memory_space<vmem>>) target(%dma_start3A_75 : memref<10240x128xf32, #tpu.memory_space<vmem_shared>>) offsets(%dma_start3A_72 : memref<128xi32, #tpu.memory_space<vmem>>) semaphore(%run_scoped3A : memref<!tpu.dma_semaphore, #tpu.memory_space<semaphore_mem>>) {add = true}
        %dma_wait3A_76 = arith.constant 0 : i32
        %dma_wait3A_77 = tpu.memref_slice %arg8[%mul3A_42, %dma_wait3A_76] : memref<40x128xi32, #tpu.memory_space<vmem>> -> memref<1x128xi32, #tpu.memory_space<vmem>>
        %dma_wait3A_78 = tpu.memref_squeeze %dma_wait3A_77 : memref<1x128xi32, #tpu.memory_space<vmem>> -> memref<128xi32, #tpu.memory_space<vmem>>
        %dma_wait3A_79 = arith.constant 0 : i32
        %dma_wait3A_80 = arith.constant 0 : i32
        %dma_wait3A_81 = tpu.memref_slice %arg11[%dma_wait3A_79, %dma_wait3A_80] : memref<10240x128xf32, #tpu.memory_space<vmem_shared>> -> memref<10240x128xf32, #tpu.memory_space<vmem_shared>>
        tpu.wait_indirect_dma semaphore(%run_scoped3A : memref<!tpu.dma_semaphore, #tpu.memory_space<semaphore_mem>>) src(%arg9 : memref<128x128xf32, #tpu.memory_space<vmem>>) dst(%dma_wait3A_81 : memref<10240x128xf32, #tpu.memory_space<vmem_shared>>)
        tpu.yield
      }) : () -> ()
      %add3A_57 = arith.constant 2 : i32
      %add3A_58 = arith.addi %mul3A_42, %add3A_57 : i32
      %lt3A = arith.constant 40 : i32
      %lt3A_59 = arith.cmpi slt, %add3A_58, %lt3A : i32
      %convert_element_type3A = arith.extui %lt3A_59 : i1 to i32
      %cond3A = arith.constant 0 : i32
      %cond3A_60 = arith.cmpi ne, %convert_element_type3A, %cond3A : i32
      scf.if %cond3A_60 {
        %add3A_70 = arith.constant 2 : i32
        %add3A_71 = arith.addi %mul3A_42, %add3A_70 : i32
        %dma_start3A_72 = arith.constant 0 : i32
        %dma_start3A_73 = tpu.memref_slice %arg7[%add3A_71, %dma_start3A_72] : memref<40x128xi32, #tpu.memory_space<vmem>> -> memref<1x128xi32, #tpu.memory_space<vmem>>
        %dma_start3A_74 = tpu.memref_squeeze %dma_start3A_73 : memref<1x128xi32, #tpu.memory_space<vmem>> -> memref<128xi32, #tpu.memory_space<vmem>>
        %dma_start3A_75 = arith.constant 0 : i32
        %dma_start3A_76 = arith.constant 0 : i32
        %dma_start3A_77 = tpu.memref_slice %arg2[%dma_start3A_75, %dma_start3A_76] : memref<10000x128xf32, #tpu.memory_space<hbm>> -> memref<10000x128xf32, #tpu.memory_space<hbm>>
        tpu.enqueue_indirect_dma source(%dma_start3A_77 : memref<10000x128xf32, #tpu.memory_space<hbm>>) target(%arg9 : memref<128x128xf32, #tpu.memory_space<vmem>>) offsets(%dma_start3A_74 : memref<128xi32, #tpu.memory_space<vmem>>) semaphore(%arg12 : memref<!tpu.dma_semaphore, #tpu.memory_space<semaphore_mem>>)
      } else {
      }
      %dma_wait3A_61 = arith.constant 0 : i32
      %dma_wait3A_62 = arith.constant 0 : i32
      %dma_wait3A_63 = tpu.memref_slice %arg7[%dma_wait3A_61, %dma_wait3A_62] : memref<40x128xi32, #tpu.memory_space<vmem>> -> memref<1x128xi32, #tpu.memory_space<vmem>>
      %dma_wait3A_64 = tpu.memref_squeeze %dma_wait3A_63 : memref<1x128xi32, #tpu.memory_space<vmem>> -> memref<128xi32, #tpu.memory_space<vmem>>
      %dma_wait3A_65 = arith.constant 0 : i32
      %dma_wait3A_66 = arith.constant 0 : i32
      %dma_wait3A_67 = tpu.memref_slice %arg2[%dma_wait3A_65, %dma_wait3A_66] : memref<10000x128xf32, #tpu.memory_space<hbm>> -> memref<10000x128xf32, #tpu.memory_space<hbm>>
      tpu.wait_indirect_dma semaphore(%arg13 : memref<!tpu.dma_semaphore, #tpu.memory_space<semaphore_mem>>) src(%dma_wait3A_67 : memref<10000x128xf32, #tpu.memory_space<hbm>>) dst(%arg10 : memref<128x128xf32, #tpu.memory_space<vmem>>)
      %add3A_68 = arith.constant 1 : i32
      %add3A_69 = arith.addi %mul3A_42, %add3A_68 : i32
      "tpu.region"() ({
        %run_scoped3A = tpu.sem_alloc : memref<!tpu.dma_semaphore, #tpu.memory_space<semaphore_mem>>
        %dma_start3A_70 = arith.constant 0 : i32
        %dma_start3A_71 = tpu.memref_slice %arg8[%add3A_69, %dma_start3A_70] : memref<40x128xi32, #tpu.memory_space<vmem>> -> memref<1x128xi32, #tpu.memory_space<vmem>>
        %dma_start3A_72 = tpu.memref_squeeze %dma_start3A_71 : memref<1x128xi32, #tpu.memory_space<vmem>> -> memref<128xi32, #tpu.memory_space<vmem>>
        %dma_start3A_73 = arith.constant 0 : i32
        %dma_start3A_74 = arith.constant 0 : i32
        %dma_start3A_75 = tpu.memref_slice %arg11[%dma_start3A_73, %dma_start3A_74] : memref<10240x128xf32, #tpu.memory_space<vmem_shared>> -> memref<10240x128xf32, #tpu.memory_space<vmem_shared>>
        tpu.enqueue_indirect_dma source(%arg10 : memref<128x128xf32, #tpu.memory_space<vmem>>) target(%dma_start3A_75 : memref<10240x128xf32, #tpu.memory_space<vmem_shared>>) offsets(%dma_start3A_72 : memref<128xi32, #tpu.memory_space<vmem>>) semaphore(%run_scoped3A : memref<!tpu.dma_semaphore, #tpu.memory_space<semaphore_mem>>) {add = true}
        %dma_wait3A_76 = arith.constant 0 : i32
        %dma_wait3A_77 = tpu.memref_slice %arg8[%add3A_69, %dma_wait3A_76] : memref<40x128xi32, #tpu.memory_space<vmem>> -> memref<1x128xi32, #tpu.memory_space<vmem>>
        %dma_wait3A_78 = tpu.memref_squeeze %dma_wait3A_77 : memref<1x128xi32, #tpu.memory_space<vmem>> -> memref<128xi32, #tpu.memory_space<vmem>>
        %dma_wait3A_79 = arith.constant 0 : i32
        %dma_wait3A_80 = arith.constant 0 : i32
        %dma_wait3A_81 = tpu.memref_slice %arg11[%dma_wait3A_79, %dma_wait3A_80] : memref<10240x128xf32, #tpu.memory_space<vmem_shared>> -> memref<10240x128xf32, #tpu.memory_space<vmem_shared>>
        tpu.wait_indirect_dma semaphore(%run_scoped3A : memref<!tpu.dma_semaphore, #tpu.memory_space<semaphore_mem>>) src(%arg10 : memref<128x128xf32, #tpu.memory_space<vmem>>) dst(%dma_wait3A_81 : memref<10240x128xf32, #tpu.memory_space<vmem_shared>>)
        tpu.yield
      }) : () -> ()
    }
    %scan3A_16 = arith.constant 20 : i32
    %add3A_17 = arith.constant 40 : i32
    %add3A_18 = arith.addi %mul3A_4, %add3A_17 : i32
    "tpu.region"() ({
      %run_scoped3A = tpu.sem_alloc : memref<!tpu.dma_semaphore, #tpu.memory_space<semaphore_mem>>
      %dma_start3A_36 = arith.constant 0 : i32
      %dma_start3A_37 = tpu.memref_slice %arg3[%add3A_18, %dma_start3A_36] : memref<2560x128xi32, #tpu.memory_space<hbm>> -> memref<40x128xi32, #tpu.memory_space<hbm>>
      %dma_start3A_38 = arith.constant 0 : i32
      %dma_start3A_39 = tpu.memref_slice %arg3[%add3A_18, %dma_start3A_38] : memref<2560x128xi32, #tpu.memory_space<hbm>> -> memref<40x128xi32, #tpu.memory_space<hbm>>
      tpu.enqueue_dma source(%dma_start3A_39 : memref<40x128xi32, #tpu.memory_space<hbm>>) target(%arg7 : memref<40x128xi32, #tpu.memory_space<vmem>>) target_semaphore(%run_scoped3A : memref<!tpu.dma_semaphore, #tpu.memory_space<semaphore_mem>>)
      %dma_wait3A = arith.constant 0 : i32
      %dma_wait3A_40 = tpu.memref_slice %arg3[%add3A_18, %dma_wait3A] : memref<2560x128xi32, #tpu.memory_space<hbm>> -> memref<40x128xi32, #tpu.memory_space<hbm>>
      %dma_wait3A_41 = arith.constant 0 : i32
      %dma_wait3A_42 = tpu.memref_slice %arg3[%add3A_18, %dma_wait3A_41] : memref<2560x128xi32, #tpu.memory_space<hbm>> -> memref<40x128xi32, #tpu.memory_space<hbm>>
      tpu.wait_dma2 semaphore(%run_scoped3A : memref<!tpu.dma_semaphore, #tpu.memory_space<semaphore_mem>>) src(%dma_wait3A_42 : memref<40x128xi32, #tpu.memory_space<hbm>>) dst(%arg7 : memref<40x128xi32, #tpu.memory_space<vmem>>)
      tpu.yield
    }) : () -> ()
    "tpu.region"() ({
      %run_scoped3A = tpu.sem_alloc : memref<!tpu.dma_semaphore, #tpu.memory_space<semaphore_mem>>
      %dma_start3A_36 = arith.constant 0 : i32
      %dma_start3A_37 = tpu.memref_slice %arg4[%add3A_18, %dma_start3A_36] : memref<2560x128xi32, #tpu.memory_space<hbm>> -> memref<40x128xi32, #tpu.memory_space<hbm>>
      %dma_start3A_38 = arith.constant 0 : i32
      %dma_start3A_39 = tpu.memref_slice %arg4[%add3A_18, %dma_start3A_38] : memref<2560x128xi32, #tpu.memory_space<hbm>> -> memref<40x128xi32, #tpu.memory_space<hbm>>
      tpu.enqueue_dma source(%dma_start3A_39 : memref<40x128xi32, #tpu.memory_space<hbm>>) target(%arg8 : memref<40x128xi32, #tpu.memory_space<vmem>>) target_semaphore(%run_scoped3A : memref<!tpu.dma_semaphore, #tpu.memory_space<semaphore_mem>>)
      %dma_wait3A = arith.constant 0 : i32
      %dma_wait3A_40 = tpu.memref_slice %arg4[%add3A_18, %dma_wait3A] : memref<2560x128xi32, #tpu.memory_space<hbm>> -> memref<40x128xi32, #tpu.memory_space<hbm>>
      %dma_wait3A_41 = arith.constant 0 : i32
      %dma_wait3A_42 = tpu.memref_slice %arg4[%add3A_18, %dma_wait3A_41] : memref<2560x128xi32, #tpu.memory_space<hbm>> -> memref<40x128xi32, #tpu.memory_space<hbm>>
      tpu.wait_dma2 semaphore(%run_scoped3A : memref<!tpu.dma_semaphore, #tpu.memory_space<semaphore_mem>>) src(%dma_wait3A_42 : memref<40x128xi32, #tpu.memory_space<hbm>>) dst(%arg8 : memref<40x128xi32, #tpu.memory_space<vmem>>)
      tpu.yield
    }) : () -> ()
    %dma_start3A_19 = arith.constant 0 : i32
    %dma_start3A_20 = arith.constant 0 : i32
    %dma_start3A_21 = tpu.memref_slice %arg7[%dma_start3A_19, %dma_start3A_20] : memref<40x128xi32, #tpu.memory_space<vmem>> -> memref<1x128xi32, #tpu.memory_space<vmem>>
    %dma_start3A_22 = tpu.memref_squeeze %dma_start3A_21 : memref<1x128xi32, #tpu.memory_space<vmem>> -> memref<128xi32, #tpu.memory_space<vmem>>
    %dma_start3A_23 = arith.constant 0 : i32
    %dma_start3A_24 = arith.constant 0 : i32
    %dma_start3A_25 = tpu.memref_slice %arg2[%dma_start3A_23, %dma_start3A_24] : memref<10000x128xf32, #tpu.memory_space<hbm>> -> memref<10000x128xf32, #tpu.memory_space<hbm>>
    tpu.enqueue_indirect_dma source(%dma_start3A_25 : memref<10000x128xf32, #tpu.memory_space<hbm>>) target(%arg9 : memref<128x128xf32, #tpu.memory_space<vmem>>) offsets(%dma_start3A_22 : memref<128xi32, #tpu.memory_space<vmem>>) semaphore(%arg12 : memref<!tpu.dma_semaphore, #tpu.memory_space<semaphore_mem>>)
    %scan3A_26 = arith.constant 0 : i32
    %scan3A_27 = arith.constant 20 : i32
    %scan3A_28 = arith.addi %scan3A_26, %scan3A_27 : i32
    %scan3A_29 = arith.constant 1 : i32
    scf.for %scan3A_36 = %scan3A_26 to %scan3A_28 step %scan3A_29  : i32 {
      %mul3A_37 = arith.constant 1 : i32
      %mul3A_38 = arith.muli %scan3A_36, %mul3A_37 : i32
      %add3A_39 = arith.constant 0 : i32
      %add3A_40 = arith.addi %add3A_39, %mul3A_38 : i32
      %mul3A_41 = arith.constant 2 : i32
      %mul3A_42 = arith.muli %add3A_40, %mul3A_41 : i32
      %add3A_43 = arith.constant 1 : i32
      %add3A_44 = arith.addi %mul3A_42, %add3A_43 : i32
      %dma_start3A_45 = arith.constant 0 : i32
      %dma_start3A_46 = tpu.memref_slice %arg7[%add3A_44, %dma_start3A_45] : memref<40x128xi32, #tpu.memory_space<vmem>> -> memref<1x128xi32, #tpu.memory_space<vmem>>
      %dma_start3A_47 = tpu.memref_squeeze %dma_start3A_46 : memref<1x128xi32, #tpu.memory_space<vmem>> -> memref<128xi32, #tpu.memory_space<vmem>>
      %dma_start3A_48 = arith.constant 0 : i32
      %dma_start3A_49 = arith.constant 0 : i32
      %dma_start3A_50 = tpu.memref_slice %arg2[%dma_start3A_48, %dma_start3A_49] : memref<10000x128xf32, #tpu.memory_space<hbm>> -> memref<10000x128xf32, #tpu.memory_space<hbm>>
      tpu.enqueue_indirect_dma source(%dma_start3A_50 : memref<10000x128xf32, #tpu.memory_space<hbm>>) target(%arg10 : memref<128x128xf32, #tpu.memory_space<vmem>>) offsets(%dma_start3A_47 : memref<128xi32, #tpu.memory_space<vmem>>) semaphore(%arg13 : memref<!tpu.dma_semaphore, #tpu.memory_space<semaphore_mem>>)
      %dma_wait3A = arith.constant 0 : i32
      %dma_wait3A_51 = arith.constant 0 : i32
      %dma_wait3A_52 = tpu.memref_slice %arg7[%dma_wait3A, %dma_wait3A_51] : memref<40x128xi32, #tpu.memory_space<vmem>> -> memref<1x128xi32, #tpu.memory_space<vmem>>
      %dma_wait3A_53 = tpu.memref_squeeze %dma_wait3A_52 : memref<1x128xi32, #tpu.memory_space<vmem>> -> memref<128xi32, #tpu.memory_space<vmem>>
      %dma_wait3A_54 = arith.constant 0 : i32
      %dma_wait3A_55 = arith.constant 0 : i32
      %dma_wait3A_56 = tpu.memref_slice %arg2[%dma_wait3A_54, %dma_wait3A_55] : memref<10000x128xf32, #tpu.memory_space<hbm>> -> memref<10000x128xf32, #tpu.memory_space<hbm>>
      tpu.wait_indirect_dma semaphore(%arg12 : memref<!tpu.dma_semaphore, #tpu.memory_space<semaphore_mem>>) src(%dma_wait3A_56 : memref<10000x128xf32, #tpu.memory_space<hbm>>) dst(%arg9 : memref<128x128xf32, #tpu.memory_space<vmem>>)
      "tpu.region"() ({
        %run_scoped3A = tpu.sem_alloc : memref<!tpu.dma_semaphore, #tpu.memory_space<semaphore_mem>>
        %dma_start3A_70 = arith.constant 0 : i32
        %dma_start3A_71 = tpu.memref_slice %arg8[%mul3A_42, %dma_start3A_70] : memref<40x128xi32, #tpu.memory_space<vmem>> -> memref<1x128xi32, #tpu.memory_space<vmem>>
        %dma_start3A_72 = tpu.memref_squeeze %dma_start3A_71 : memref<1x128xi32, #tpu.memory_space<vmem>> -> memref<128xi32, #tpu.memory_space<vmem>>
        %dma_start3A_73 = arith.constant 0 : i32
        %dma_start3A_74 = arith.constant 0 : i32
        %dma_start3A_75 = tpu.memref_slice %arg11[%dma_start3A_73, %dma_start3A_74] : memref<10240x128xf32, #tpu.memory_space<vmem_shared>> -> memref<10240x128xf32, #tpu.memory_space<vmem_shared>>
        tpu.enqueue_indirect_dma source(%arg9 : memref<128x128xf32, #tpu.memory_space<vmem>>) target(%dma_start3A_75 : memref<10240x128xf32, #tpu.memory_space<vmem_shared>>) offsets(%dma_start3A_72 : memref<128xi32, #tpu.memory_space<vmem>>) semaphore(%run_scoped3A : memref<!tpu.dma_semaphore, #tpu.memory_space<semaphore_mem>>) {add = true}
        %dma_wait3A_76 = arith.constant 0 : i32
        %dma_wait3A_77 = tpu.memref_slice %arg8[%mul3A_42, %dma_wait3A_76] : memref<40x128xi32, #tpu.memory_space<vmem>> -> memref<1x128xi32, #tpu.memory_space<vmem>>
        %dma_wait3A_78 = tpu.memref_squeeze %dma_wait3A_77 : memref<1x128xi32, #tpu.memory_space<vmem>> -> memref<128xi32, #tpu.memory_space<vmem>>
        %dma_wait3A_79 = arith.constant 0 : i32
        %dma_wait3A_80 = arith.constant 0 : i32
        %dma_wait3A_81 = tpu.memref_slice %arg11[%dma_wait3A_79, %dma_wait3A_80] : memref<10240x128xf32, #tpu.memory_space<vmem_shared>> -> memref<10240x128xf32, #tpu.memory_space<vmem_shared>>
        tpu.wait_indirect_dma semaphore(%run_scoped3A : memref<!tpu.dma_semaphore, #tpu.memory_space<semaphore_mem>>) src(%arg9 : memref<128x128xf32, #tpu.memory_space<vmem>>) dst(%dma_wait3A_81 : memref<10240x128xf32, #tpu.memory_space<vmem_shared>>)
        tpu.yield
      }) : () -> ()
      %add3A_57 = arith.constant 2 : i32
      %add3A_58 = arith.addi %mul3A_42, %add3A_57 : i32
      %lt3A = arith.constant 40 : i32
      %lt3A_59 = arith.cmpi slt, %add3A_58, %lt3A : i32
      %convert_element_type3A = arith.extui %lt3A_59 : i1 to i32
      %cond3A = arith.constant 0 : i32
      %cond3A_60 = arith.cmpi ne, %convert_element_type3A, %cond3A : i32
      scf.if %cond3A_60 {
        %add3A_70 = arith.constant 2 : i32
        %add3A_71 = arith.addi %mul3A_42, %add3A_70 : i32
        %dma_start3A_72 = arith.constant 0 : i32
        %dma_start3A_73 = tpu.memref_slice %arg7[%add3A_71, %dma_start3A_72] : memref<40x128xi32, #tpu.memory_space<vmem>> -> memref<1x128xi32, #tpu.memory_space<vmem>>
        %dma_start3A_74 = tpu.memref_squeeze %dma_start3A_73 : memref<1x128xi32, #tpu.memory_space<vmem>> -> memref<128xi32, #tpu.memory_space<vmem>>
        %dma_start3A_75 = arith.constant 0 : i32
        %dma_start3A_76 = arith.constant 0 : i32
        %dma_start3A_77 = tpu.memref_slice %arg2[%dma_start3A_75, %dma_start3A_76] : memref<10000x128xf32, #tpu.memory_space<hbm>> -> memref<10000x128xf32, #tpu.memory_space<hbm>>
        tpu.enqueue_indirect_dma source(%dma_start3A_77 : memref<10000x128xf32, #tpu.memory_space<hbm>>) target(%arg9 : memref<128x128xf32, #tpu.memory_space<vmem>>) offsets(%dma_start3A_74 : memref<128xi32, #tpu.memory_space<vmem>>) semaphore(%arg12 : memref<!tpu.dma_semaphore, #tpu.memory_space<semaphore_mem>>)
      } else {
      }
      %dma_wait3A_61 = arith.constant 0 : i32
      %dma_wait3A_62 = arith.constant 0 : i32
      %dma_wait3A_63 = tpu.memref_slice %arg7[%dma_wait3A_61, %dma_wait3A_62] : memref<40x128xi32, #tpu.memory_space<vmem>> -> memref<1x128xi32, #tpu.memory_space<vmem>>
      %dma_wait3A_64 = tpu.memref_squeeze %dma_wait3A_63 : memref<1x128xi32, #tpu.memory_space<vmem>> -> memref<128xi32, #tpu.memory_space<vmem>>
      %dma_wait3A_65 = arith.constant 0 : i32
      %dma_wait3A_66 = arith.constant 0 : i32
      %dma_wait3A_67 = tpu.memref_slice %arg2[%dma_wait3A_65, %dma_wait3A_66] : memref<10000x128xf32, #tpu.memory_space<hbm>> -> memref<10000x128xf32, #tpu.memory_space<hbm>>
      tpu.wait_indirect_dma semaphore(%arg13 : memref<!tpu.dma_semaphore, #tpu.memory_space<semaphore_mem>>) src(%dma_wait3A_67 : memref<10000x128xf32, #tpu.memory_space<hbm>>) dst(%arg10 : memref<128x128xf32, #tpu.memory_space<vmem>>)
      %add3A_68 = arith.constant 1 : i32
      %add3A_69 = arith.addi %mul3A_42, %add3A_68 : i32
      "tpu.region"() ({
        %run_scoped3A = tpu.sem_alloc : memref<!tpu.dma_semaphore, #tpu.memory_space<semaphore_mem>>
        %dma_start3A_70 = arith.constant 0 : i32
        %dma_start3A_71 = tpu.memref_slice %arg8[%add3A_69, %dma_start3A_70] : memref<40x128xi32, #tpu.memory_space<vmem>> -> memref<1x128xi32, #tpu.memory_space<vmem>>
        %dma_start3A_72 = tpu.memref_squeeze %dma_start3A_71 : memref<1x128xi32, #tpu.memory_space<vmem>> -> memref<128xi32, #tpu.memory_space<vmem>>
        %dma_start3A_73 = arith.constant 0 : i32
        %dma_start3A_74 = arith.constant 0 : i32
        %dma_start3A_75 = tpu.memref_slice %arg11[%dma_start3A_73, %dma_start3A_74] : memref<10240x128xf32, #tpu.memory_space<vmem_shared>> -> memref<10240x128xf32, #tpu.memory_space<vmem_shared>>
        tpu.enqueue_indirect_dma source(%arg10 : memref<128x128xf32, #tpu.memory_space<vmem>>) target(%dma_start3A_75 : memref<10240x128xf32, #tpu.memory_space<vmem_shared>>) offsets(%dma_start3A_72 : memref<128xi32, #tpu.memory_space<vmem>>) semaphore(%run_scoped3A : memref<!tpu.dma_semaphore, #tpu.memory_space<semaphore_mem>>) {add = true}
        %dma_wait3A_76 = arith.constant 0 : i32
        %dma_wait3A_77 = tpu.memref_slice %arg8[%add3A_69, %dma_wait3A_76] : memref<40x128xi32, #tpu.memory_space<vmem>> -> memref<1x128xi32, #tpu.memory_space<vmem>>
        %dma_wait3A_78 = tpu.memref_squeeze %dma_wait3A_77 : memref<1x128xi32, #tpu.memory_space<vmem>> -> memref<128xi32, #tpu.memory_space<vmem>>
        %dma_wait3A_79 = arith.constant 0 : i32
        %dma_wait3A_80 = arith.constant 0 : i32
        %dma_wait3A_81 = tpu.memref_slice %arg11[%dma_wait3A_79, %dma_wait3A_80] : memref<10240x128xf32, #tpu.memory_space<vmem_shared>> -> memref<10240x128xf32, #tpu.memory_space<vmem_shared>>
        tpu.wait_indirect_dma semaphore(%run_scoped3A : memref<!tpu.dma_semaphore, #tpu.memory_space<semaphore_mem>>) src(%arg10 : memref<128x128xf32, #tpu.memory_space<vmem>>) dst(%dma_wait3A_81 : memref<10240x128xf32, #tpu.memory_space<vmem_shared>>)
        tpu.yield
      }) : () -> ()
    }
    %scan3A_30 = arith.constant 20 : i32
    %barrier3A_31 = arith.constant 0 : index
    tpu.barrier barrier_id(%barrier3A_31)
    %mul3A_32 = arith.constant 640 : i32
    %mul3A_33 = arith.muli %arg1, %mul3A_32 : i32
    %mul3A_34 = arith.constant 640 : i32
    %mul3A_35 = arith.muli %arg1, %mul3A_34 : i32
    "tpu.region"() ({
      %run_scoped3A = tpu.sem_alloc : memref<!tpu.dma_semaphore, #tpu.memory_space<semaphore_mem>>
      %dma_start3A_36 = arith.constant 0 : i32
      %dma_start3A_37 = tpu.memref_slice %arg6[%arg0, %mul3A_35, %dma_start3A_36] : memref<2x10240x128xf32, #tpu.memory_space<hbm>> -> memref<1x640x128xf32, #tpu.memory_space<hbm>>
      %dma_start3A_38 = tpu.memref_squeeze %dma_start3A_37 : memref<1x640x128xf32, #tpu.memory_space<hbm>> -> memref<640x128xf32, #tpu.memory_space<hbm>>
      %dma_start3A_39 = arith.constant 0 : i32
      %dma_start3A_40 = tpu.memref_slice %arg11[%mul3A_33, %dma_start3A_39] : memref<10240x128xf32, #tpu.memory_space<vmem_shared>> -> memref<640x128xf32, #tpu.memory_space<vmem_shared>>
      tpu.enqueue_dma source(%dma_start3A_40 : memref<640x128xf32, #tpu.memory_space<vmem_shared>>) target(%dma_start3A_38 : memref<640x128xf32, #tpu.memory_space<hbm>>) target_semaphore(%run_scoped3A : memref<!tpu.dma_semaphore, #tpu.memory_space<semaphore_mem>>)
      %dma_wait3A = arith.constant 0 : i32
      %dma_wait3A_41 = tpu.memref_slice %arg6[%arg0, %mul3A_35, %dma_wait3A] : memref<2x10240x128xf32, #tpu.memory_space<hbm>> -> memref<1x640x128xf32, #tpu.memory_space<hbm>>
      %dma_wait3A_42 = tpu.memref_squeeze %dma_wait3A_41 : memref<1x640x128xf32, #tpu.memory_space<hbm>> -> memref<640x128xf32, #tpu.memory_space<hbm>>
      %dma_wait3A_43 = arith.constant 0 : i32
      %dma_wait3A_44 = tpu.memref_slice %arg11[%mul3A_33, %dma_wait3A_43] : memref<10240x128xf32, #tpu.memory_space<vmem_shared>> -> memref<640x128xf32, #tpu.memory_space<vmem_shared>>
      tpu.wait_dma2 semaphore(%run_scoped3A : memref<!tpu.dma_semaphore, #tpu.memory_space<semaphore_mem>>) src(%dma_wait3A_44 : memref<640x128xf32, #tpu.memory_space<vmem_shared>>) dst(%dma_wait3A_42 : memref<640x128xf32, #tpu.memory_space<hbm>>)
      tpu.yield
    }) : () -> ()
    return
  }
}

module attributes {stable_mosaic.version = 14 : i64} {
  func.func @_mid_body(%arg0: i32, %arg1: memref<1x1xf32, #tpu.memory_space<vmem>>, %arg2: memref<2000x128xf32, #tpu.memory_space<vmem>>, %arg3: memref<2x2000x128xf32, #tpu.memory_space<vmem>>, %arg4: memref<1152x128xf32, #tpu.memory_space<vmem>>, %arg5: memref<1152x128xf32, #tpu.memory_space<vmem>>, %arg6: memref<2000x128xf32, #tpu.memory_space<vmem>>) attributes {dimension_semantics = [#tpu.dimension_semantics<arbitrary>], iteration_bounds = array<i64: 5>, scalar_prefetch = 0 : i64, scratch_operands = 0 : i64, tpu.core_type = #tpu.core_type<tc>, window_params = [{pipeline_mode = #tpu.pipeline_mode<synchronous>, transform_indices = @transform_0, window_bounds = array<i64: 1, 1>}, {transform_indices = @transform_1, window_bounds = array<i64: 2000, 128>}, {transform_indices = @transform_2, window_bounds = array<i64: 2, 2000, 128>}, {pipeline_mode = #tpu.pipeline_mode<synchronous>, transform_indices = @transform_3, window_bounds = array<i64: 1152, 128>}, {pipeline_mode = #tpu.pipeline_mode<synchronous>, transform_indices = @transform_4, window_bounds = array<i64: 1152, 128>}, {transform_indices = @transform_5, window_bounds = array<i64: 2000, 128>}]} {
    %get3A = arith.constant 0 : index
    %get3A_0 = arith.constant 0 : index
    %get3A_1 = vector.load %arg1[%get3A, %get3A_0] : memref<1x1xf32, #tpu.memory_space<vmem>>, vector<1x1xf32>
    %get3A_2 = vector.extract %get3A_1[0, 0] : f32 from vector<1x1xf32>
    %add3A = arith.constant 1.000000e+00 : f32
    %add3A_3 = arith.addf %add3A, %get3A_2 : f32
    %get3A_4 = arith.constant 0 : index
    %get3A_5 = arith.constant 0 : index
    %get3A_6 = vector.load %arg2[%get3A_4, %get3A_5] : memref<2000x128xf32, #tpu.memory_space<vmem>>, vector<2000x128xf32>
    %mul3A = vector.broadcast %add3A_3 : f32 to vector<2000x128xf32>
    %mul3A_7 = arith.mulf %mul3A, %get3A_6 : vector<2000x128xf32>
    %get3A_8 = arith.constant 0 : index
    %get3A_9 = arith.constant 0 : index
    %get3A_10 = arith.constant 0 : index
    %get3A_11 = vector.load %arg3[%get3A_8, %get3A_9, %get3A_10] : memref<2x2000x128xf32, #tpu.memory_space<vmem>>, vector<1x2000x128xf32>
    %get3A_12 = vector.shape_cast %get3A_11 : vector<1x2000x128xf32> to vector<2000x128xf32>
    %add3A_13 = arith.addf %mul3A_7, %get3A_12 : vector<2000x128xf32>
    %get3A_14 = arith.constant 1 : index
    %get3A_15 = arith.constant 0 : index
    %get3A_16 = arith.constant 0 : index
    %get3A_17 = vector.load %arg3[%get3A_14, %get3A_15, %get3A_16] : memref<2x2000x128xf32, #tpu.memory_space<vmem>>, vector<1x2000x128xf32>
    %get3A_18 = vector.shape_cast %get3A_17 : vector<1x2000x128xf32> to vector<2000x128xf32>
    %add3A_19 = arith.addf %add3A_13, %get3A_18 : vector<2000x128xf32>
    %neg3A = arith.constant 0.000000e+00 : f32
    %neg3A_20 = vector.broadcast %neg3A : f32 to vector<2000x128xf32>
    %neg3A_21 = arith.subf %neg3A_20, %add3A_19 : vector<2000x128xf32>
    %exp3A = math.exp %neg3A_21 : vector<2000x128xf32>
    %add3A_22 = arith.constant 1.000000e+00 : f32
    %add3A_23 = vector.broadcast %add3A_22 : f32 to vector<2000x128xf32>
    %add3A_24 = arith.addf %add3A_23, %exp3A : vector<2000x128xf32>
    %div3A = arith.constant 1.000000e+00 : f32
    %div3A_25 = vector.broadcast %div3A : f32 to vector<2000x128xf32>
    %div3A_26 = arith.divf %div3A_25, %add3A_24 : vector<2000x128xf32>
    %sub3A = arith.constant -2.200000e+00 : f32
    %sub3A_27 = vector.broadcast %sub3A : f32 to vector<2000x128xf32>
    %sub3A_28 = arith.subf %add3A_19, %sub3A_27 : vector<2000x128xf32>
    %mul3A_29 = arith.constant 2.49999952 : f32
    %mul3A_30 = vector.broadcast %mul3A_29 : f32 to vector<2000x128xf32>
    %mul3A_31 = arith.mulf %sub3A_28, %mul3A_30 : vector<2000x128xf32>
    %floor3A = math.floor %mul3A_31 : vector<2000x128xf32>
    %sub3A_32 = arith.subf %mul3A_31, %floor3A : vector<2000x128xf32>
    %mul3A_33 = arith.mulf %sub3A_32, %sub3A_32 : vector<2000x128xf32>
    %mul3A_34 = arith.mulf %mul3A_33, %sub3A_32 : vector<2000x128xf32>
    %sub3A_35 = arith.constant 1.000000e+00 : f32
    %sub3A_36 = vector.broadcast %sub3A_35 : f32 to vector<2000x128xf32>
    %sub3A_37 = arith.subf %sub3A_36, %sub3A_32 : vector<2000x128xf32>
    %mul3A_38 = arith.constant 0.166666672 : f32
    %mul3A_39 = vector.broadcast %mul3A_38 : f32 to vector<2000x128xf32>
    %mul3A_40 = arith.mulf %mul3A_34, %mul3A_39 : vector<2000x128xf32>
    %add3A_41 = arith.addf %sub3A_32, %mul3A_33 : vector<2000x128xf32>
    %sub3A_42 = arith.subf %add3A_41, %mul3A_34 : vector<2000x128xf32>
    %mul3A_43 = arith.constant 5.000000e-01 : f32
    %mul3A_44 = vector.broadcast %mul3A_43 : f32 to vector<2000x128xf32>
    %mul3A_45 = arith.mulf %mul3A_44, %sub3A_42 : vector<2000x128xf32>
    %add3A_46 = arith.constant 0.166666672 : f32
    %add3A_47 = vector.broadcast %add3A_46 : f32 to vector<2000x128xf32>
    %add3A_48 = arith.addf %add3A_47, %mul3A_45 : vector<2000x128xf32>
    %sub3A_49 = arith.constant 0.666666686 : f32
    %sub3A_50 = vector.broadcast %sub3A_49 : f32 to vector<2000x128xf32>
    %sub3A_51 = arith.subf %sub3A_50, %mul3A_33 : vector<2000x128xf32>
    %mul3A_52 = arith.constant 5.000000e-01 : f32
    %mul3A_53 = vector.broadcast %mul3A_52 : f32 to vector<2000x128xf32>
    %mul3A_54 = arith.mulf %mul3A_53, %mul3A_34 : vector<2000x128xf32>
    %add3A_55 = arith.addf %sub3A_51, %mul3A_54 : vector<2000x128xf32>
    %mul3A_56 = arith.mulf %sub3A_37, %sub3A_37 : vector<2000x128xf32>
    %mul3A_57 = arith.mulf %mul3A_56, %sub3A_37 : vector<2000x128xf32>
    %mul3A_58 = arith.constant 0.166666672 : f32
    %mul3A_59 = vector.broadcast %mul3A_58 : f32 to vector<2000x128xf32>
    %mul3A_60 = arith.mulf %mul3A_57, %mul3A_59 : vector<2000x128xf32>
    %eq3A = arith.constant 0.000000e+00 : f32
    %eq3A_61 = vector.broadcast %eq3A : f32 to vector<2000x128xf32>
    %eq3A_62 = arith.cmpf oeq, %floor3A, %eq3A_61 : vector<2000x128xf32>
    %eq3A_63 = arith.constant 1.000000e+00 : f32
    %eq3A_64 = vector.broadcast %eq3A_63 : f32 to vector<2000x128xf32>
    %eq3A_65 = arith.cmpf oeq, %floor3A, %eq3A_64 : vector<2000x128xf32>
    %eq3A_66 = arith.constant 2.000000e+00 : f32
    %eq3A_67 = vector.broadcast %eq3A_66 : f32 to vector<2000x128xf32>
    %eq3A_68 = arith.cmpf oeq, %floor3A, %eq3A_67 : vector<2000x128xf32>
    %eq3A_69 = arith.constant 3.000000e+00 : f32
    %eq3A_70 = vector.broadcast %eq3A_69 : f32 to vector<2000x128xf32>
    %eq3A_71 = arith.cmpf oeq, %floor3A, %eq3A_70 : vector<2000x128xf32>
    %eq3A_72 = arith.constant 4.000000e+00 : f32
    %eq3A_73 = vector.broadcast %eq3A_72 : f32 to vector<2000x128xf32>
    %eq3A_74 = arith.cmpf oeq, %floor3A, %eq3A_73 : vector<2000x128xf32>
    %eq3A_75 = arith.constant 5.000000e+00 : f32
    %eq3A_76 = vector.broadcast %eq3A_75 : f32 to vector<2000x128xf32>
    %eq3A_77 = arith.cmpf oeq, %floor3A, %eq3A_76 : vector<2000x128xf32>
    %eq3A_78 = arith.constant 6.000000e+00 : f32
    %eq3A_79 = vector.broadcast %eq3A_78 : f32 to vector<2000x128xf32>
    %eq3A_80 = arith.cmpf oeq, %floor3A, %eq3A_79 : vector<2000x128xf32>
    %eq3A_81 = arith.constant 7.000000e+00 : f32
    %eq3A_82 = vector.broadcast %eq3A_81 : f32 to vector<2000x128xf32>
    %eq3A_83 = arith.cmpf oeq, %floor3A, %eq3A_82 : vector<2000x128xf32>
    %eq3A_84 = arith.constant 8.000000e+00 : f32
    %eq3A_85 = vector.broadcast %eq3A_84 : f32 to vector<2000x128xf32>
    %eq3A_86 = arith.cmpf oeq, %floor3A, %eq3A_85 : vector<2000x128xf32>
    %eq3A_87 = arith.constant 9.000000e+00 : f32
    %eq3A_88 = vector.broadcast %eq3A_87 : f32 to vector<2000x128xf32>
    %eq3A_89 = arith.cmpf oeq, %floor3A, %eq3A_88 : vector<2000x128xf32>
    %eq3A_90 = arith.constant 1.000000e+01 : f32
    %eq3A_91 = vector.broadcast %eq3A_90 : f32 to vector<2000x128xf32>
    %eq3A_92 = arith.cmpf oeq, %floor3A, %eq3A_91 : vector<2000x128xf32>
    %broadcast_in_dim3A = arith.constant 0.000000e+00 : f32
    %broadcast_in_dim3A_93 = vector.broadcast %broadcast_in_dim3A : f32 to vector<2000x128xf32>
    %select_n3A = arith.select %eq3A_62, %mul3A_40, %broadcast_in_dim3A_93 : vector<2000x128xi1>, vector<2000x128xf32>
    %select_n3A_94 = arith.select %eq3A_65, %add3A_48, %select_n3A : vector<2000x128xi1>, vector<2000x128xf32>
    %select_n3A_95 = arith.select %eq3A_68, %add3A_55, %select_n3A_94 : vector<2000x128xi1>, vector<2000x128xf32>
    %select_n3A_96 = arith.select %eq3A_71, %mul3A_60, %select_n3A_95 : vector<2000x128xi1>, vector<2000x128xf32>
    %select_n3A_97 = arith.select %eq3A_65, %mul3A_40, %broadcast_in_dim3A_93 : vector<2000x128xi1>, vector<2000x128xf32>
    %select_n3A_98 = arith.select %eq3A_68, %add3A_48, %select_n3A_97 : vector<2000x128xi1>, vector<2000x128xf32>
    %select_n3A_99 = arith.select %eq3A_71, %add3A_55, %select_n3A_98 : vector<2000x128xi1>, vector<2000x128xf32>
    %select_n3A_100 = arith.select %eq3A_74, %mul3A_60, %select_n3A_99 : vector<2000x128xi1>, vector<2000x128xf32>
    %select_n3A_101 = arith.select %eq3A_68, %mul3A_40, %broadcast_in_dim3A_93 : vector<2000x128xi1>, vector<2000x128xf32>
    %select_n3A_102 = arith.select %eq3A_71, %add3A_48, %select_n3A_101 : vector<2000x128xi1>, vector<2000x128xf32>
    %select_n3A_103 = arith.select %eq3A_74, %add3A_55, %select_n3A_102 : vector<2000x128xi1>, vector<2000x128xf32>
    %select_n3A_104 = arith.select %eq3A_77, %mul3A_60, %select_n3A_103 : vector<2000x128xi1>, vector<2000x128xf32>
    %select_n3A_105 = arith.select %eq3A_71, %mul3A_40, %broadcast_in_dim3A_93 : vector<2000x128xi1>, vector<2000x128xf32>
    %select_n3A_106 = arith.select %eq3A_74, %add3A_48, %select_n3A_105 : vector<2000x128xi1>, vector<2000x128xf32>
    %select_n3A_107 = arith.select %eq3A_77, %add3A_55, %select_n3A_106 : vector<2000x128xi1>, vector<2000x128xf32>
    %select_n3A_108 = arith.select %eq3A_80, %mul3A_60, %select_n3A_107 : vector<2000x128xi1>, vector<2000x128xf32>
    %select_n3A_109 = arith.select %eq3A_74, %mul3A_40, %broadcast_in_dim3A_93 : vector<2000x128xi1>, vector<2000x128xf32>
    %select_n3A_110 = arith.select %eq3A_77, %add3A_48, %select_n3A_109 : vector<2000x128xi1>, vector<2000x128xf32>
    %select_n3A_111 = arith.select %eq3A_80, %add3A_55, %select_n3A_110 : vector<2000x128xi1>, vector<2000x128xf32>
    %select_n3A_112 = arith.select %eq3A_83, %mul3A_60, %select_n3A_111 : vector<2000x128xi1>, vector<2000x128xf32>
    %select_n3A_113 = arith.select %eq3A_77, %mul3A_40, %broadcast_in_dim3A_93 : vector<2000x128xi1>, vector<2000x128xf32>
    %select_n3A_114 = arith.select %eq3A_80, %add3A_48, %select_n3A_113 : vector<2000x128xi1>, vector<2000x128xf32>
    %select_n3A_115 = arith.select %eq3A_83, %add3A_55, %select_n3A_114 : vector<2000x128xi1>, vector<2000x128xf32>
    %select_n3A_116 = arith.select %eq3A_86, %mul3A_60, %select_n3A_115 : vector<2000x128xi1>, vector<2000x128xf32>
    %select_n3A_117 = arith.select %eq3A_80, %mul3A_40, %broadcast_in_dim3A_93 : vector<2000x128xi1>, vector<2000x128xf32>
    %select_n3A_118 = arith.select %eq3A_83, %add3A_48, %select_n3A_117 : vector<2000x128xi1>, vector<2000x128xf32>
    %select_n3A_119 = arith.select %eq3A_86, %add3A_55, %select_n3A_118 : vector<2000x128xi1>, vector<2000x128xf32>
    %select_n3A_120 = arith.select %eq3A_89, %mul3A_60, %select_n3A_119 : vector<2000x128xi1>, vector<2000x128xf32>
    %select_n3A_121 = arith.select %eq3A_83, %mul3A_40, %broadcast_in_dim3A_93 : vector<2000x128xi1>, vector<2000x128xf32>
    %select_n3A_122 = arith.select %eq3A_86, %add3A_48, %select_n3A_121 : vector<2000x128xi1>, vector<2000x128xf32>
    %select_n3A_123 = arith.select %eq3A_89, %add3A_55, %select_n3A_122 : vector<2000x128xi1>, vector<2000x128xf32>
    %select_n3A_124 = arith.select %eq3A_92, %mul3A_60, %select_n3A_123 : vector<2000x128xi1>, vector<2000x128xf32>
    %mul3A_125 = arith.mulf %add3A_19, %div3A_26 : vector<2000x128xf32>
    %concatenate3A = tpu.concatenate %mul3A_125, %select_n3A_96, %select_n3A_100, %select_n3A_104, %select_n3A_108, %select_n3A_112, %select_n3A_116, %select_n3A_120, %select_n3A_124 in 1 : vector<2000x128xf32>, vector<2000x128xf32>, vector<2000x128xf32>, vector<2000x128xf32>, vector<2000x128xf32>, vector<2000x128xf32>, vector<2000x128xf32>, vector<2000x128xf32>, vector<2000x128xf32> -> vector<2000x1152xf32>
    %get3A_126 = arith.constant 0 : index
    %get3A_127 = arith.constant 0 : index
    %get3A_128 = vector.load %arg4[%get3A_126, %get3A_127] : memref<1152x128xf32, #tpu.memory_space<vmem>>, vector<1152x128xf32>
    %dot_general3A = arith.constant dense<0.000000e+00> : vector<2000x128xf32>
    %dot_general3A_129 = tpu.matmul %concatenate3A, %get3A_128, %dot_general3A {dimension_numbers = #tpu.dot_dimension_numbers<[1], [0], [0], [1], [0, 0, 1, 1], [], []>, transpose_lhs_hint = false} : vector<2000x1152xf32>, vector<1152x128xf32>, vector<2000x128xf32> -> vector<2000x128xf32>
    %neg3A_130 = arith.constant 0.000000e+00 : f32
    %neg3A_131 = vector.broadcast %neg3A_130 : f32 to vector<2000x128xf32>
    %neg3A_132 = arith.subf %neg3A_131, %dot_general3A_129 : vector<2000x128xf32>
    %exp3A_133 = math.exp %neg3A_132 : vector<2000x128xf32>
    %add3A_134 = arith.constant 1.000000e+00 : f32
    %add3A_135 = vector.broadcast %add3A_134 : f32 to vector<2000x128xf32>
    %add3A_136 = arith.addf %add3A_135, %exp3A_133 : vector<2000x128xf32>
    %div3A_137 = arith.constant 1.000000e+00 : f32
    %div3A_138 = vector.broadcast %div3A_137 : f32 to vector<2000x128xf32>
    %div3A_139 = arith.divf %div3A_138, %add3A_136 : vector<2000x128xf32>
    %sub3A_140 = arith.constant -2.200000e+00 : f32
    %sub3A_141 = vector.broadcast %sub3A_140 : f32 to vector<2000x128xf32>
    %sub3A_142 = arith.subf %dot_general3A_129, %sub3A_141 : vector<2000x128xf32>
    %mul3A_143 = arith.constant 2.49999952 : f32
    %mul3A_144 = vector.broadcast %mul3A_143 : f32 to vector<2000x128xf32>
    %mul3A_145 = arith.mulf %sub3A_142, %mul3A_144 : vector<2000x128xf32>
    %floor3A_146 = math.floor %mul3A_145 : vector<2000x128xf32>
    %sub3A_147 = arith.subf %mul3A_145, %floor3A_146 : vector<2000x128xf32>
    %mul3A_148 = arith.mulf %sub3A_147, %sub3A_147 : vector<2000x128xf32>
    %mul3A_149 = arith.mulf %mul3A_148, %sub3A_147 : vector<2000x128xf32>
    %sub3A_150 = arith.constant 1.000000e+00 : f32
    %sub3A_151 = vector.broadcast %sub3A_150 : f32 to vector<2000x128xf32>
    %sub3A_152 = arith.subf %sub3A_151, %sub3A_147 : vector<2000x128xf32>
    %mul3A_153 = arith.constant 0.166666672 : f32
    %mul3A_154 = vector.broadcast %mul3A_153 : f32 to vector<2000x128xf32>
    %mul3A_155 = arith.mulf %mul3A_149, %mul3A_154 : vector<2000x128xf32>
    %add3A_156 = arith.addf %sub3A_147, %mul3A_148 : vector<2000x128xf32>
    %sub3A_157 = arith.subf %add3A_156, %mul3A_149 : vector<2000x128xf32>
    %mul3A_158 = arith.constant 5.000000e-01 : f32
    %mul3A_159 = vector.broadcast %mul3A_158 : f32 to vector<2000x128xf32>
    %mul3A_160 = arith.mulf %mul3A_159, %sub3A_157 : vector<2000x128xf32>
    %add3A_161 = arith.constant 0.166666672 : f32
    %add3A_162 = vector.broadcast %add3A_161 : f32 to vector<2000x128xf32>
    %add3A_163 = arith.addf %add3A_162, %mul3A_160 : vector<2000x128xf32>
    %sub3A_164 = arith.constant 0.666666686 : f32
    %sub3A_165 = vector.broadcast %sub3A_164 : f32 to vector<2000x128xf32>
    %sub3A_166 = arith.subf %sub3A_165, %mul3A_148 : vector<2000x128xf32>
    %mul3A_167 = arith.constant 5.000000e-01 : f32
    %mul3A_168 = vector.broadcast %mul3A_167 : f32 to vector<2000x128xf32>
    %mul3A_169 = arith.mulf %mul3A_168, %mul3A_149 : vector<2000x128xf32>
    %add3A_170 = arith.addf %sub3A_166, %mul3A_169 : vector<2000x128xf32>
    %mul3A_171 = arith.mulf %sub3A_152, %sub3A_152 : vector<2000x128xf32>
    %mul3A_172 = arith.mulf %mul3A_171, %sub3A_152 : vector<2000x128xf32>
    %mul3A_173 = arith.constant 0.166666672 : f32
    %mul3A_174 = vector.broadcast %mul3A_173 : f32 to vector<2000x128xf32>
    %mul3A_175 = arith.mulf %mul3A_172, %mul3A_174 : vector<2000x128xf32>
    %eq3A_176 = arith.constant 0.000000e+00 : f32
    %eq3A_177 = vector.broadcast %eq3A_176 : f32 to vector<2000x128xf32>
    %eq3A_178 = arith.cmpf oeq, %floor3A_146, %eq3A_177 : vector<2000x128xf32>
    %eq3A_179 = arith.constant 1.000000e+00 : f32
    %eq3A_180 = vector.broadcast %eq3A_179 : f32 to vector<2000x128xf32>
    %eq3A_181 = arith.cmpf oeq, %floor3A_146, %eq3A_180 : vector<2000x128xf32>
    %eq3A_182 = arith.constant 2.000000e+00 : f32
    %eq3A_183 = vector.broadcast %eq3A_182 : f32 to vector<2000x128xf32>
    %eq3A_184 = arith.cmpf oeq, %floor3A_146, %eq3A_183 : vector<2000x128xf32>
    %eq3A_185 = arith.constant 3.000000e+00 : f32
    %eq3A_186 = vector.broadcast %eq3A_185 : f32 to vector<2000x128xf32>
    %eq3A_187 = arith.cmpf oeq, %floor3A_146, %eq3A_186 : vector<2000x128xf32>
    %eq3A_188 = arith.constant 4.000000e+00 : f32
    %eq3A_189 = vector.broadcast %eq3A_188 : f32 to vector<2000x128xf32>
    %eq3A_190 = arith.cmpf oeq, %floor3A_146, %eq3A_189 : vector<2000x128xf32>
    %eq3A_191 = arith.constant 5.000000e+00 : f32
    %eq3A_192 = vector.broadcast %eq3A_191 : f32 to vector<2000x128xf32>
    %eq3A_193 = arith.cmpf oeq, %floor3A_146, %eq3A_192 : vector<2000x128xf32>
    %eq3A_194 = arith.constant 6.000000e+00 : f32
    %eq3A_195 = vector.broadcast %eq3A_194 : f32 to vector<2000x128xf32>
    %eq3A_196 = arith.cmpf oeq, %floor3A_146, %eq3A_195 : vector<2000x128xf32>
    %eq3A_197 = arith.constant 7.000000e+00 : f32
    %eq3A_198 = vector.broadcast %eq3A_197 : f32 to vector<2000x128xf32>
    %eq3A_199 = arith.cmpf oeq, %floor3A_146, %eq3A_198 : vector<2000x128xf32>
    %eq3A_200 = arith.constant 8.000000e+00 : f32
    %eq3A_201 = vector.broadcast %eq3A_200 : f32 to vector<2000x128xf32>
    %eq3A_202 = arith.cmpf oeq, %floor3A_146, %eq3A_201 : vector<2000x128xf32>
    %eq3A_203 = arith.constant 9.000000e+00 : f32
    %eq3A_204 = vector.broadcast %eq3A_203 : f32 to vector<2000x128xf32>
    %eq3A_205 = arith.cmpf oeq, %floor3A_146, %eq3A_204 : vector<2000x128xf32>
    %eq3A_206 = arith.constant 1.000000e+01 : f32
    %eq3A_207 = vector.broadcast %eq3A_206 : f32 to vector<2000x128xf32>
    %eq3A_208 = arith.cmpf oeq, %floor3A_146, %eq3A_207 : vector<2000x128xf32>
    %broadcast_in_dim3A_209 = arith.constant 0.000000e+00 : f32
    %broadcast_in_dim3A_210 = vector.broadcast %broadcast_in_dim3A_209 : f32 to vector<2000x128xf32>
    %select_n3A_211 = arith.select %eq3A_178, %mul3A_155, %broadcast_in_dim3A_210 : vector<2000x128xi1>, vector<2000x128xf32>
    %select_n3A_212 = arith.select %eq3A_181, %add3A_163, %select_n3A_211 : vector<2000x128xi1>, vector<2000x128xf32>
    %select_n3A_213 = arith.select %eq3A_184, %add3A_170, %select_n3A_212 : vector<2000x128xi1>, vector<2000x128xf32>
    %select_n3A_214 = arith.select %eq3A_187, %mul3A_175, %select_n3A_213 : vector<2000x128xi1>, vector<2000x128xf32>
    %select_n3A_215 = arith.select %eq3A_181, %mul3A_155, %broadcast_in_dim3A_210 : vector<2000x128xi1>, vector<2000x128xf32>
    %select_n3A_216 = arith.select %eq3A_184, %add3A_163, %select_n3A_215 : vector<2000x128xi1>, vector<2000x128xf32>
    %select_n3A_217 = arith.select %eq3A_187, %add3A_170, %select_n3A_216 : vector<2000x128xi1>, vector<2000x128xf32>
    %select_n3A_218 = arith.select %eq3A_190, %mul3A_175, %select_n3A_217 : vector<2000x128xi1>, vector<2000x128xf32>
    %select_n3A_219 = arith.select %eq3A_184, %mul3A_155, %broadcast_in_dim3A_210 : vector<2000x128xi1>, vector<2000x128xf32>
    %select_n3A_220 = arith.select %eq3A_187, %add3A_163, %select_n3A_219 : vector<2000x128xi1>, vector<2000x128xf32>
    %select_n3A_221 = arith.select %eq3A_190, %add3A_170, %select_n3A_220 : vector<2000x128xi1>, vector<2000x128xf32>
    %select_n3A_222 = arith.select %eq3A_193, %mul3A_175, %select_n3A_221 : vector<2000x128xi1>, vector<2000x128xf32>
    %select_n3A_223 = arith.select %eq3A_187, %mul3A_155, %broadcast_in_dim3A_210 : vector<2000x128xi1>, vector<2000x128xf32>
    %select_n3A_224 = arith.select %eq3A_190, %add3A_163, %select_n3A_223 : vector<2000x128xi1>, vector<2000x128xf32>
    %select_n3A_225 = arith.select %eq3A_193, %add3A_170, %select_n3A_224 : vector<2000x128xi1>, vector<2000x128xf32>
    %select_n3A_226 = arith.select %eq3A_196, %mul3A_175, %select_n3A_225 : vector<2000x128xi1>, vector<2000x128xf32>
    %select_n3A_227 = arith.select %eq3A_190, %mul3A_155, %broadcast_in_dim3A_210 : vector<2000x128xi1>, vector<2000x128xf32>
    %select_n3A_228 = arith.select %eq3A_193, %add3A_163, %select_n3A_227 : vector<2000x128xi1>, vector<2000x128xf32>
    %select_n3A_229 = arith.select %eq3A_196, %add3A_170, %select_n3A_228 : vector<2000x128xi1>, vector<2000x128xf32>
    %select_n3A_230 = arith.select %eq3A_199, %mul3A_175, %select_n3A_229 : vector<2000x128xi1>, vector<2000x128xf32>
    %select_n3A_231 = arith.select %eq3A_193, %mul3A_155, %broadcast_in_dim3A_210 : vector<2000x128xi1>, vector<2000x128xf32>
    %select_n3A_232 = arith.select %eq3A_196, %add3A_163, %select_n3A_231 : vector<2000x128xi1>, vector<2000x128xf32>
    %select_n3A_233 = arith.select %eq3A_199, %add3A_170, %select_n3A_232 : vector<2000x128xi1>, vector<2000x128xf32>
    %select_n3A_234 = arith.select %eq3A_202, %mul3A_175, %select_n3A_233 : vector<2000x128xi1>, vector<2000x128xf32>
    %select_n3A_235 = arith.select %eq3A_196, %mul3A_155, %broadcast_in_dim3A_210 : vector<2000x128xi1>, vector<2000x128xf32>
    %select_n3A_236 = arith.select %eq3A_199, %add3A_163, %select_n3A_235 : vector<2000x128xi1>, vector<2000x128xf32>
    %select_n3A_237 = arith.select %eq3A_202, %add3A_170, %select_n3A_236 : vector<2000x128xi1>, vector<2000x128xf32>
    %select_n3A_238 = arith.select %eq3A_205, %mul3A_175, %select_n3A_237 : vector<2000x128xi1>, vector<2000x128xf32>
    %select_n3A_239 = arith.select %eq3A_199, %mul3A_155, %broadcast_in_dim3A_210 : vector<2000x128xi1>, vector<2000x128xf32>
    %select_n3A_240 = arith.select %eq3A_202, %add3A_163, %select_n3A_239 : vector<2000x128xi1>, vector<2000x128xf32>
    %select_n3A_241 = arith.select %eq3A_205, %add3A_170, %select_n3A_240 : vector<2000x128xi1>, vector<2000x128xf32>
    %select_n3A_242 = arith.select %eq3A_208, %mul3A_175, %select_n3A_241 : vector<2000x128xi1>, vector<2000x128xf32>
    %mul3A_243 = arith.mulf %dot_general3A_129, %div3A_139 : vector<2000x128xf32>
    %concatenate3A_244 = tpu.concatenate %mul3A_243, %select_n3A_214, %select_n3A_218, %select_n3A_222, %select_n3A_226, %select_n3A_230, %select_n3A_234, %select_n3A_238, %select_n3A_242 in 1 : vector<2000x128xf32>, vector<2000x128xf32>, vector<2000x128xf32>, vector<2000x128xf32>, vector<2000x128xf32>, vector<2000x128xf32>, vector<2000x128xf32>, vector<2000x128xf32>, vector<2000x128xf32> -> vector<2000x1152xf32>
    %get3A_245 = arith.constant 0 : index
    %get3A_246 = arith.constant 0 : index
    %get3A_247 = vector.load %arg5[%get3A_245, %get3A_246] : memref<1152x128xf32, #tpu.memory_space<vmem>>, vector<1152x128xf32>
    %dot_general3A_248 = arith.constant dense<0.000000e+00> : vector<2000x128xf32>
    %dot_general3A_249 = tpu.matmul %concatenate3A_244, %get3A_247, %dot_general3A_248 {dimension_numbers = #tpu.dot_dimension_numbers<[1], [0], [0], [1], [0, 0, 1, 1], [], []>, transpose_lhs_hint = false} : vector<2000x1152xf32>, vector<1152x128xf32>, vector<2000x128xf32> -> vector<2000x128xf32>
    %ge3A = arith.constant 0.000000e+00 : f32
    %ge3A_250 = vector.broadcast %ge3A : f32 to vector<2000x128xf32>
    %ge3A_251 = arith.cmpf oge, %dot_general3A_249, %ge3A_250 : vector<2000x128xf32>
    %mul3A_252 = arith.constant 0.00999999977 : f32
    %mul3A_253 = vector.broadcast %mul3A_252 : f32 to vector<2000x128xf32>
    %mul3A_254 = arith.mulf %mul3A_253, %dot_general3A_249 : vector<2000x128xf32>
    %select_n3A_255 = arith.select %ge3A_251, %dot_general3A_249, %mul3A_254 : vector<2000x128xi1>, vector<2000x128xf32>
    %swap3A = arith.constant 0 : index
    %swap3A_256 = arith.constant 0 : index
    %swap3A_257 = vector.load %arg6[%swap3A, %swap3A_256] : memref<2000x128xf32, #tpu.memory_space<vmem>>, vector<2000x128xf32>
    tpu.vector_store %arg6[%swap3A, %swap3A_256], %select_n3A_255 {strides = array<i32>} : memref<2000x128xf32, #tpu.memory_space<vmem>>, vector<2000x128xf32>,
    return
  }
  func.func @transform_0(%arg0: i32) -> (i32, i32) {
    %c0_i32 = arith.constant 0 : i32
    %c0_i32_0 = arith.constant 0 : i32
    %c0_i32_1 = arith.constant 0 : i32
    return %c0_i32, %c0_i32_0 : i32, i32
  }
  func.func @transform_1(%arg0: i32) -> (i32, i32) {
    %c0_i32 = arith.constant 0 : i32
    %c0_i32_0 = arith.constant 0 : i32
    return %arg0, %c0_i32 : i32, i32
  }
  func.func @transform_2(%arg0: i32) -> (i32, i32, i32) {
    %c0_i32 = arith.constant 0 : i32
    %c0_i32_0 = arith.constant 0 : i32
    %c0_i32_1 = arith.constant 0 : i32
    return %c0_i32, %arg0, %c0_i32_0 : i32, i32, i32
  }
  func.func @transform_3(%arg0: i32) -> (i32, i32) {
    %c0_i32 = arith.constant 0 : i32
    %c0_i32_0 = arith.constant 0 : i32
    %c0_i32_1 = arith.constant 0 : i32
    return %c0_i32, %c0_i32_0 : i32, i32
  }
  func.func @transform_4(%arg0: i32) -> (i32, i32) {
    %c0_i32 = arith.constant 0 : i32
    %c0_i32_0 = arith.constant 0 : i32
    %c0_i32_1 = arith.constant 0 : i32
    return %c0_i32, %c0_i32_0 : i32, i32
  }
  func.func @transform_5(%arg0: i32) -> (i32, i32) {
    %c0_i32 = arith.constant 0 : i32
    %c0_i32_0 = arith.constant 0 : i32
    return %arg0, %c0_i32 : i32, i32
  }
}

module attributes {stable_mosaic.version = 14 : i64} {
  func.func @_last_body(%arg0: i32, %arg1: memref<1x1xf32, #tpu.memory_space<vmem>>, %arg2: memref<2000x128xf32, #tpu.memory_space<vmem>>, %arg3: memref<2x2000x128xf32, #tpu.memory_space<vmem>>, %arg4: memref<1152x128xf32, #tpu.memory_space<vmem>>, %arg5: memref<1152x128xf32, #tpu.memory_space<vmem>>, %arg6: memref<1x1x2000xi32, #tpu.memory_space<vmem>>, %arg7: memref<64x128xf32, #tpu.memory_space<vmem>>, %arg8: memref<64x128xf32, #tpu.memory_space<vmem>>) attributes {dimension_semantics = [#tpu.dimension_semantics<arbitrary>], iteration_bounds = array<i64: 5>, scalar_prefetch = 0 : i64, scratch_operands = 1 : i64, tpu.core_type = #tpu.core_type<tc>, window_params = [{pipeline_mode = #tpu.pipeline_mode<synchronous>, transform_indices = @transform_0, window_bounds = array<i64: 1, 1>}, {transform_indices = @transform_1, window_bounds = array<i64: 2000, 128>}, {transform_indices = @transform_2, window_bounds = array<i64: 2, 2000, 128>}, {pipeline_mode = #tpu.pipeline_mode<synchronous>, transform_indices = @transform_3, window_bounds = array<i64: 1152, 128>}, {pipeline_mode = #tpu.pipeline_mode<synchronous>, transform_indices = @transform_4, window_bounds = array<i64: 1152, 128>}, {transform_indices = @transform_5, window_bounds = array<i64: 1, 1, 2000>}, {pipeline_mode = #tpu.pipeline_mode<synchronous>, transform_indices = @transform_6, window_bounds = array<i64: 64, 128>}]} {
    %eq3A = arith.constant 0 : i32
    %eq3A_0 = arith.cmpi eq, %arg0, %eq3A : i32
    %convert_element_type3A = arith.extui %eq3A_0 : i1 to i32
    %cond3A = arith.constant 0 : i32
    %cond3A_1 = arith.cmpi ne, %convert_element_type3A, %cond3A : i32
    scf.if %cond3A_1 {
      %broadcast_in_dim3A_287 = arith.constant 0.000000e+00 : f32
      %broadcast_in_dim3A_288 = vector.broadcast %broadcast_in_dim3A_287 : f32 to vector<64x128xf32>
      %swap3A_289 = arith.constant 0 : index
      %swap3A_290 = arith.constant 0 : index
      %swap3A_291 = vector.load %arg7[%swap3A_289, %swap3A_290] : memref<64x128xf32, #tpu.memory_space<vmem>>, vector<64x128xf32>
      tpu.vector_store %arg7[%swap3A_289, %swap3A_290], %broadcast_in_dim3A_288 {strides = array<i32>} : memref<64x128xf32, #tpu.memory_space<vmem>>, vector<64x128xf32>,
      %broadcast_in_dim3A_292 = arith.constant 0.000000e+00 : f32
      %broadcast_in_dim3A_293 = vector.broadcast %broadcast_in_dim3A_292 : f32 to vector<64x128xf32>
      %swap3A_294 = arith.constant 0 : index
      %swap3A_295 = arith.constant 0 : index
      %swap3A_296 = vector.load %arg8[%swap3A_294, %swap3A_295] : memref<64x128xf32, #tpu.memory_space<vmem>>, vector<64x128xf32>
      tpu.vector_store %arg8[%swap3A_294, %swap3A_295], %broadcast_in_dim3A_293 {strides = array<i32>} : memref<64x128xf32, #tpu.memory_space<vmem>>, vector<64x128xf32>,
    } else {
    }
    %get3A = arith.constant 0 : index
    %get3A_2 = arith.constant 0 : index
    %get3A_3 = vector.load %arg1[%get3A, %get3A_2] : memref<1x1xf32, #tpu.memory_space<vmem>>, vector<1x1xf32>
    %get3A_4 = vector.extract %get3A_3[0, 0] : f32 from vector<1x1xf32>
    %add3A = arith.constant 1.000000e+00 : f32
    %add3A_5 = arith.addf %add3A, %get3A_4 : f32
    %get3A_6 = arith.constant 0 : index
    %get3A_7 = arith.constant 0 : index
    %get3A_8 = vector.load %arg2[%get3A_6, %get3A_7] : memref<2000x128xf32, #tpu.memory_space<vmem>>, vector<2000x128xf32>
    %mul3A = vector.broadcast %add3A_5 : f32 to vector<2000x128xf32>
    %mul3A_9 = arith.mulf %mul3A, %get3A_8 : vector<2000x128xf32>
    %get3A_10 = arith.constant 0 : index
    %get3A_11 = arith.constant 0 : index
    %get3A_12 = arith.constant 0 : index
    %get3A_13 = vector.load %arg3[%get3A_10, %get3A_11, %get3A_12] : memref<2x2000x128xf32, #tpu.memory_space<vmem>>, vector<1x2000x128xf32>
    %get3A_14 = vector.shape_cast %get3A_13 : vector<1x2000x128xf32> to vector<2000x128xf32>
    %add3A_15 = arith.addf %mul3A_9, %get3A_14 : vector<2000x128xf32>
    %get3A_16 = arith.constant 1 : index
    %get3A_17 = arith.constant 0 : index
    %get3A_18 = arith.constant 0 : index
    %get3A_19 = vector.load %arg3[%get3A_16, %get3A_17, %get3A_18] : memref<2x2000x128xf32, #tpu.memory_space<vmem>>, vector<1x2000x128xf32>
    %get3A_20 = vector.shape_cast %get3A_19 : vector<1x2000x128xf32> to vector<2000x128xf32>
    %add3A_21 = arith.addf %add3A_15, %get3A_20 : vector<2000x128xf32>
    %neg3A = arith.constant 0.000000e+00 : f32
    %neg3A_22 = vector.broadcast %neg3A : f32 to vector<2000x128xf32>
    %neg3A_23 = arith.subf %neg3A_22, %add3A_21 : vector<2000x128xf32>
    %exp3A = math.exp %neg3A_23 : vector<2000x128xf32>
    %add3A_24 = arith.constant 1.000000e+00 : f32
    %add3A_25 = vector.broadcast %add3A_24 : f32 to vector<2000x128xf32>
    %add3A_26 = arith.addf %add3A_25, %exp3A : vector<2000x128xf32>
    %div3A = arith.constant 1.000000e+00 : f32
    %div3A_27 = vector.broadcast %div3A : f32 to vector<2000x128xf32>
    %div3A_28 = arith.divf %div3A_27, %add3A_26 : vector<2000x128xf32>
    %sub3A = arith.constant -2.200000e+00 : f32
    %sub3A_29 = vector.broadcast %sub3A : f32 to vector<2000x128xf32>
    %sub3A_30 = arith.subf %add3A_21, %sub3A_29 : vector<2000x128xf32>
    %mul3A_31 = arith.constant 2.49999952 : f32
    %mul3A_32 = vector.broadcast %mul3A_31 : f32 to vector<2000x128xf32>
    %mul3A_33 = arith.mulf %sub3A_30, %mul3A_32 : vector<2000x128xf32>
    %floor3A = math.floor %mul3A_33 : vector<2000x128xf32>
    %sub3A_34 = arith.subf %mul3A_33, %floor3A : vector<2000x128xf32>
    %mul3A_35 = arith.mulf %sub3A_34, %sub3A_34 : vector<2000x128xf32>
    %mul3A_36 = arith.mulf %mul3A_35, %sub3A_34 : vector<2000x128xf32>
    %sub3A_37 = arith.constant 1.000000e+00 : f32
    %sub3A_38 = vector.broadcast %sub3A_37 : f32 to vector<2000x128xf32>
    %sub3A_39 = arith.subf %sub3A_38, %sub3A_34 : vector<2000x128xf32>
    %mul3A_40 = arith.constant 0.166666672 : f32
    %mul3A_41 = vector.broadcast %mul3A_40 : f32 to vector<2000x128xf32>
    %mul3A_42 = arith.mulf %mul3A_36, %mul3A_41 : vector<2000x128xf32>
    %add3A_43 = arith.addf %sub3A_34, %mul3A_35 : vector<2000x128xf32>
    %sub3A_44 = arith.subf %add3A_43, %mul3A_36 : vector<2000x128xf32>
    %mul3A_45 = arith.constant 5.000000e-01 : f32
    %mul3A_46 = vector.broadcast %mul3A_45 : f32 to vector<2000x128xf32>
    %mul3A_47 = arith.mulf %mul3A_46, %sub3A_44 : vector<2000x128xf32>
    %add3A_48 = arith.constant 0.166666672 : f32
    %add3A_49 = vector.broadcast %add3A_48 : f32 to vector<2000x128xf32>
    %add3A_50 = arith.addf %add3A_49, %mul3A_47 : vector<2000x128xf32>
    %sub3A_51 = arith.constant 0.666666686 : f32
    %sub3A_52 = vector.broadcast %sub3A_51 : f32 to vector<2000x128xf32>
    %sub3A_53 = arith.subf %sub3A_52, %mul3A_35 : vector<2000x128xf32>
    %mul3A_54 = arith.constant 5.000000e-01 : f32
    %mul3A_55 = vector.broadcast %mul3A_54 : f32 to vector<2000x128xf32>
    %mul3A_56 = arith.mulf %mul3A_55, %mul3A_36 : vector<2000x128xf32>
    %add3A_57 = arith.addf %sub3A_53, %mul3A_56 : vector<2000x128xf32>
    %mul3A_58 = arith.mulf %sub3A_39, %sub3A_39 : vector<2000x128xf32>
    %mul3A_59 = arith.mulf %mul3A_58, %sub3A_39 : vector<2000x128xf32>
    %mul3A_60 = arith.constant 0.166666672 : f32
    %mul3A_61 = vector.broadcast %mul3A_60 : f32 to vector<2000x128xf32>
    %mul3A_62 = arith.mulf %mul3A_59, %mul3A_61 : vector<2000x128xf32>
    %eq3A_63 = arith.constant 0.000000e+00 : f32
    %eq3A_64 = vector.broadcast %eq3A_63 : f32 to vector<2000x128xf32>
    %eq3A_65 = arith.cmpf oeq, %floor3A, %eq3A_64 : vector<2000x128xf32>
    %eq3A_66 = arith.constant 1.000000e+00 : f32
    %eq3A_67 = vector.broadcast %eq3A_66 : f32 to vector<2000x128xf32>
    %eq3A_68 = arith.cmpf oeq, %floor3A, %eq3A_67 : vector<2000x128xf32>
    %eq3A_69 = arith.constant 2.000000e+00 : f32
    %eq3A_70 = vector.broadcast %eq3A_69 : f32 to vector<2000x128xf32>
    %eq3A_71 = arith.cmpf oeq, %floor3A, %eq3A_70 : vector<2000x128xf32>
    %eq3A_72 = arith.constant 3.000000e+00 : f32
    %eq3A_73 = vector.broadcast %eq3A_72 : f32 to vector<2000x128xf32>
    %eq3A_74 = arith.cmpf oeq, %floor3A, %eq3A_73 : vector<2000x128xf32>
    %eq3A_75 = arith.constant 4.000000e+00 : f32
    %eq3A_76 = vector.broadcast %eq3A_75 : f32 to vector<2000x128xf32>
    %eq3A_77 = arith.cmpf oeq, %floor3A, %eq3A_76 : vector<2000x128xf32>
    %eq3A_78 = arith.constant 5.000000e+00 : f32
    %eq3A_79 = vector.broadcast %eq3A_78 : f32 to vector<2000x128xf32>
    %eq3A_80 = arith.cmpf oeq, %floor3A, %eq3A_79 : vector<2000x128xf32>
    %eq3A_81 = arith.constant 6.000000e+00 : f32
    %eq3A_82 = vector.broadcast %eq3A_81 : f32 to vector<2000x128xf32>
    %eq3A_83 = arith.cmpf oeq, %floor3A, %eq3A_82 : vector<2000x128xf32>
    %eq3A_84 = arith.constant 7.000000e+00 : f32
    %eq3A_85 = vector.broadcast %eq3A_84 : f32 to vector<2000x128xf32>
    %eq3A_86 = arith.cmpf oeq, %floor3A, %eq3A_85 : vector<2000x128xf32>
    %eq3A_87 = arith.constant 8.000000e+00 : f32
    %eq3A_88 = vector.broadcast %eq3A_87 : f32 to vector<2000x128xf32>
    %eq3A_89 = arith.cmpf oeq, %floor3A, %eq3A_88 : vector<2000x128xf32>
    %eq3A_90 = arith.constant 9.000000e+00 : f32
    %eq3A_91 = vector.broadcast %eq3A_90 : f32 to vector<2000x128xf32>
    %eq3A_92 = arith.cmpf oeq, %floor3A, %eq3A_91 : vector<2000x128xf32>
    %eq3A_93 = arith.constant 1.000000e+01 : f32
    %eq3A_94 = vector.broadcast %eq3A_93 : f32 to vector<2000x128xf32>
    %eq3A_95 = arith.cmpf oeq, %floor3A, %eq3A_94 : vector<2000x128xf32>
    %broadcast_in_dim3A = arith.constant 0.000000e+00 : f32
    %broadcast_in_dim3A_96 = vector.broadcast %broadcast_in_dim3A : f32 to vector<2000x128xf32>
    %select_n3A = arith.select %eq3A_65, %mul3A_42, %broadcast_in_dim3A_96 : vector<2000x128xi1>, vector<2000x128xf32>
    %select_n3A_97 = arith.select %eq3A_68, %add3A_50, %select_n3A : vector<2000x128xi1>, vector<2000x128xf32>
    %select_n3A_98 = arith.select %eq3A_71, %add3A_57, %select_n3A_97 : vector<2000x128xi1>, vector<2000x128xf32>
    %select_n3A_99 = arith.select %eq3A_74, %mul3A_62, %select_n3A_98 : vector<2000x128xi1>, vector<2000x128xf32>
    %select_n3A_100 = arith.select %eq3A_68, %mul3A_42, %broadcast_in_dim3A_96 : vector<2000x128xi1>, vector<2000x128xf32>
    %select_n3A_101 = arith.select %eq3A_71, %add3A_50, %select_n3A_100 : vector<2000x128xi1>, vector<2000x128xf32>
    %select_n3A_102 = arith.select %eq3A_74, %add3A_57, %select_n3A_101 : vector<2000x128xi1>, vector<2000x128xf32>
    %select_n3A_103 = arith.select %eq3A_77, %mul3A_62, %select_n3A_102 : vector<2000x128xi1>, vector<2000x128xf32>
    %select_n3A_104 = arith.select %eq3A_71, %mul3A_42, %broadcast_in_dim3A_96 : vector<2000x128xi1>, vector<2000x128xf32>
    %select_n3A_105 = arith.select %eq3A_74, %add3A_50, %select_n3A_104 : vector<2000x128xi1>, vector<2000x128xf32>
    %select_n3A_106 = arith.select %eq3A_77, %add3A_57, %select_n3A_105 : vector<2000x128xi1>, vector<2000x128xf32>
    %select_n3A_107 = arith.select %eq3A_80, %mul3A_62, %select_n3A_106 : vector<2000x128xi1>, vector<2000x128xf32>
    %select_n3A_108 = arith.select %eq3A_74, %mul3A_42, %broadcast_in_dim3A_96 : vector<2000x128xi1>, vector<2000x128xf32>
    %select_n3A_109 = arith.select %eq3A_77, %add3A_50, %select_n3A_108 : vector<2000x128xi1>, vector<2000x128xf32>
    %select_n3A_110 = arith.select %eq3A_80, %add3A_57, %select_n3A_109 : vector<2000x128xi1>, vector<2000x128xf32>
    %select_n3A_111 = arith.select %eq3A_83, %mul3A_62, %select_n3A_110 : vector<2000x128xi1>, vector<2000x128xf32>
    %select_n3A_112 = arith.select %eq3A_77, %mul3A_42, %broadcast_in_dim3A_96 : vector<2000x128xi1>, vector<2000x128xf32>
    %select_n3A_113 = arith.select %eq3A_80, %add3A_50, %select_n3A_112 : vector<2000x128xi1>, vector<2000x128xf32>
    %select_n3A_114 = arith.select %eq3A_83, %add3A_57, %select_n3A_113 : vector<2000x128xi1>, vector<2000x128xf32>
    %select_n3A_115 = arith.select %eq3A_86, %mul3A_62, %select_n3A_114 : vector<2000x128xi1>, vector<2000x128xf32>
    %select_n3A_116 = arith.select %eq3A_80, %mul3A_42, %broadcast_in_dim3A_96 : vector<2000x128xi1>, vector<2000x128xf32>
    %select_n3A_117 = arith.select %eq3A_83, %add3A_50, %select_n3A_116 : vector<2000x128xi1>, vector<2000x128xf32>
    %select_n3A_118 = arith.select %eq3A_86, %add3A_57, %select_n3A_117 : vector<2000x128xi1>, vector<2000x128xf32>
    %select_n3A_119 = arith.select %eq3A_89, %mul3A_62, %select_n3A_118 : vector<2000x128xi1>, vector<2000x128xf32>
    %select_n3A_120 = arith.select %eq3A_83, %mul3A_42, %broadcast_in_dim3A_96 : vector<2000x128xi1>, vector<2000x128xf32>
    %select_n3A_121 = arith.select %eq3A_86, %add3A_50, %select_n3A_120 : vector<2000x128xi1>, vector<2000x128xf32>
    %select_n3A_122 = arith.select %eq3A_89, %add3A_57, %select_n3A_121 : vector<2000x128xi1>, vector<2000x128xf32>
    %select_n3A_123 = arith.select %eq3A_92, %mul3A_62, %select_n3A_122 : vector<2000x128xi1>, vector<2000x128xf32>
    %select_n3A_124 = arith.select %eq3A_86, %mul3A_42, %broadcast_in_dim3A_96 : vector<2000x128xi1>, vector<2000x128xf32>
    %select_n3A_125 = arith.select %eq3A_89, %add3A_50, %select_n3A_124 : vector<2000x128xi1>, vector<2000x128xf32>
    %select_n3A_126 = arith.select %eq3A_92, %add3A_57, %select_n3A_125 : vector<2000x128xi1>, vector<2000x128xf32>
    %select_n3A_127 = arith.select %eq3A_95, %mul3A_62, %select_n3A_126 : vector<2000x128xi1>, vector<2000x128xf32>
    %mul3A_128 = arith.mulf %add3A_21, %div3A_28 : vector<2000x128xf32>
    %concatenate3A = tpu.concatenate %mul3A_128, %select_n3A_99, %select_n3A_103, %select_n3A_107, %select_n3A_111, %select_n3A_115, %select_n3A_119, %select_n3A_123, %select_n3A_127 in 1 : vector<2000x128xf32>, vector<2000x128xf32>, vector<2000x128xf32>, vector<2000x128xf32>, vector<2000x128xf32>, vector<2000x128xf32>, vector<2000x128xf32>, vector<2000x128xf32>, vector<2000x128xf32> -> vector<2000x1152xf32>
    %get3A_129 = arith.constant 0 : index
    %get3A_130 = arith.constant 0 : index
    %get3A_131 = vector.load %arg4[%get3A_129, %get3A_130] : memref<1152x128xf32, #tpu.memory_space<vmem>>, vector<1152x128xf32>
    %dot_general3A = arith.constant dense<0.000000e+00> : vector<2000x128xf32>
    %dot_general3A_132 = tpu.matmul %concatenate3A, %get3A_131, %dot_general3A {dimension_numbers = #tpu.dot_dimension_numbers<[1], [0], [0], [1], [0, 0, 1, 1], [], []>, transpose_lhs_hint = false} : vector<2000x1152xf32>, vector<1152x128xf32>, vector<2000x128xf32> -> vector<2000x128xf32>
    %neg3A_133 = arith.constant 0.000000e+00 : f32
    %neg3A_134 = vector.broadcast %neg3A_133 : f32 to vector<2000x128xf32>
    %neg3A_135 = arith.subf %neg3A_134, %dot_general3A_132 : vector<2000x128xf32>
    %exp3A_136 = math.exp %neg3A_135 : vector<2000x128xf32>
    %add3A_137 = arith.constant 1.000000e+00 : f32
    %add3A_138 = vector.broadcast %add3A_137 : f32 to vector<2000x128xf32>
    %add3A_139 = arith.addf %add3A_138, %exp3A_136 : vector<2000x128xf32>
    %div3A_140 = arith.constant 1.000000e+00 : f32
    %div3A_141 = vector.broadcast %div3A_140 : f32 to vector<2000x128xf32>
    %div3A_142 = arith.divf %div3A_141, %add3A_139 : vector<2000x128xf32>
    %sub3A_143 = arith.constant -2.200000e+00 : f32
    %sub3A_144 = vector.broadcast %sub3A_143 : f32 to vector<2000x128xf32>
    %sub3A_145 = arith.subf %dot_general3A_132, %sub3A_144 : vector<2000x128xf32>
    %mul3A_146 = arith.constant 2.49999952 : f32
    %mul3A_147 = vector.broadcast %mul3A_146 : f32 to vector<2000x128xf32>
    %mul3A_148 = arith.mulf %sub3A_145, %mul3A_147 : vector<2000x128xf32>
    %floor3A_149 = math.floor %mul3A_148 : vector<2000x128xf32>
    %sub3A_150 = arith.subf %mul3A_148, %floor3A_149 : vector<2000x128xf32>
    %mul3A_151 = arith.mulf %sub3A_150, %sub3A_150 : vector<2000x128xf32>
    %mul3A_152 = arith.mulf %mul3A_151, %sub3A_150 : vector<2000x128xf32>
    %sub3A_153 = arith.constant 1.000000e+00 : f32
    %sub3A_154 = vector.broadcast %sub3A_153 : f32 to vector<2000x128xf32>
    %sub3A_155 = arith.subf %sub3A_154, %sub3A_150 : vector<2000x128xf32>
    %mul3A_156 = arith.constant 0.166666672 : f32
    %mul3A_157 = vector.broadcast %mul3A_156 : f32 to vector<2000x128xf32>
    %mul3A_158 = arith.mulf %mul3A_152, %mul3A_157 : vector<2000x128xf32>
    %add3A_159 = arith.addf %sub3A_150, %mul3A_151 : vector<2000x128xf32>
    %sub3A_160 = arith.subf %add3A_159, %mul3A_152 : vector<2000x128xf32>
    %mul3A_161 = arith.constant 5.000000e-01 : f32
    %mul3A_162 = vector.broadcast %mul3A_161 : f32 to vector<2000x128xf32>
    %mul3A_163 = arith.mulf %mul3A_162, %sub3A_160 : vector<2000x128xf32>
    %add3A_164 = arith.constant 0.166666672 : f32
    %add3A_165 = vector.broadcast %add3A_164 : f32 to vector<2000x128xf32>
    %add3A_166 = arith.addf %add3A_165, %mul3A_163 : vector<2000x128xf32>
    %sub3A_167 = arith.constant 0.666666686 : f32
    %sub3A_168 = vector.broadcast %sub3A_167 : f32 to vector<2000x128xf32>
    %sub3A_169 = arith.subf %sub3A_168, %mul3A_151 : vector<2000x128xf32>
    %mul3A_170 = arith.constant 5.000000e-01 : f32
    %mul3A_171 = vector.broadcast %mul3A_170 : f32 to vector<2000x128xf32>
    %mul3A_172 = arith.mulf %mul3A_171, %mul3A_152 : vector<2000x128xf32>
    %add3A_173 = arith.addf %sub3A_169, %mul3A_172 : vector<2000x128xf32>
    %mul3A_174 = arith.mulf %sub3A_155, %sub3A_155 : vector<2000x128xf32>
    %mul3A_175 = arith.mulf %mul3A_174, %sub3A_155 : vector<2000x128xf32>
    %mul3A_176 = arith.constant 0.166666672 : f32
    %mul3A_177 = vector.broadcast %mul3A_176 : f32 to vector<2000x128xf32>
    %mul3A_178 = arith.mulf %mul3A_175, %mul3A_177 : vector<2000x128xf32>
    %eq3A_179 = arith.constant 0.000000e+00 : f32
    %eq3A_180 = vector.broadcast %eq3A_179 : f32 to vector<2000x128xf32>
    %eq3A_181 = arith.cmpf oeq, %floor3A_149, %eq3A_180 : vector<2000x128xf32>
    %eq3A_182 = arith.constant 1.000000e+00 : f32
    %eq3A_183 = vector.broadcast %eq3A_182 : f32 to vector<2000x128xf32>
    %eq3A_184 = arith.cmpf oeq, %floor3A_149, %eq3A_183 : vector<2000x128xf32>
    %eq3A_185 = arith.constant 2.000000e+00 : f32
    %eq3A_186 = vector.broadcast %eq3A_185 : f32 to vector<2000x128xf32>
    %eq3A_187 = arith.cmpf oeq, %floor3A_149, %eq3A_186 : vector<2000x128xf32>
    %eq3A_188 = arith.constant 3.000000e+00 : f32
    %eq3A_189 = vector.broadcast %eq3A_188 : f32 to vector<2000x128xf32>
    %eq3A_190 = arith.cmpf oeq, %floor3A_149, %eq3A_189 : vector<2000x128xf32>
    %eq3A_191 = arith.constant 4.000000e+00 : f32
    %eq3A_192 = vector.broadcast %eq3A_191 : f32 to vector<2000x128xf32>
    %eq3A_193 = arith.cmpf oeq, %floor3A_149, %eq3A_192 : vector<2000x128xf32>
    %eq3A_194 = arith.constant 5.000000e+00 : f32
    %eq3A_195 = vector.broadcast %eq3A_194 : f32 to vector<2000x128xf32>
    %eq3A_196 = arith.cmpf oeq, %floor3A_149, %eq3A_195 : vector<2000x128xf32>
    %eq3A_197 = arith.constant 6.000000e+00 : f32
    %eq3A_198 = vector.broadcast %eq3A_197 : f32 to vector<2000x128xf32>
    %eq3A_199 = arith.cmpf oeq, %floor3A_149, %eq3A_198 : vector<2000x128xf32>
    %eq3A_200 = arith.constant 7.000000e+00 : f32
    %eq3A_201 = vector.broadcast %eq3A_200 : f32 to vector<2000x128xf32>
    %eq3A_202 = arith.cmpf oeq, %floor3A_149, %eq3A_201 : vector<2000x128xf32>
    %eq3A_203 = arith.constant 8.000000e+00 : f32
    %eq3A_204 = vector.broadcast %eq3A_203 : f32 to vector<2000x128xf32>
    %eq3A_205 = arith.cmpf oeq, %floor3A_149, %eq3A_204 : vector<2000x128xf32>
    %eq3A_206 = arith.constant 9.000000e+00 : f32
    %eq3A_207 = vector.broadcast %eq3A_206 : f32 to vector<2000x128xf32>
    %eq3A_208 = arith.cmpf oeq, %floor3A_149, %eq3A_207 : vector<2000x128xf32>
    %eq3A_209 = arith.constant 1.000000e+01 : f32
    %eq3A_210 = vector.broadcast %eq3A_209 : f32 to vector<2000x128xf32>
    %eq3A_211 = arith.cmpf oeq, %floor3A_149, %eq3A_210 : vector<2000x128xf32>
    %broadcast_in_dim3A_212 = arith.constant 0.000000e+00 : f32
    %broadcast_in_dim3A_213 = vector.broadcast %broadcast_in_dim3A_212 : f32 to vector<2000x128xf32>
    %select_n3A_214 = arith.select %eq3A_181, %mul3A_158, %broadcast_in_dim3A_213 : vector<2000x128xi1>, vector<2000x128xf32>
    %select_n3A_215 = arith.select %eq3A_184, %add3A_166, %select_n3A_214 : vector<2000x128xi1>, vector<2000x128xf32>
    %select_n3A_216 = arith.select %eq3A_187, %add3A_173, %select_n3A_215 : vector<2000x128xi1>, vector<2000x128xf32>
    %select_n3A_217 = arith.select %eq3A_190, %mul3A_178, %select_n3A_216 : vector<2000x128xi1>, vector<2000x128xf32>
    %select_n3A_218 = arith.select %eq3A_184, %mul3A_158, %broadcast_in_dim3A_213 : vector<2000x128xi1>, vector<2000x128xf32>
    %select_n3A_219 = arith.select %eq3A_187, %add3A_166, %select_n3A_218 : vector<2000x128xi1>, vector<2000x128xf32>
    %select_n3A_220 = arith.select %eq3A_190, %add3A_173, %select_n3A_219 : vector<2000x128xi1>, vector<2000x128xf32>
    %select_n3A_221 = arith.select %eq3A_193, %mul3A_178, %select_n3A_220 : vector<2000x128xi1>, vector<2000x128xf32>
    %select_n3A_222 = arith.select %eq3A_187, %mul3A_158, %broadcast_in_dim3A_213 : vector<2000x128xi1>, vector<2000x128xf32>
    %select_n3A_223 = arith.select %eq3A_190, %add3A_166, %select_n3A_222 : vector<2000x128xi1>, vector<2000x128xf32>
    %select_n3A_224 = arith.select %eq3A_193, %add3A_173, %select_n3A_223 : vector<2000x128xi1>, vector<2000x128xf32>
    %select_n3A_225 = arith.select %eq3A_196, %mul3A_178, %select_n3A_224 : vector<2000x128xi1>, vector<2000x128xf32>
    %select_n3A_226 = arith.select %eq3A_190, %mul3A_158, %broadcast_in_dim3A_213 : vector<2000x128xi1>, vector<2000x128xf32>
    %select_n3A_227 = arith.select %eq3A_193, %add3A_166, %select_n3A_226 : vector<2000x128xi1>, vector<2000x128xf32>
    %select_n3A_228 = arith.select %eq3A_196, %add3A_173, %select_n3A_227 : vector<2000x128xi1>, vector<2000x128xf32>
    %select_n3A_229 = arith.select %eq3A_199, %mul3A_178, %select_n3A_228 : vector<2000x128xi1>, vector<2000x128xf32>
    %select_n3A_230 = arith.select %eq3A_193, %mul3A_158, %broadcast_in_dim3A_213 : vector<2000x128xi1>, vector<2000x128xf32>
    %select_n3A_231 = arith.select %eq3A_196, %add3A_166, %select_n3A_230 : vector<2000x128xi1>, vector<2000x128xf32>
    %select_n3A_232 = arith.select %eq3A_199, %add3A_173, %select_n3A_231 : vector<2000x128xi1>, vector<2000x128xf32>
    %select_n3A_233 = arith.select %eq3A_202, %mul3A_178, %select_n3A_232 : vector<2000x128xi1>, vector<2000x128xf32>
    %select_n3A_234 = arith.select %eq3A_196, %mul3A_158, %broadcast_in_dim3A_213 : vector<2000x128xi1>, vector<2000x128xf32>
    %select_n3A_235 = arith.select %eq3A_199, %add3A_166, %select_n3A_234 : vector<2000x128xi1>, vector<2000x128xf32>
    %select_n3A_236 = arith.select %eq3A_202, %add3A_173, %select_n3A_235 : vector<2000x128xi1>, vector<2000x128xf32>
    %select_n3A_237 = arith.select %eq3A_205, %mul3A_178, %select_n3A_236 : vector<2000x128xi1>, vector<2000x128xf32>
    %select_n3A_238 = arith.select %eq3A_199, %mul3A_158, %broadcast_in_dim3A_213 : vector<2000x128xi1>, vector<2000x128xf32>
    %select_n3A_239 = arith.select %eq3A_202, %add3A_166, %select_n3A_238 : vector<2000x128xi1>, vector<2000x128xf32>
    %select_n3A_240 = arith.select %eq3A_205, %add3A_173, %select_n3A_239 : vector<2000x128xi1>, vector<2000x128xf32>
    %select_n3A_241 = arith.select %eq3A_208, %mul3A_178, %select_n3A_240 : vector<2000x128xi1>, vector<2000x128xf32>
    %select_n3A_242 = arith.select %eq3A_202, %mul3A_158, %broadcast_in_dim3A_213 : vector<2000x128xi1>, vector<2000x128xf32>
    %select_n3A_243 = arith.select %eq3A_205, %add3A_166, %select_n3A_242 : vector<2000x128xi1>, vector<2000x128xf32>
    %select_n3A_244 = arith.select %eq3A_208, %add3A_173, %select_n3A_243 : vector<2000x128xi1>, vector<2000x128xf32>
    %select_n3A_245 = arith.select %eq3A_211, %mul3A_178, %select_n3A_244 : vector<2000x128xi1>, vector<2000x128xf32>
    %mul3A_246 = arith.mulf %dot_general3A_132, %div3A_142 : vector<2000x128xf32>
    %concatenate3A_247 = tpu.concatenate %mul3A_246, %select_n3A_217, %select_n3A_221, %select_n3A_225, %select_n3A_229, %select_n3A_233, %select_n3A_237, %select_n3A_241, %select_n3A_245 in 1 : vector<2000x128xf32>, vector<2000x128xf32>, vector<2000x128xf32>, vector<2000x128xf32>, vector<2000x128xf32>, vector<2000x128xf32>, vector<2000x128xf32>, vector<2000x128xf32>, vector<2000x128xf32> -> vector<2000x1152xf32>
    %get3A_248 = arith.constant 0 : index
    %get3A_249 = arith.constant 0 : index
    %get3A_250 = vector.load %arg5[%get3A_248, %get3A_249] : memref<1152x128xf32, #tpu.memory_space<vmem>>, vector<1152x128xf32>
    %dot_general3A_251 = arith.constant dense<0.000000e+00> : vector<2000x128xf32>
    %dot_general3A_252 = tpu.matmul %concatenate3A_247, %get3A_250, %dot_general3A_251 {dimension_numbers = #tpu.dot_dimension_numbers<[1], [0], [0], [1], [0, 0, 1, 1], [], []>, transpose_lhs_hint = false} : vector<2000x1152xf32>, vector<1152x128xf32>, vector<2000x128xf32> -> vector<2000x128xf32>
    %get3A_253 = arith.constant 0 : index
    %get3A_254 = arith.constant 0 : index
    %get3A_255 = arith.constant 0 : index
    %get3A_256 = vector.load %arg6[%get3A_253, %get3A_254, %get3A_255] : memref<1x1x2000xi32, #tpu.memory_space<vmem>>, vector<1x1x2000xi32>
    %get3A_257 = vector.shape_cast %get3A_256 : vector<1x1x2000xi32> to vector<2000xi32>
    %broadcast_in_dim3A_258 = vector.shape_cast %get3A_257 : vector<2000xi32> to vector<2000x1xi32>
    %iota3A = tpu.iota {dimensions = array<i32: 1>} : vector<2000x64xi32>
    %eq3A_259 = vector.broadcast %broadcast_in_dim3A_258 : vector<2000x1xi32> to vector<2000x64xi32>
    %eq3A_260 = arith.cmpi eq, %eq3A_259, %iota3A : vector<2000x64xi32>
    %convert_element_type3A_261 = arith.extui %eq3A_260 : vector<2000x64xi1> to vector<2000x64xi32>
    %convert_element_type3A_262 = arith.sitofp %convert_element_type3A_261 : vector<2000x64xi32> to vector<2000x64xf32>
    %get3A_263 = arith.constant 0 : index
    %get3A_264 = arith.constant 0 : index
    %get3A_265 = vector.load %arg7[%get3A_263, %get3A_264] : memref<64x128xf32, #tpu.memory_space<vmem>>, vector<64x128xf32>
    %dot_general3A_266 = arith.constant dense<0.000000e+00> : vector<64x128xf32>
    %dot_general3A_267 = tpu.matmul %convert_element_type3A_262, %dot_general3A_252, %dot_general3A_266 {dimension_numbers = #tpu.dot_dimension_numbers<[0], [0], [1], [1], [0, 1, 1, 1], [], []>, transpose_lhs_hint = false} : vector<2000x64xf32>, vector<2000x128xf32>, vector<64x128xf32> -> vector<64x128xf32>
    %add3A_268 = arith.addf %get3A_265, %dot_general3A_267 : vector<64x128xf32>
    %swap3A = arith.constant 0 : index
    %swap3A_269 = arith.constant 0 : index
    %swap3A_270 = vector.load %arg7[%swap3A, %swap3A_269] : memref<64x128xf32, #tpu.memory_space<vmem>>, vector<64x128xf32>
    tpu.vector_store %arg7[%swap3A, %swap3A_269], %add3A_268 {strides = array<i32>} : memref<64x128xf32, #tpu.memory_space<vmem>>, vector<64x128xf32>,
    %get3A_271 = arith.constant 0 : index
    %get3A_272 = arith.constant 0 : index
    %get3A_273 = vector.load %arg8[%get3A_271, %get3A_272] : memref<64x128xf32, #tpu.memory_space<vmem>>, vector<64x128xf32>
    %broadcast_in_dim3A_274 = arith.constant 1.000000e+00 : f32
    %broadcast_in_dim3A_275 = vector.broadcast %broadcast_in_dim3A_274 : f32 to vector<2000x128xf32>
    %dot_general3A_276 = arith.constant dense<0.000000e+00> : vector<64x128xf32>
    %dot_general3A_277 = tpu.matmul %convert_element_type3A_262, %broadcast_in_dim3A_275, %dot_general3A_276 {dimension_numbers = #tpu.dot_dimension_numbers<[0], [0], [1], [1], [0, 1, 1, 1], [], []>, transpose_lhs_hint = false} : vector<2000x64xf32>, vector<2000x128xf32>, vector<64x128xf32> -> vector<64x128xf32>
    %add3A_278 = arith.addf %get3A_273, %dot_general3A_277 : vector<64x128xf32>
    %swap3A_279 = arith.constant 0 : index
    %swap3A_280 = arith.constant 0 : index
    %swap3A_281 = vector.load %arg8[%swap3A_279, %swap3A_280] : memref<64x128xf32, #tpu.memory_space<vmem>>, vector<64x128xf32>
    tpu.vector_store %arg8[%swap3A_279, %swap3A_280], %add3A_278 {strides = array<i32>} : memref<64x128xf32, #tpu.memory_space<vmem>>, vector<64x128xf32>,
    %eq3A_282 = arith.constant 4 : i32
    %eq3A_283 = arith.cmpi eq, %arg0, %eq3A_282 : i32
    %convert_element_type3A_284 = arith.extui %eq3A_283 : i1 to i32
    %cond3A_285 = arith.constant 0 : i32
    %cond3A_286 = arith.cmpi ne, %convert_element_type3A_284, %cond3A_285 : i32
    scf.if %cond3A_286 {
      %get3A_287 = arith.constant 0 : index
      %get3A_288 = arith.constant 0 : index
      %get3A_289 = vector.load %arg7[%get3A_287, %get3A_288] : memref<64x128xf32, #tpu.memory_space<vmem>>, vector<64x128xf32>
      %get3A_290 = arith.constant 0 : index
      %get3A_291 = arith.constant 0 : index
      %get3A_292 = vector.load %arg8[%get3A_290, %get3A_291] : memref<64x128xf32, #tpu.memory_space<vmem>>, vector<64x128xf32>
      %max3A = arith.constant 1.000000e+00 : f32
      %max3A_293 = vector.broadcast %max3A : f32 to vector<64x128xf32>
      %max3A_294 = arith.maximumf %get3A_292, %max3A_293 : vector<64x128xf32>
      %div3A_295 = arith.divf %get3A_289, %max3A_294 : vector<64x128xf32>
      %swap3A_296 = arith.constant 0 : index
      %swap3A_297 = arith.constant 0 : index
      %swap3A_298 = vector.load %arg7[%swap3A_296, %swap3A_297] : memref<64x128xf32, #tpu.memory_space<vmem>>, vector<64x128xf32>
      tpu.vector_store %arg7[%swap3A_296, %swap3A_297], %div3A_295 {strides = array<i32>} : memref<64x128xf32, #tpu.memory_space<vmem>>, vector<64x128xf32>,
    } else {
    }
    return
  }
  func.func @transform_0(%arg0: i32) -> (i32, i32) {
    %c0_i32 = arith.constant 0 : i32
    %c0_i32_0 = arith.constant 0 : i32
    %c0_i32_1 = arith.constant 0 : i32
    return %c0_i32, %c0_i32_0 : i32, i32
  }
  func.func @transform_1(%arg0: i32) -> (i32, i32) {
    %c0_i32 = arith.constant 0 : i32
    %c0_i32_0 = arith.constant 0 : i32
    return %arg0, %c0_i32 : i32, i32
  }
  func.func @transform_2(%arg0: i32) -> (i32, i32, i32) {
    %c0_i32 = arith.constant 0 : i32
    %c0_i32_0 = arith.constant 0 : i32
    %c0_i32_1 = arith.constant 0 : i32
    return %c0_i32, %arg0, %c0_i32_0 : i32, i32, i32
  }
  func.func @transform_3(%arg0: i32) -> (i32, i32) {
    %c0_i32 = arith.constant 0 : i32
    %c0_i32_0 = arith.constant 0 : i32
    %c0_i32_1 = arith.constant 0 : i32
    return %c0_i32, %c0_i32_0 : i32, i32
  }
  func.func @transform_4(%arg0: i32) -> (i32, i32) {
    %c0_i32 = arith.constant 0 : i32
    %c0_i32_0 = arith.constant 0 : i32
    %c0_i32_1 = arith.constant 0 : i32
    return %c0_i32, %c0_i32_0 : i32, i32
  }
  func.func @transform_5(%arg0: i32) -> (i32, i32, i32) {
    %c0_i32 = arith.constant 0 : i32
    %c0_i32_0 = arith.constant 0 : i32
    %c0_i32_1 = arith.constant 0 : i32
    return %arg0, %c0_i32, %c0_i32_0 : i32, i32, i32
  }
  func.func @transform_6(%arg0: i32) -> (i32, i32) {
    %c0_i32 = arith.constant 0 : i32
    %c0_i32_0 = arith.constant 0 : i32
    %c0_i32_1 = arith.constant 0 : i32
    return %c0_i32, %c0_i32_0 : i32, i32
  }
}

</mosaic_0001>

<sc_bundles>
// kernel: kernel.11.cloned.1.call-start
scs
__scs_entry_jumppad:
0x0: {  	(pc) =	sbr.rel $0x88, $3  }
0x1: {  	(tag) =	ssettag $0x0;
	lr =	simm.s32 $0x1  }
0x2: {  	[smem:$0x3F89] =	sst lr;
	_ =	strace $0xD0000000  }
0x3: {  	_ = 	snop  }
0x4: {  	_ = 	snop  }
0x5: {  	_ = 	snop  }
0x6: {  	_ = 	snop  }
0x7: {  	_ = 	snop  }
__scs_overlays_trampoline_lowered:
0x8: {  	[smem:$0x3F98] =	sst s0  }
0x9: {  	[smem:$0x3F99] =	sst s1  }
0xa: {  	[smem:$0x3F9A] =	sst s2  }
0xb: {  	[smem:$0x3F9B] =	sst s3  }
0xc: {  	[smem:$0x3F9C] =	sst s4  }
0xd: {  	[smem:$0x3F9D] =	sst s5  }
0xe: {  	[smem:$0x3F9E] =	sst s6  }
0xf: {  	[smem:$0x3F9F] =	sst s7  }
0x10: {  	[smem:$0x3FA0] =	sst s8  }
0x11: {  	[smem:$0x3FA1] =	sst s9;
	s0 =	simm.s32 @!p0 $0x0  }
0x12: {  	s1 =	sld [smem:$0x3F87];
	s0 =	simm.s32 @p0 $0x1  }
0x13: {  	[smem:$0x3FA2] =	sst s0;
	s0 =	simm.s32 @!p1 $0x0  }
0x14: {  	s2 =	sld [smem:$0x3F86];
	s0 =	simm.s32 @p1 $0x1  }
0x15: {  	[smem:$0x3FA3] =	sst s0;
	s0 =	simm.s32 @!p2 $0x0  }
0x16: {  	s3 =	sld [smem:$0x3FDB];
	s0 =	simm.s32 @p2 $0x1  }
0x17: {  	s4 =	simm.s32 $0x1BF5;
	[smem:$0x3FA5] =	sst s0  }
0x18: {  	s0 =	sld [smem:$0x3F88];
	_ =	swait.ge [sflag:s4], $0x0  }
0x19: {  	s7 =	sld [smem:$0x3F89]  }
0x1a: {  	s8 =	sadd.s32 $0xFFFFE003, lr  }
0x1b: {  	s9 =	sadd.s32 $0xFFFFFEF7, lr;
	s5 =	simm.s32 $0xFFFFFFFF;
	p2 =	slt.u32 s8, $0xFFFFF086  }
0x1c: {  	p1 =	slt.u32 s9, $0xF7A;
	s5 =	simm.s32 @!p2 $0x0  }
0x1d: {  	s5 =	simm.s32 @p1 $0x1;
	p0 =	seq.s32 s7, s2  }
0x1e: {  	s7 =	smul.u32 @!p0 $0xF7A, s2;
	p2 =	seq.s32 @!p0 s5, $0x0  }
0x1f: {  	s9 =	smul.u32 $0xF7A, s1;
	s8 =	simm.s32 @!p0 $0x1BF5;
	p2 =	por !p2, p0  }
0x20: {  	[sflag:s8] =	ssyncset.s32 @!p0 $0xFFFFF086;
	s6 =	sadd.s32 @!p0 s3, s7;
	s7 =	simm.s32 @!p0 $0x108  }
0x21: {  	s3 =	sadd.s32 s3, s9;
	s6 =	sadd.s32 @!p0 $0x88, s6;
	s7 =	simm.s32 @p2 $0x1082  }
0x22: {  	[simem:s7], [sflag:s8] =	dma.local @!p0 [hbm:s6], $0xF7A  }
0x23: {  	s9 =	sor.u32 $0xD0000000, s2;
	s6 =	simm.s32 $0x108;
	_ =	swait.ge @!p0 [sflag:s8], $0x0  }
0x24: {  	s3 =	sadd.s32 $0x88, s3;
	s6 =	simm.s32 @!p1 $0x1082;
	[sflag:s4] =	ssyncset.s32 $0xFFFFF086  }
0x25: {  	[simem:s6], [sflag:s4] =	dma.local [hbm:s3], $0xF7A  }
0x26: {  	[smem:$0x3F89] =	sst s1;
	(tag) =	ssettag s2;
	_ =	strace s9  }
0x27: {  	s1 =	sld [smem:$0x3F99]  }
0x28: {  	s2 =	sld [smem:$0x3F9A]  }
0x29: {  	s4 =	sld [smem:$0x3F9C]  }
0x2a: {  	p0 =	seq.s32 s5, $0x0;
	s5 =	sld [smem:$0x3F9D]  }
0x2b: {  	s6 =	sld [smem:$0x3F9E]  }
0x2c: {  	s7 =	sld [smem:$0x3F9F]  }
0x2d: {  	s3 =	simm.s32 $0x108;
	s8 =	sld [smem:$0x3FA0]  }
0x2e: {  	s3 =	simm.s32 @!p0 $0x1082;
	s9 =	sld [smem:$0x3FA1]  }
0x2f: {  	lr =	sadd.s32 s0, s3;
	s0 =	sld [smem:$0x3F98]  }
0x30: {  	s3 =	sld [smem:$0x3F9B]  }
0x31: {  	[smem:$0x3FA4] =	sst s10  }
0x32: {  	s10 =	sld [smem:$0x3FA2];
	_ =	sdelay $0x3  }
0x33: {  	p0 =	seq.s32 s10, $0x1;
	s10 =	sld [smem:$0x3FA4];
	_ =	sdelay $0x3  }
0x34: {  	[smem:$0x3FA4] =	sst s10  }
0x35: {  	s10 =	sld [smem:$0x3FA3];
	_ =	sdelay $0x3  }
0x36: {  	p1 =	seq.s32 s10, $0x1;
	s10 =	sld [smem:$0x3FA4];
	_ =	sdelay $0x3  }
0x37: {  	[smem:$0x3FA4] =	sst s10  }
0x38: {  	s10 =	sld [smem:$0x3FA5]  }
0x39: {  	_ = 	snop;
	(pc) =	sbr.ind lr, $3  }
0x3a: {  	_ = 	snop  }
0x3b: {  	_ = 	snop  }
0x3c: {  	p2 =	seq.s32 s10, $0x1;
	s10 =	sld [smem:$0x3FA4]  }
0x3d: {  	_ =	shalt  }
0x3e: {  	_ =	shalt  }
0x3f: {  	_ =	shalt  }
0x40: {  	_ =	shalt  }
0x41: {  	_ =	shalt  }
0x42: {  	_ =	shalt  }
0x43: {  	_ =	shalt  }
0x44: {  	_ =	shalt  }
0x45: {  	_ =	shalt  }
0x46: {  	_ =	shalt  }
0x47: {  	_ =	shalt  }
0x48: {  	_ =	shalt  }
0x49: {  	_ =	shalt  }
0x4a: {  	_ =	shalt  }
0x4b: {  	_ =	shalt  }
0x4c: {  	_ =	shalt  }
0x4d: {  	_ =	shalt  }
0x4e: {  	_ =	shalt  }
0x4f: {  	_ =	shalt  }
0x50: {  	_ =	shalt  }
0x51: {  	_ =	shalt  }
0x52: {  	_ =	shalt  }
0x53: {  	_ =	shalt  }
0x54: {  	_ =	shalt  }
0x55: {  	_ =	shalt  }
0x56: {  	_ =	shalt  }
0x57: {  	_ =	shalt  }
0x58: {  	_ =	shalt  }
0x59: {  	_ =	shalt  }
0x5a: {  	_ =	shalt  }
0x5b: {  	_ =	shalt  }
0x5c: {  	_ =	shalt  }
0x5d: {  	_ =	shalt  }
0x5e: {  	_ =	shalt  }
0x5f: {  	_ =	shalt  }
0x60: {  	_ =	shalt  }
0x61: {  	_ =	shalt  }
0x62: {  	_ =	shalt  }
0x63: {  	_ =	shalt  }
0x64: {  	_ =	shalt  }
0x65: {  	_ =	shalt  }
0x66: {  	_ =	shalt  }
0x67: {  	_ =	shalt  }
0x68: {  	_ =	shalt  }
0x69: {  	_ =	shalt  }
0x6a: {  	_ =	shalt  }
0x6b: {  	_ =	shalt  }
0x6c: {  	_ =	shalt  }
0x6d: {  	_ =	shalt  }
0x6e: {  	_ =	shalt  }
0x6f: {  	_ =	shalt  }
0x70: {  	_ =	shalt  }
0x71: {  	_ =	shalt  }
0x72: {  	_ =	shalt  }
0x73: {  	_ =	shalt  }
0x74: {  	_ =	shalt  }
0x75: {  	_ =	shalt  }
0x76: {  	_ =	shalt  }
0x77: {  	_ =	shalt  }
0x78: {  	_ =	shalt  }
0x79: {  	_ =	shalt  }
0x7a: {  	_ =	shalt  }
0x7b: {  	_ =	shalt  }
0x7c: {  	_ =	shalt  }
0x7d: {  	_ =	shalt  }
0x7e: {  	_ =	shalt  }
0x7f: {  	_ =	shalt  }
0x80: {  	_ =	shalt  }
0x81: {  	_ =	shalt  }
0x82: {  	_ =	shalt  }
0x83: {  	_ =	shalt  }
0x84: {  	_ =	shalt  }
0x85: {  	_ =	shalt  }
0x86: {  	_ =	shalt  }
0x87: {  	_ =	shalt  }
.Lfunc_end0:
.L_simem_size_0:
called_computation.1_lowered:
.L_overlay_start_0:
0x88: {  	s2 =	sld [smem:$0x3FD9]  }
0x89: {  	s3 =	sld [smem:$0x3FFE];
	_ =	sdelay $0x1  }
0x8a: {  	s1 =	srdreg.scid  }
0x8b: {  	s0 =	sand.u32 $0x1, s1  }
0x8c: {  	s16 =	sshll.u32 s0, $0xA;
	s2 =	sadd.s32 s3, s2  }
0x8d: {  	s2 =	sadd.s32 s2, s16  }
0x8e: {  	[smem:$0x3FB0] =	sst s2  }
0x8f: {  	_ = 	snop  }
0x90: {  	(tm) =	ssettm $0x1  }
0x91: {  	s17 =	sld [smem:$0x3FFB];
	_ =	sdelay $0x3  }
0x92: {  	_ =	strace s17  }
0x93: {  	s2 =	sld [smem:$0x3FFC];
	_ =	sdelay $0x3  }
0x94: {  	_ =	strace s2  }
0x95: {  	s2 =	sld [smem:$0x3FFD];
	_ =	sdelay $0x3  }
0x96: {  	_ =	strace s2  }
0x97: {  	_ =	strace $0x8FFFFFFF  }
0x98: {  	s18 =	sld [smem:$0x3FDB];
	_ =	sdelay $0x1  }
0x99: {  	s19 =	simm.s32 $_scs_section_size  }
0x9a: {  	s4 =	simm.s32 $_size__tile_overlayer_lowered;
	s5 =	simm.s32 $_tile_overlayer_lowered  }
0x9b: {  	s22 =	simm.s32 $0x1BFF;
	s21 =	sshll.u32 s5, $0x1;
	s2 =	sadd.s32 s19, s18  }
0x9c: {  	s6 =	simm.s32 $0x0;
	s20 =	sshll.u32 s4, $0x1;
	s4 =	sadd.s32 s21, s2  }
0x9d: {  	[timem:s6], [sflag:s22] =	dma.local [hbm:s4], s20  }
0x9e: {  	_ =	swait.ge [sflag:s22], s20  }
0x9f: {  	s3 =	ssub.s32 $0x0, s20;
	[sflag:s22] =	ssyncset.done $0x0  }
0xa0: {  	[sflag:s22] =	ssyncadd.s32 s3;
	_ =	sdelay $0x1  }
0xa1: {  	s23 =	simm.s32 $0x1B8B  }
0xa2: {  	_ =	swait.ge [sflag:s23], $0x1  }
0xa3: {  	[sflag:s23] =	ssyncset.done $0x0  }
0xa4: {  	s25 =	simm.s32 $0x1B8E;
	s24 =	sld [smem:$0x3FFE];
	[sflag:s23] =	ssyncadd.s32 $0xFFFFFFFF  }
0xa5: {  	s26 =	simm.s32 $execute0_lowered;
	[smem:$0x3FD2] =	sst s25  }
0xa6: {  	s4 =	sshll.u32 s26, $0x1;
	_ =	strace $0x80000049;
	[dreg:$0x1] =	wrdreg $0xFFFFFFFF  }
0xa7: {  	s28 =	simm.s32 $_size_execute0_lowered;
	s2 =	sadd.s32 s2, s4;
	[dreg:$0x0] =	wrdreg $0x0  }
0xa8: {  	s4 =	sshll.u32 s28, $0x1;
	[dreg:$0x2] =	wrdreg s2  }
0xa9: {  	[dreg:$0x3] =	wrdreg s4  }
0xaa: {  	[dreg:$0x4] =	wrdreg $0xC0  }
0xab: {  	_ =	task [dreg:s6], $0x5FFFF  }
0xac: {  	[dreg:$0x1] =	wrdreg $0xFFFFFFFF  }
0xad: {  	[dreg:$0x0] =	wrdreg $0x60  }
0xae: {  	[dreg:$0x2] =	wrdreg s24  }
0xaf: {  	[dreg:$0x3] =	wrdreg $0xA8000  }
0xb0: {  	[dreg:$0x4] =	wrdreg $0x9  }
0xb1: {  	_ =	task.clear_ibuf [dreg:s6], $0x5FFFF;
	_ =	strace $0x90000049  }
0xb2: {  	s29 =	simm.s32 $0x9;
	_ =	strace $0x8000004B  }
0xb3: {  	_ =	swait.ge [sflag:s29], $0x1  }
0xb4: {  	[sflag:s29] =	ssyncadd.s32 $0xFFFFFFFF  }
0xb5: {  	_ =	strace $0x9000004B  }
0xb6: {  	_ =	sfence  }
0xb7: {  	s30 =	sld [smem:$0x0];
	_ =	sdelay $0x2  }
0xb8: {  	s31 =	sshll.u32 s1, $0xD;
	s1 =	sshrl.u32 s1, $0x2  }
0xb9: {  	s3 =	sand.u32 $0x4000, s31;
	s1 =	sadd.s32 s1, s30  }
0xba: {  	s0 =	sor.u32 s3, s0;
	s1 =	sshll.u32 s1, $0x11  }
0xbb: {  	s0 =	sor.u32 s1, s0  }
0xbc: {  	s0 =	sadd.s32 $0x8F2B, s0  }
0xbd: {  	[sflag:s0] =	ssyncadd.remote.s32 $0x1  }
0xbe: {  	_ =	sfence.sel $0xFFFF  }
0xbf: {  	[dreg:$0x0] =	wrdreg $0xFFFFFFFF;
	(pc) =	sbr.abs _section_cstart, $3  }
0xc0: {  	[dreg:$0x1] =	wrdreg $0xFFFFFFFF  }
0xc1: {  	_ =	task.clear_ibuf [dreg:s6], $0x2FFFF;
	_ =	strace $0x9FFFFFFF  }
0xc2: {  	(tm) =	ssettm $0x7FFFFFFF  }
0xc3: {  	_ =	shalt  }
tec
execute0_lowered:
.L_overlay_start_1:
0x0: {  	(tag) =	ssettag $0x1  }
0x1: {  	s6 =	rddreg [dreg:$0x0]  }
0x2: {  	s1 =	rddreg [dreg:$0x1]  }
0x3: {  	s0 =	rddreg [dreg:$0x2];
	s3 =	simm.s32 $0x0;
	s2 =	srdreg.scid  }
0x4: {  	s16 =	simm.s32 $0x80;
	s17 =	simm.s32 $0x2800;
	s18 =	simm.s32 $0x6800  }
0x5: {  	s19 =	simm.s32 $0x1;
	s20 =	simm.s32 $0x2;
	s21 =	simm.s32 $0x1380  }
0x6: {  	s22 =	simm.s32 $0x2700;
	s23 =	simm.s32 $0x2780;
	[smem:$0x7FF] =	sst s3  }
0x7: {  	s7 =	sand.u32 $0x1, s2;
	s2 =	stileid.u32;
	s4 =	sadd.s32 $0x1B400, s6  }
0x8: {  	s10 =	sadd.s32 $0x4C00, s6;
	s11 =	sadd.s32 $0xEC00, s6;
	s8 =	smul.u32 $0x140000, s7  }
0x9: {  	s5 =	sadd.s32 $0x18C00, s6;
	_ =	strace $0x8000004A;
	s9 =	smul.u32 $0x14000, s2  }
0xa: {  	s24 =	sshll.u32 s7, $0x4;
	s7 =	ssub.s32 $0x2, s7;
	s12 =	smul.u32 $0x50000, s2  }
0xb: {  	s26 =	sshll.u32 s2, $0x6;
	s13 =	sshrl.u32 s7, $0x1;
	s8 =	sadd.s32 s9, s8  }
0xc: {  	s9 =	sor.u32 s2, s24;
	s13 =	ssub.s32 s7, s13;
	s25 =	sshrl.u32 s12, $0x2  }
0xd: {  	s24 =	simm.s32 $0x0;
	s8 =	sshrl.u32 s8, $0x3;
	s14 =	smul.u32 $0x2800, s9  }
0xe: {  	s28 =	smul.u32 $0x500, s9;
	s30 =	sadd.s32 s25, s1;
	s12 =	smax.u32 s13, $0x1  }
0xf: {  	s15 =	sadd.s32 s8, s6;
	s6 =	sor.u32 $0x1C03, s26;
	s29 =	sshrl.u32 s14, $0x3  }
0x10: {  	s13 =	sshrl.u32 s30, $0x3;
	s7 =	sadd.s32 s10, s28;
	s31 =	sadd.s32 $0x280, s29  }
0x11: {  	s8 =	sadd.s32 s11, s28;
	s14 =	simm.s32 $0x3;
	s9 =	sadd.s32 s10, s31  }
0x12: {  	s10 =	sadd.s32 s11, s31;
	s11 =	sadd.s32 $0x42600, s15;
	s15 =	simm.s32 $0x1400  }
.LBB2_1:
0x13: {  	[spmem:s13], [sflag:s6] =	dma.local [hbm:s5], $0x2800  }
0x14: {  	_ =	swait.ge [sflag:s14], $0x2800  }
0x15: {  	[sflag:s14] =	ssyncset.done $0x0  }
0x16: {  	[sflag:s14] =	ssyncadd.s32 $0xFFFFD800  }
0x17: {  	[bflag:$0x0] =	sbarrier.arrive $0xFFFF  }
0x18: {  	[tilespmem:s3], [sflag:$0x3] =	stream.linear.gather [hbm4b:s7+s3], $0x1400, $0x38;
	[tilespmem:$0x1E800] =	vst v63  }
0x19: {  	_ =	swait.ge [sflag:s14], $0x1400  }
0x1a: {  	[sflag:s14] =	ssyncset.done $0x0  }
0x1b: {  	[sflag:s14] =	ssyncadd.s32 $0xFFFFEC00  }
0x1c: {  	[tilespmem:s15], [sflag:$0x3] =	stream.linear.gather [hbm4b:s8+s3], $0x1400, $0x38;
	[tilespmem:$0x1E800] =	vst v63  }
0x1d: {  	_ =	swait.ge [sflag:s14], $0x1400  }
0x1e: {  	[sflag:s14] =	ssyncset.done $0x0  }
0x1f: {  	[sflag:s14] =	ssyncadd.s32 $0xFFFFEC00  }
0x20: {  	[tilespmem:s17], [sflag:$0x1] =	stream.indirect.gather [hbm4b:s4+s16], $0x80, s3, s16, $0xb8;
	[tilespmem:$0x1E800] =	vst v63  }
0x21: {  	s25 =	simm.s32 $0x80  }
0x22: {  	[tilespmem:s18], [sflag:$0x2] =	stream.indirect.gather [hbm4b:s4+s16], $0x80, s25, s16, $0xb8;
	[tilespmem:$0x1E800] =	vst v63  }
0x23: {  	_ =	swait.ge [sflag:s19], $0x4000  }
0x24: {  	[sflag:s19] =	ssyncset.done $0x0  }
0x25: {  	s29 =	simm.s32 $0x1400;
	[sflag:s19] =	ssyncadd.s32 $0xFFFFC000  }
0x26: {  	[spmem:s1] =	stream.indirect.scatter.add.f32 [tilespmem:s17], [sflag:$0x3], $0x80, s29, s16, $0xb8;
	[tilespmem:$0x1E800] =	vst v63  }
0x27: {  	_ =	swait.ge [sflag:s14], $0x4000  }
0x28: {  	[sflag:s14] =	ssyncset.done $0x0  }
0x29: {  	s30 =	simm.s32 $0x100;
	[sflag:s14] =	ssyncadd.s32 $0xFFFFC000  }
0x2a: {  	[tilespmem:s17], [sflag:$0x1] =	stream.indirect.gather [hbm4b:s4+s16], $0x80, s30, s16, $0xb8;
	[tilespmem:$0x1E800] =	vst v63  }
0x2b: {  	_ =	swait.ge [sflag:s20], $0x4000  }
0x2c: {  	[sflag:s20] =	ssyncset.done $0x0  }
0x2d: {  	s31 =	simm.s32 $0x1480;
	[sflag:s20] =	ssyncadd.s32 $0xFFFFC000  }
0x2e: {  	[spmem:s1] =	stream.indirect.scatter.add.f32 [tilespmem:s18], [sflag:$0x3], $0x80, s31, s16, $0xb8;
	[tilespmem:$0x1E800] =	vst v63  }
0x2f: {  	_ =	swait.ge [sflag:s14], $0x4000  }
0x30: {  	s26 =	simm.s32 $0x800;
	s25 =	simm.s32 $0x100;
	[sflag:s14] =	ssyncset.done $0x0  }
.LBB2_2:
0x31: {  	s28 =	sadd.s32 $0x80, s25  }
0x32: {  	[sflag:s14] =	ssyncadd.s32 $0xFFFFC000;
	s29 =	smov.u32 s26;
	s30 =	sadd.s32 $0x400, s26  }
0x33: {  	[tilespmem:s18], [sflag:$0x2] =	stream.indirect.gather [hbm4b:s4+s16], $0x80, s28, s16, $0xb8;
	[tilespmem:$0x1E800] =	vst v63  }
0x34: {  	p0 =	sne.s32 s26, $0x4800;
	_ =	swait.ge [sflag:s19], $0x4000  }
0x35: {  	[sflag:s19] =	ssyncset.done $0x0  }
0x36: {  	s26 =	sadd.s32 $0x1400, s25;
	[sflag:s19] =	ssyncadd.s32 $0xFFFFC000  }
0x37: {  	[spmem:s1] =	stream.indirect.scatter.add.f32 [tilespmem:s17], [sflag:$0x3], $0x80, s26, s16, $0xb8;
	[tilespmem:$0x1E800] =	vst v63  }
0x38: {  	_ =	swait.ge [sflag:s14], $0x4000  }
0x39: {  	[sflag:s14] =	ssyncset.done $0x0  }
0x3a: {  	s26 =	sadd.s32 $0x100, s25;
	[sflag:s14] =	ssyncadd.s32 $0xFFFFC000  }
0x3b: {  	[tilespmem:s17], [sflag:$0x1] =	stream.indirect.gather [hbm4b:s4+s16], $0x80, s26, s16, $0xb8;
	[tilespmem:$0x1E800] =	vst v63  }
0x3c: {  	_ =	swait.ge [sflag:s20], $0x4000  }
.Ltmp0:
0x3d: {  	[sflag:s20] =	ssyncset.done $0x0;
	(pc) =	sbr.rel @p0 .LBB2_2-.Ltmp0, $4  }
0x3e: {  	s25 =	sadd.s32 $0x1480, s25;
	[sflag:s20] =	ssyncadd.s32 $0xFFFFC000  }
0x3f: {  	[spmem:s1] =	stream.indirect.scatter.add.f32 [tilespmem:s18], [sflag:$0x3], $0x80, s25, s16, $0xb8;
	[tilespmem:$0x1E800] =	vst v63  }
0x40: {  	_ =	swait.ge [sflag:s14], $0x4000  }
0x41: {  	s26 =	smov.u32 s30;
	s25 =	sshra.s32 s29, $0x2;
	[sflag:s14] =	ssyncset.done $0x0  }
0x42: {  	s26 =	sadd.s32 $0x80, s25;
	[sflag:s14] =	ssyncadd.s32 $0xFFFFC000  }
0x43: {  	[tilespmem:s18], [sflag:$0x2] =	stream.indirect.gather [hbm4b:s4+s16], $0x80, s26, s16, $0xb8;
	[tilespmem:$0x1E800] =	vst v63  }
0x44: {  	_ =	swait.ge [sflag:s19], $0x4000  }
0x45: {  	[sflag:s19] =	ssyncset.done $0x0  }
0x46: {  	s29 =	sadd.s32 $0x1400, s25;
	[sflag:s19] =	ssyncadd.s32 $0xFFFFC000  }
0x47: {  	[spmem:s1] =	stream.indirect.scatter.add.f32 [tilespmem:s17], [sflag:$0x3], $0x80, s29, s16, $0xb8;
	[tilespmem:$0x1E800] =	vst v63  }
0x48: {  	_ =	swait.ge [sflag:s14], $0x4000  }
0x49: {  	[sflag:s14] =	ssyncset.done $0x0  }
0x4a: {  	s30 =	sadd.s32 $0x100, s25;
	[sflag:s14] =	ssyncadd.s32 $0xFFFFC000  }
0x4b: {  	[tilespmem:s17], [sflag:$0x1] =	stream.indirect.gather [hbm4b:s4+s16], $0x80, s30, s16, $0xb8;
	[tilespmem:$0x1E800] =	vst v63  }
0x4c: {  	_ =	swait.ge [sflag:s20], $0x4000  }
0x4d: {  	[sflag:s20] =	ssyncset.done $0x0  }
0x4e: {  	s31 =	sadd.s32 $0x1480, s25;
	[sflag:s20] =	ssyncadd.s32 $0xFFFFC000  }
0x4f: {  	[spmem:s1] =	stream.indirect.scatter.add.f32 [tilespmem:s18], [sflag:$0x3], $0x80, s31, s16, $0xb8;
	[tilespmem:$0x1E800] =	vst v63  }
0x50: {  	_ =	swait.ge [sflag:s14], $0x4000  }
0x51: {  	[sflag:s14] =	ssyncset.done $0x0  }
0x52: {  	[sflag:s14] =	ssyncadd.s32 $0xFFFFC000  }
0x53: {  	[tilespmem:s18], [sflag:$0x2] =	stream.indirect.gather [hbm4b:s4+s16], $0x80, s21, s16, $0xb8;
	[tilespmem:$0x1E800] =	vst v63  }
0x54: {  	_ =	swait.ge [sflag:s19], $0x4000  }
0x55: {  	[sflag:s19] =	ssyncset.done $0x0  }
0x56: {  	[sflag:s19] =	ssyncadd.s32 $0xFFFFC000  }
0x57: {  	[spmem:s1] =	stream.indirect.scatter.add.f32 [tilespmem:s17], [sflag:$0x3], $0x80, s22, s16, $0xb8;
	[tilespmem:$0x1E800] =	vst v63  }
0x58: {  	_ =	swait.ge [sflag:s14], $0x4000  }
0x59: {  	[sflag:s14] =	ssyncset.done $0x0  }
0x5a: {  	[sflag:s14] =	ssyncadd.s32 $0xFFFFC000  }
0x5b: {  	_ =	swait.ge [sflag:s20], $0x4000  }
0x5c: {  	[sflag:s20] =	ssyncset.done $0x0  }
0x5d: {  	[sflag:s20] =	ssyncadd.s32 $0xFFFFC000  }
0x5e: {  	[spmem:s1] =	stream.indirect.scatter.add.f32 [tilespmem:s18], [sflag:$0x3], $0x80, s23, s16, $0xb8;
	[tilespmem:$0x1E800] =	vst v63  }
0x5f: {  	_ =	swait.ge [sflag:s14], $0x4000  }
0x60: {  	[sflag:s14] =	ssyncset.done $0x0  }
0x61: {  	s26 =	simm.s32 $0x0;
	[sflag:s14] =	ssyncadd.s32 $0xFFFFC000  }
0x62: {  	[tilespmem:s26], [sflag:$0x3] =	stream.linear.gather [hbm4b:s9+s26], $0x1400, $0x38;
	[tilespmem:$0x1E800] =	vst v63  }
0x63: {  	_ =	swait.ge [sflag:s14], $0x1400  }
0x64: {  	[sflag:s14] =	ssyncset.done $0x0  }
0x65: {  	[sflag:s14] =	ssyncadd.s32 $0xFFFFEC00  }
0x66: {  	[tilespmem:s15], [sflag:$0x3] =	stream.linear.gather [hbm4b:s10+s26], $0x1400, $0x38;
	[tilespmem:$0x1E800] =	vst v63  }
0x67: {  	_ =	swait.ge [sflag:s14], $0x1400  }
0x68: {  	[sflag:s14] =	ssyncset.done $0x0  }
0x69: {  	[sflag:s14] =	ssyncadd.s32 $0xFFFFEC00  }
0x6a: {  	[tilespmem:s17], [sflag:$0x1] =	stream.indirect.gather [hbm4b:s4+s16], $0x80, s26, s16, $0xb8;
	[tilespmem:$0x1E800] =	vst v63  }
0x6b: {  	s28 =	simm.s32 $0x80  }
0x6c: {  	[tilespmem:s18], [sflag:$0x2] =	stream.indirect.gather [hbm4b:s4+s16], $0x80, s28, s16, $0xb8;
	[tilespmem:$0x1E800] =	vst v63  }
0x6d: {  	_ =	swait.ge [sflag:s19], $0x4000  }
0x6e: {  	[sflag:s19] =	ssyncset.done $0x0  }
0x6f: {  	s29 =	simm.s32 $0x1400;
	[sflag:s19] =	ssyncadd.s32 $0xFFFFC000  }
0x70: {  	[spmem:s1] =	stream.indirect.scatter.add.f32 [tilespmem:s17], [sflag:$0x3], $0x80, s29, s16, $0xb8;
	[tilespmem:$0x1E800] =	vst v63  }
0x71: {  	_ =	swait.ge [sflag:s14], $0x4000  }
0x72: {  	[sflag:s14] =	ssyncset.done $0x0  }
0x73: {  	s30 =	simm.s32 $0x100;
	[sflag:s14] =	ssyncadd.s32 $0xFFFFC000  }
0x74: {  	[tilespmem:s17], [sflag:$0x1] =	stream.indirect.gather [hbm4b:s4+s16], $0x80, s30, s16, $0xb8;
	[tilespmem:$0x1E800] =	vst v63  }
0x75: {  	_ =	swait.ge [sflag:s20], $0x4000  }
0x76: {  	[sflag:s20] =	ssyncset.done $0x0  }
0x77: {  	s31 =	simm.s32 $0x1480;
	[sflag:s20] =	ssyncadd.s32 $0xFFFFC000  }
0x78: {  	[spmem:s1] =	stream.indirect.scatter.add.f32 [tilespmem:s18], [sflag:$0x3], $0x80, s31, s16, $0xb8;
	[tilespmem:$0x1E800] =	vst v63  }
0x79: {  	_ =	swait.ge [sflag:s14], $0x4000  }
0x7a: {  	s25 =	simm.s32 $0x100;
	s26 =	simm.s32 $0x800;
	[sflag:s14] =	ssyncset.done $0x0  }
.LBB2_4:
0x7b: {  	s28 =	sadd.s32 $0x80, s25  }
0x7c: {  	[sflag:s14] =	ssyncadd.s32 $0xFFFFC000;
	s29 =	smov.u32 s26;
	s30 =	sadd.s32 $0x400, s26  }
0x7d: {  	[tilespmem:s18], [sflag:$0x2] =	stream.indirect.gather [hbm4b:s4+s16], $0x80, s28, s16, $0xb8;
	[tilespmem:$0x1E800] =	vst v63  }
0x7e: {  	p0 =	sne.s32 s26, $0x4800;
	_ =	swait.ge [sflag:s19], $0x4000  }
0x7f: {  	[sflag:s19] =	ssyncset.done $0x0  }
0x80: {  	s26 =	sadd.s32 $0x1400, s25;
	[sflag:s19] =	ssyncadd.s32 $0xFFFFC000  }
0x81: {  	[spmem:s1] =	stream.indirect.scatter.add.f32 [tilespmem:s17], [sflag:$0x3], $0x80, s26, s16, $0xb8;
	[tilespmem:$0x1E800] =	vst v63  }
0x82: {  	_ =	swait.ge [sflag:s14], $0x4000  }
0x83: {  	[sflag:s14] =	ssyncset.done $0x0  }
0x84: {  	s26 =	sadd.s32 $0x100, s25;
	[sflag:s14] =	ssyncadd.s32 $0xFFFFC000  }
0x85: {  	[tilespmem:s17], [sflag:$0x1] =	stream.indirect.gather [hbm4b:s4+s16], $0x80, s26, s16, $0xb8;
	[tilespmem:$0x1E800] =	vst v63  }
0x86: {  	_ =	swait.ge [sflag:s20], $0x4000  }
.Ltmp1:
0x87: {  	[sflag:s20] =	ssyncset.done $0x0;
	(pc) =	sbr.rel @p0 .LBB2_4-.Ltmp1, $4  }
0x88: {  	s25 =	sadd.s32 $0x1480, s25;
	[sflag:s20] =	ssyncadd.s32 $0xFFFFC000  }
0x89: {  	[spmem:s1] =	stream.indirect.scatter.add.f32 [tilespmem:s18], [sflag:$0x3], $0x80, s25, s16, $0xb8;
	[tilespmem:$0x1E800] =	vst v63  }
0x8a: {  	_ =	swait.ge [sflag:s14], $0x4000  }
0x8b: {  	s26 =	smov.u32 s30;
	s25 =	sshra.s32 s29, $0x2;
	[sflag:s14] =	ssyncset.done $0x0  }
0x8c: {  	s26 =	sadd.s32 $0x80, s25;
	[sflag:s14] =	ssyncadd.s32 $0xFFFFC000  }
0x8d: {  	[tilespmem:s18], [sflag:$0x2] =	stream.indirect.gather [hbm4b:s4+s16], $0x80, s26, s16, $0xb8;
	[tilespmem:$0x1E800] =	vst v63  }
0x8e: {  	_ =	swait.ge [sflag:s19], $0x4000  }
0x8f: {  	[sflag:s19] =	ssyncset.done $0x0  }
0x90: {  	s29 =	sadd.s32 $0x1400, s25;
	[sflag:s19] =	ssyncadd.s32 $0xFFFFC000  }
0x91: {  	[spmem:s1] =	stream.indirect.scatter.add.f32 [tilespmem:s17], [sflag:$0x3], $0x80, s29, s16, $0xb8;
	[tilespmem:$0x1E800] =	vst v63  }
0x92: {  	_ =	swait.ge [sflag:s14], $0x4000  }
0x93: {  	[sflag:s14] =	ssyncset.done $0x0  }
0x94: {  	s30 =	sadd.s32 $0x100, s25;
	[sflag:s14] =	ssyncadd.s32 $0xFFFFC000  }
0x95: {  	[tilespmem:s17], [sflag:$0x1] =	stream.indirect.gather [hbm4b:s4+s16], $0x80, s30, s16, $0xb8;
	[tilespmem:$0x1E800] =	vst v63  }
0x96: {  	_ =	swait.ge [sflag:s20], $0x4000  }
0x97: {  	[sflag:s20] =	ssyncset.done $0x0  }
0x98: {  	s31 =	sadd.s32 $0x1480, s25;
	[sflag:s20] =	ssyncadd.s32 $0xFFFFC000  }
0x99: {  	[spmem:s1] =	stream.indirect.scatter.add.f32 [tilespmem:s18], [sflag:$0x3], $0x80, s31, s16, $0xb8;
	[tilespmem:$0x1E800] =	vst v63  }
0x9a: {  	_ =	swait.ge [sflag:s14], $0x4000  }
0x9b: {  	[sflag:s14] =	ssyncset.done $0x0  }
0x9c: {  	[sflag:s14] =	ssyncadd.s32 $0xFFFFC000  }
0x9d: {  	[tilespmem:s18], [sflag:$0x2] =	stream.indirect.gather [hbm4b:s4+s16], $0x80, s21, s16, $0xb8;
	[tilespmem:$0x1E800] =	vst v63  }
0x9e: {  	_ =	swait.ge [sflag:s19], $0x4000  }
0x9f: {  	[sflag:s19] =	ssyncset.done $0x0  }
0xa0: {  	[sflag:s19] =	ssyncadd.s32 $0xFFFFC000  }
0xa1: {  	[spmem:s1] =	stream.indirect.scatter.add.f32 [tilespmem:s17], [sflag:$0x3], $0x80, s22, s16, $0xb8;
	[tilespmem:$0x1E800] =	vst v63  }
0xa2: {  	_ =	swait.ge [sflag:s14], $0x4000  }
0xa3: {  	[sflag:s14] =	ssyncset.done $0x0  }
0xa4: {  	[sflag:s14] =	ssyncadd.s32 $0xFFFFC000  }
0xa5: {  	_ =	swait.ge [sflag:s20], $0x4000  }
0xa6: {  	[sflag:s20] =	ssyncset.done $0x0  }
0xa7: {  	[sflag:s20] =	ssyncadd.s32 $0xFFFFC000  }
0xa8: {  	[spmem:s1] =	stream.indirect.scatter.add.f32 [tilespmem:s18], [sflag:$0x3], $0x80, s23, s16, $0xb8;
	[tilespmem:$0x1E800] =	vst v63  }
0xa9: {  	_ =	swait.ge [sflag:s14], $0x4000  }
0xaa: {  	s24 =	sadd.s32 $0x1, s24;
	[sflag:s14] =	ssyncset.done $0x0  }
0xab: {  	p0 =	sne.s32 s24, s12;
	[sflag:s14] =	ssyncadd.s32 $0xFFFFC000  }
.Ltmp2:
0xac: {  	[bflag:$0x0] =	sbarrier.arrive $0xFFFF;
	(pc) =	sbr.rel @p0 .LBB2_1-.Ltmp2, $4  }
0xad: {  	[hbm:s11], [sflag:s6] =	dma.local [spmem:s13], $0x2800  }
0xae: {  	_ =	swait.ge [sflag:s14], $0x2800  }
0xaf: {  	[sflag:s14] =	ssyncset.done $0x0  }
0xb0: {  	[sflag:s14] =	ssyncadd.s32 $0xFFFFD800  }
0xb1: {  	_ =	sfence.sel $0x180000  }
0xb2: {  	[bflag:$0x0] =	sbarrier.arrive $0xFFFF  }
0xb3: {  	p0 =	sne.s32 s2, $0x0;
	_ =	strace $0x9000004A  }
0xb4: {  	s0 =	sadd.s32 @!p0 $0x100000, s0;
	[bflag:$0x2] =	sbarrier.arrive $0xFFFF  }
0xb5: {  	[sflag:s0] =	ssyncadd.tile.s32 @!p0 $0x1;
	_ =	shalt  }
.Lfunc_end2:
_tile_overlayer_lowered:
.L_overlay_start_2:
0xb6: {  	(tag) =	ssettag $0x2  }
0xb7: {  	s0 =	rddreg [dreg:$0x0];
	s2 =	stileid.u32  }
0xb8: {  	s1 =	rddreg [dreg:$0x1];
	p0 =	sne.s32 s2, $0x0  }
0xb9: {  	s3 =	rddreg [dreg:$0x2];
	[bflag:$0x3] =	sbarrier.arrive $0xFFFF;
	s2 =	simm.s32 @!p0 $0x1C03  }
0xba: {  	[timem:s3], [sflag:s2] =	dma.local @!p0 [hbm:s0], s1  }
0xbb: {  	s0 =	simm.s32 @!p0 $0x3  }
0xbc: {  	_ =	swait.ge @!p0 [sflag:s0], s1  }
0xbd: {  	s1 =	ssub.s32 @!p0 $0x0, s1;
	[sflag:s0] =	ssyncset.done @!p0 $0x0  }
0xbe: {  	[sflag:s0] =	ssyncadd.s32 @!p0 s1  }
0xbf: {  	[bflag:$0x3] =	sbarrier.arrive $0xFFFF  }
0xc0: {  	_ =	shalt  }

// kernel: kernel.14.cloned.1.call-start
scs
__scs_entry_jumppad:
0x0: {  	(pc) =	sbr.rel $0x88, $3  }
0x1: {  	(tag) =	ssettag $0x0;
	lr =	simm.s32 $0x1  }
0x2: {  	[smem:$0x3F89] =	sst lr;
	_ =	strace $0xD0000000  }
0x3: {  	_ = 	snop  }
0x4: {  	_ = 	snop  }
0x5: {  	_ = 	snop  }
0x6: {  	_ = 	snop  }
0x7: {  	_ = 	snop  }
__scs_overlays_trampoline_lowered:
0x8: {  	[smem:$0x3F98] =	sst s0  }
0x9: {  	[smem:$0x3F99] =	sst s1  }
0xa: {  	[smem:$0x3F9A] =	sst s2  }
0xb: {  	[smem:$0x3F9B] =	sst s3  }
0xc: {  	[smem:$0x3F9C] =	sst s4  }
0xd: {  	[smem:$0x3F9D] =	sst s5  }
0xe: {  	[smem:$0x3F9E] =	sst s6  }
0xf: {  	[smem:$0x3F9F] =	sst s7  }
0x10: {  	[smem:$0x3FA0] =	sst s8  }
0x11: {  	[smem:$0x3FA1] =	sst s9;
	s0 =	simm.s32 @!p0 $0x0  }
0x12: {  	s1 =	sld [smem:$0x3F87];
	s0 =	simm.s32 @p0 $0x1  }
0x13: {  	[smem:$0x3FA2] =	sst s0;
	s0 =	simm.s32 @!p1 $0x0  }
0x14: {  	s2 =	sld [smem:$0x3F86];
	s0 =	simm.s32 @p1 $0x1  }
0x15: {  	[smem:$0x3FA3] =	sst s0;
	s0 =	simm.s32 @!p2 $0x0  }
0x16: {  	s3 =	sld [smem:$0x3FDB];
	s0 =	simm.s32 @p2 $0x1  }
0x17: {  	s4 =	simm.s32 $0x1BF5;
	[smem:$0x3FA5] =	sst s0  }
0x18: {  	s0 =	sld [smem:$0x3F88];
	_ =	swait.ge [sflag:s4], $0x0  }
0x19: {  	s7 =	sld [smem:$0x3F89]  }
0x1a: {  	s8 =	sadd.s32 $0xFFFFE003, lr  }
0x1b: {  	s9 =	sadd.s32 $0xFFFFFEF7, lr;
	s5 =	simm.s32 $0xFFFFFFFF;
	p2 =	slt.u32 s8, $0xFFFFF086  }
0x1c: {  	p1 =	slt.u32 s9, $0xF7A;
	s5 =	simm.s32 @!p2 $0x0  }
0x1d: {  	s5 =	simm.s32 @p1 $0x1;
	p0 =	seq.s32 s7, s2  }
0x1e: {  	s7 =	smul.u32 @!p0 $0xF7A, s2;
	p2 =	seq.s32 @!p0 s5, $0x0  }
0x1f: {  	s9 =	smul.u32 $0xF7A, s1;
	s8 =	simm.s32 @!p0 $0x1BF5;
	p2 =	por !p2, p0  }
0x20: {  	[sflag:s8] =	ssyncset.s32 @!p0 $0xFFFFF086;
	s6 =	sadd.s32 @!p0 s3, s7;
	s7 =	simm.s32 @!p0 $0x108  }
0x21: {  	s3 =	sadd.s32 s3, s9;
	s6 =	sadd.s32 @!p0 $0x88, s6;
	s7 =	simm.s32 @p2 $0x1082  }
0x22: {  	[simem:s7], [sflag:s8] =	dma.local @!p0 [hbm:s6], $0xF7A  }
0x23: {  	s9 =	sor.u32 $0xD0000000, s2;
	s6 =	simm.s32 $0x108;
	_ =	swait.ge @!p0 [sflag:s8], $0x0  }
0x24: {  	s3 =	sadd.s32 $0x88, s3;
	s6 =	simm.s32 @!p1 $0x1082;
	[sflag:s4] =	ssyncset.s32 $0xFFFFF086  }
0x25: {  	[simem:s6], [sflag:s4] =	dma.local [hbm:s3], $0xF7A  }
0x26: {  	[smem:$0x3F89] =	sst s1;
	(tag) =	ssettag s2;
	_ =	strace s9  }
0x27: {  	s1 =	sld [smem:$0x3F99]  }
0x28: {  	s2 =	sld [smem:$0x3F9A]  }
0x29: {  	s4 =	sld [smem:$0x3F9C]  }
0x2a: {  	p0 =	seq.s32 s5, $0x0;
	s5 =	sld [smem:$0x3F9D]  }
0x2b: {  	s6 =	sld [smem:$0x3F9E]  }
0x2c: {  	s7 =	sld [smem:$0x3F9F]  }
0x2d: {  	s3 =	simm.s32 $0x108;
	s8 =	sld [smem:$0x3FA0]  }
0x2e: {  	s3 =	simm.s32 @!p0 $0x1082;
	s9 =	sld [smem:$0x3FA1]  }
0x2f: {  	lr =	sadd.s32 s0, s3;
	s0 =	sld [smem:$0x3F98]  }
0x30: {  	s3 =	sld [smem:$0x3F9B]  }
0x31: {  	[smem:$0x3FA4] =	sst s10  }
0x32: {  	s10 =	sld [smem:$0x3FA2];
	_ =	sdelay $0x3  }
0x33: {  	p0 =	seq.s32 s10, $0x1;
	s10 =	sld [smem:$0x3FA4];
	_ =	sdelay $0x3  }
0x34: {  	[smem:$0x3FA4] =	sst s10  }
0x35: {  	s10 =	sld [smem:$0x3FA3];
	_ =	sdelay $0x3  }
0x36: {  	p1 =	seq.s32 s10, $0x1;
	s10 =	sld [smem:$0x3FA4];
	_ =	sdelay $0x3  }
0x37: {  	[smem:$0x3FA4] =	sst s10  }
0x38: {  	s10 =	sld [smem:$0x3FA5]  }
0x39: {  	_ = 	snop;
	(pc) =	sbr.ind lr, $3  }
0x3a: {  	_ = 	snop  }
0x3b: {  	_ = 	snop  }
0x3c: {  	p2 =	seq.s32 s10, $0x1;
	s10 =	sld [smem:$0x3FA4]  }
0x3d: {  	_ =	shalt  }
0x3e: {  	_ =	shalt  }
0x3f: {  	_ =	shalt  }
0x40: {  	_ =	shalt  }
0x41: {  	_ =	shalt  }
0x42: {  	_ =	shalt  }
0x43: {  	_ =	shalt  }
0x44: {  	_ =	shalt  }
0x45: {  	_ =	shalt  }
0x46: {  	_ =	shalt  }
0x47: {  	_ =	shalt  }
0x48: {  	_ =	shalt  }
0x49: {  	_ =	shalt  }
0x4a: {  	_ =	shalt  }
0x4b: {  	_ =	shalt  }
0x4c: {  	_ =	shalt  }
0x4d: {  	_ =	shalt  }
0x4e: {  	_ =	shalt  }
0x4f: {  	_ =	shalt  }
0x50: {  	_ =	shalt  }
0x51: {  	_ =	shalt  }
0x52: {  	_ =	shalt  }
0x53: {  	_ =	shalt  }
0x54: {  	_ =	shalt  }
0x55: {  	_ =	shalt  }
0x56: {  	_ =	shalt  }
0x57: {  	_ =	shalt  }
0x58: {  	_ =	shalt  }
0x59: {  	_ =	shalt  }
0x5a: {  	_ =	shalt  }
0x5b: {  	_ =	shalt  }
0x5c: {  	_ =	shalt  }
0x5d: {  	_ =	shalt  }
0x5e: {  	_ =	shalt  }
0x5f: {  	_ =	shalt  }
0x60: {  	_ =	shalt  }
0x61: {  	_ =	shalt  }
0x62: {  	_ =	shalt  }
0x63: {  	_ =	shalt  }
0x64: {  	_ =	shalt  }
0x65: {  	_ =	shalt  }
0x66: {  	_ =	shalt  }
0x67: {  	_ =	shalt  }
0x68: {  	_ =	shalt  }
0x69: {  	_ =	shalt  }
0x6a: {  	_ =	shalt  }
0x6b: {  	_ =	shalt  }
0x6c: {  	_ =	shalt  }
0x6d: {  	_ =	shalt  }
0x6e: {  	_ =	shalt  }
0x6f: {  	_ =	shalt  }
0x70: {  	_ =	shalt  }
0x71: {  	_ =	shalt  }
0x72: {  	_ =	shalt  }
0x73: {  	_ =	shalt  }
0x74: {  	_ =	shalt  }
0x75: {  	_ =	shalt  }
0x76: {  	_ =	shalt  }
0x77: {  	_ =	shalt  }
0x78: {  	_ =	shalt  }
0x79: {  	_ =	shalt  }
0x7a: {  	_ =	shalt  }
0x7b: {  	_ =	shalt  }
0x7c: {  	_ =	shalt  }
0x7d: {  	_ =	shalt  }
0x7e: {  	_ =	shalt  }
0x7f: {  	_ =	shalt  }
0x80: {  	_ =	shalt  }
0x81: {  	_ =	shalt  }
0x82: {  	_ =	shalt  }
0x83: {  	_ =	shalt  }
0x84: {  	_ =	shalt  }
0x85: {  	_ =	shalt  }
0x86: {  	_ =	shalt  }
0x87: {  	_ =	shalt  }
.Lfunc_end0:
.L_simem_size_0:
called_computation.2_lowered:
.L_overlay_start_0:
0x88: {  	s2 =	sld [smem:$0x3FD9]  }
0x89: {  	s3 =	sld [smem:$0x3FFE];
	_ =	sdelay $0x1  }
0x8a: {  	s1 =	srdreg.scid  }
0x8b: {  	s0 =	sand.u32 $0x1, s1  }
0x8c: {  	s16 =	sshll.u32 s0, $0xA;
	s2 =	sadd.s32 s3, s2  }
0x8d: {  	s2 =	sadd.s32 s2, s16  }
0x8e: {  	[smem:$0x3FB0] =	sst s2  }
0x8f: {  	_ = 	snop  }
0x90: {  	(tm) =	ssettm $0x1  }
0x91: {  	s17 =	sld [smem:$0x3FFB];
	_ =	sdelay $0x3  }
0x92: {  	_ =	strace s17  }
0x93: {  	s2 =	sld [smem:$0x3FFC];
	_ =	sdelay $0x3  }
0x94: {  	_ =	strace s2  }
0x95: {  	s2 =	sld [smem:$0x3FFD];
	_ =	sdelay $0x3  }
0x96: {  	_ =	strace s2  }
0x97: {  	_ =	strace $0x8FFFFFFF  }
0x98: {  	s18 =	sld [smem:$0x3FDB];
	_ =	sdelay $0x1  }
0x99: {  	s19 =	simm.s32 $_scs_section_size  }
0x9a: {  	s4 =	simm.s32 $_size__tile_overlayer_lowered;
	s5 =	simm.s32 $_tile_overlayer_lowered  }
0x9b: {  	s22 =	simm.s32 $0x1BFF;
	s21 =	sshll.u32 s5, $0x1;
	s2 =	sadd.s32 s19, s18  }
0x9c: {  	s6 =	simm.s32 $0x0;
	s20 =	sshll.u32 s4, $0x1;
	s4 =	sadd.s32 s21, s2  }
0x9d: {  	[timem:s6], [sflag:s22] =	dma.local [hbm:s4], s20  }
0x9e: {  	_ =	swait.ge [sflag:s22], s20  }
0x9f: {  	s3 =	ssub.s32 $0x0, s20;
	[sflag:s22] =	ssyncset.done $0x0  }
0xa0: {  	[sflag:s22] =	ssyncadd.s32 s3;
	_ =	sdelay $0x1  }
0xa1: {  	s23 =	simm.s32 $0x1B8B  }
0xa2: {  	_ =	swait.ge [sflag:s23], $0x1  }
0xa3: {  	[sflag:s23] =	ssyncset.done $0x0  }
0xa4: {  	s25 =	simm.s32 $0x1B8E;
	s24 =	sld [smem:$0x3FFE];
	[sflag:s23] =	ssyncadd.s32 $0xFFFFFFFF  }
0xa5: {  	s26 =	simm.s32 $execute0_lowered;
	[smem:$0x3FD2] =	sst s25  }
0xa6: {  	s4 =	sshll.u32 s26, $0x1;
	_ =	strace $0x8000004C;
	[dreg:$0x1] =	wrdreg $0xFFFFFFFF  }
0xa7: {  	s28 =	simm.s32 $_size_execute0_lowered;
	s2 =	sadd.s32 s2, s4;
	[dreg:$0x0] =	wrdreg $0x0  }
0xa8: {  	s4 =	sshll.u32 s28, $0x1;
	[dreg:$0x2] =	wrdreg s2  }
0xa9: {  	[dreg:$0x3] =	wrdreg s4  }
0xaa: {  	[dreg:$0x4] =	wrdreg $0xC0  }
0xab: {  	_ =	task [dreg:s6], $0x5FFFF  }
0xac: {  	[dreg:$0x1] =	wrdreg $0xFFFFFFFF  }
0xad: {  	[dreg:$0x0] =	wrdreg $0x60  }
0xae: {  	[dreg:$0x2] =	wrdreg s24  }
0xaf: {  	[dreg:$0x3] =	wrdreg $0xA8000  }
0xb0: {  	[dreg:$0x4] =	wrdreg $0x9  }
0xb1: {  	_ =	task.clear_ibuf [dreg:s6], $0x5FFFF;
	_ =	strace $0x9000004C  }
0xb2: {  	s29 =	simm.s32 $0x9;
	_ =	strace $0x8000004E  }
0xb3: {  	_ =	swait.ge [sflag:s29], $0x1  }
0xb4: {  	[sflag:s29] =	ssyncadd.s32 $0xFFFFFFFF  }
0xb5: {  	_ =	strace $0x9000004E  }
0xb6: {  	_ =	sfence  }
0xb7: {  	s30 =	sld [smem:$0x0];
	_ =	sdelay $0x2  }
0xb8: {  	s31 =	sshll.u32 s1, $0xD;
	s1 =	sshrl.u32 s1, $0x2  }
0xb9: {  	s3 =	sand.u32 $0x4000, s31;
	s1 =	sadd.s32 s1, s30  }
0xba: {  	s0 =	sor.u32 s3, s0;
	s1 =	sshll.u32 s1, $0x11  }
0xbb: {  	s0 =	sor.u32 s1, s0  }
0xbc: {  	s0 =	sadd.s32 $0x8F2B, s0  }
0xbd: {  	[sflag:s0] =	ssyncadd.remote.s32 $0x1  }
0xbe: {  	_ =	sfence.sel $0xFFFF  }
0xbf: {  	[dreg:$0x0] =	wrdreg $0xFFFFFFFF;
	(pc) =	sbr.abs _section_cstart, $3  }
0xc0: {  	[dreg:$0x1] =	wrdreg $0xFFFFFFFF  }
0xc1: {  	_ =	task.clear_ibuf [dreg:s6], $0x2FFFF;
	_ =	strace $0x9FFFFFFF  }
0xc2: {  	(tm) =	ssettm $0x7FFFFFFF  }
0xc3: {  	_ =	shalt  }
tec
execute0_lowered:
.L_overlay_start_1:
0x0: {  	(tag) =	ssettag $0x1  }
0x1: {  	s6 =	rddreg [dreg:$0x0]  }
0x2: {  	s1 =	rddreg [dreg:$0x1]  }
0x3: {  	s0 =	rddreg [dreg:$0x2];
	s3 =	simm.s32 $0x0;
	s2 =	srdreg.scid  }
0x4: {  	s16 =	simm.s32 $0x80;
	s17 =	simm.s32 $0x2800;
	s18 =	simm.s32 $0x6800  }
0x5: {  	s19 =	simm.s32 $0x1;
	s20 =	simm.s32 $0x2;
	s21 =	simm.s32 $0x1380  }
0x6: {  	s22 =	simm.s32 $0x2700;
	s23 =	simm.s32 $0x2780;
	[smem:$0x7FF] =	sst s3  }
0x7: {  	s7 =	sand.u32 $0x1, s2;
	s2 =	stileid.u32;
	s4 =	sadd.s32 $0x1B400, s6  }
0x8: {  	s10 =	sadd.s32 $0x4C00, s6;
	s11 =	sadd.s32 $0xEC00, s6;
	s8 =	smul.u32 $0x140000, s7  }
0x9: {  	s5 =	sadd.s32 $0x18C00, s6;
	_ =	strace $0x8000004D;
	s9 =	smul.u32 $0x14000, s2  }
0xa: {  	s24 =	sshll.u32 s7, $0x4;
	s7 =	ssub.s32 $0x2, s7;
	s12 =	smul.u32 $0x50000, s2  }
0xb: {  	s26 =	sshll.u32 s2, $0x6;
	s13 =	sshrl.u32 s7, $0x1;
	s8 =	sadd.s32 s9, s8  }
0xc: {  	s9 =	sor.u32 s2, s24;
	s13 =	ssub.s32 s7, s13;
	s25 =	sshrl.u32 s12, $0x2  }
0xd: {  	s24 =	simm.s32 $0x0;
	s8 =	sshrl.u32 s8, $0x3;
	s14 =	smul.u32 $0x2800, s9  }
0xe: {  	s28 =	smul.u32 $0x500, s9;
	s30 =	sadd.s32 s25, s1;
	s12 =	smax.u32 s13, $0x1  }
0xf: {  	s15 =	sadd.s32 s8, s6;
	s6 =	sor.u32 $0x1C03, s26;
	s29 =	sshrl.u32 s14, $0x3  }
0x10: {  	s13 =	sshrl.u32 s30, $0x3;
	s7 =	sadd.s32 s10, s28;
	s31 =	sadd.s32 $0x280, s29  }
0x11: {  	s8 =	sadd.s32 s11, s28;
	s14 =	simm.s32 $0x3;
	s9 =	sadd.s32 s10, s31  }
0x12: {  	s10 =	sadd.s32 s11, s31;
	s11 =	sadd.s32 $0x42600, s15;
	s15 =	simm.s32 $0x1400  }
.LBB2_1:
0x13: {  	[spmem:s13], [sflag:s6] =	dma.local [hbm:s5], $0x2800  }
0x14: {  	_ =	swait.ge [sflag:s14], $0x2800  }
0x15: {  	[sflag:s14] =	ssyncset.done $0x0  }
0x16: {  	[sflag:s14] =	ssyncadd.s32 $0xFFFFD800  }
0x17: {  	[bflag:$0x0] =	sbarrier.arrive $0xFFFF  }
0x18: {  	[tilespmem:s3], [sflag:$0x3] =	stream.linear.gather [hbm4b:s7+s3], $0x1400, $0x38;
	[tilespmem:$0x1E800] =	vst v63  }
0x19: {  	_ =	swait.ge [sflag:s14], $0x1400  }
0x1a: {  	[sflag:s14] =	ssyncset.done $0x0  }
0x1b: {  	[sflag:s14] =	ssyncadd.s32 $0xFFFFEC00  }
0x1c: {  	[tilespmem:s15], [sflag:$0x3] =	stream.linear.gather [hbm4b:s8+s3], $0x1400, $0x38;
	[tilespmem:$0x1E800] =	vst v63  }
0x1d: {  	_ =	swait.ge [sflag:s14], $0x1400  }
0x1e: {  	[sflag:s14] =	ssyncset.done $0x0  }
0x1f: {  	[sflag:s14] =	ssyncadd.s32 $0xFFFFEC00  }
0x20: {  	[tilespmem:s17], [sflag:$0x1] =	stream.indirect.gather [hbm4b:s4+s16], $0x80, s3, s16, $0xb8;
	[tilespmem:$0x1E800] =	vst v63  }
0x21: {  	s25 =	simm.s32 $0x80  }
0x22: {  	[tilespmem:s18], [sflag:$0x2] =	stream.indirect.gather [hbm4b:s4+s16], $0x80, s25, s16, $0xb8;
	[tilespmem:$0x1E800] =	vst v63  }
0x23: {  	_ =	swait.ge [sflag:s19], $0x4000  }
0x24: {  	[sflag:s19] =	ssyncset.done $0x0  }
0x25: {  	s29 =	simm.s32 $0x1400;
	[sflag:s19] =	ssyncadd.s32 $0xFFFFC000  }
0x26: {  	[spmem:s1] =	stream.indirect.scatter.add.f32 [tilespmem:s17], [sflag:$0x3], $0x80, s29, s16, $0xb8;
	[tilespmem:$0x1E800] =	vst v63  }
0x27: {  	_ =	swait.ge [sflag:s14], $0x4000  }
0x28: {  	[sflag:s14] =	ssyncset.done $0x0  }
0x29: {  	s30 =	simm.s32 $0x100;
	[sflag:s14] =	ssyncadd.s32 $0xFFFFC000  }
0x2a: {  	[tilespmem:s17], [sflag:$0x1] =	stream.indirect.gather [hbm4b:s4+s16], $0x80, s30, s16, $0xb8;
	[tilespmem:$0x1E800] =	vst v63  }
0x2b: {  	_ =	swait.ge [sflag:s20], $0x4000  }
0x2c: {  	[sflag:s20] =	ssyncset.done $0x0  }
0x2d: {  	s31 =	simm.s32 $0x1480;
	[sflag:s20] =	ssyncadd.s32 $0xFFFFC000  }
0x2e: {  	[spmem:s1] =	stream.indirect.scatter.add.f32 [tilespmem:s18], [sflag:$0x3], $0x80, s31, s16, $0xb8;
	[tilespmem:$0x1E800] =	vst v63  }
0x2f: {  	_ =	swait.ge [sflag:s14], $0x4000  }
0x30: {  	s26 =	simm.s32 $0x800;
	s25 =	simm.s32 $0x100;
	[sflag:s14] =	ssyncset.done $0x0  }
.LBB2_2:
0x31: {  	s28 =	sadd.s32 $0x80, s25  }
0x32: {  	[sflag:s14] =	ssyncadd.s32 $0xFFFFC000;
	s29 =	smov.u32 s26;
	s30 =	sadd.s32 $0x400, s26  }
0x33: {  	[tilespmem:s18], [sflag:$0x2] =	stream.indirect.gather [hbm4b:s4+s16], $0x80, s28, s16, $0xb8;
	[tilespmem:$0x1E800] =	vst v63  }
0x34: {  	p0 =	sne.s32 s26, $0x4800;
	_ =	swait.ge [sflag:s19], $0x4000  }
0x35: {  	[sflag:s19] =	ssyncset.done $0x0  }
0x36: {  	s26 =	sadd.s32 $0x1400, s25;
	[sflag:s19] =	ssyncadd.s32 $0xFFFFC000  }
0x37: {  	[spmem:s1] =	stream.indirect.scatter.add.f32 [tilespmem:s17], [sflag:$0x3], $0x80, s26, s16, $0xb8;
	[tilespmem:$0x1E800] =	vst v63  }
0x38: {  	_ =	swait.ge [sflag:s14], $0x4000  }
0x39: {  	[sflag:s14] =	ssyncset.done $0x0  }
0x3a: {  	s26 =	sadd.s32 $0x100, s25;
	[sflag:s14] =	ssyncadd.s32 $0xFFFFC000  }
0x3b: {  	[tilespmem:s17], [sflag:$0x1] =	stream.indirect.gather [hbm4b:s4+s16], $0x80, s26, s16, $0xb8;
	[tilespmem:$0x1E800] =	vst v63  }
0x3c: {  	_ =	swait.ge [sflag:s20], $0x4000  }
.Ltmp0:
0x3d: {  	[sflag:s20] =	ssyncset.done $0x0;
	(pc) =	sbr.rel @p0 .LBB2_2-.Ltmp0, $4  }
0x3e: {  	s25 =	sadd.s32 $0x1480, s25;
	[sflag:s20] =	ssyncadd.s32 $0xFFFFC000  }
0x3f: {  	[spmem:s1] =	stream.indirect.scatter.add.f32 [tilespmem:s18], [sflag:$0x3], $0x80, s25, s16, $0xb8;
	[tilespmem:$0x1E800] =	vst v63  }
0x40: {  	_ =	swait.ge [sflag:s14], $0x4000  }
0x41: {  	s26 =	smov.u32 s30;
	s25 =	sshra.s32 s29, $0x2;
	[sflag:s14] =	ssyncset.done $0x0  }
0x42: {  	s26 =	sadd.s32 $0x80, s25;
	[sflag:s14] =	ssyncadd.s32 $0xFFFFC000  }
0x43: {  	[tilespmem:s18], [sflag:$0x2] =	stream.indirect.gather [hbm4b:s4+s16], $0x80, s26, s16, $0xb8;
	[tilespmem:$0x1E800] =	vst v63  }
0x44: {  	_ =	swait.ge [sflag:s19], $0x4000  }
0x45: {  	[sflag:s19] =	ssyncset.done $0x0  }
0x46: {  	s29 =	sadd.s32 $0x1400, s25;
	[sflag:s19] =	ssyncadd.s32 $0xFFFFC000  }
0x47: {  	[spmem:s1] =	stream.indirect.scatter.add.f32 [tilespmem:s17], [sflag:$0x3], $0x80, s29, s16, $0xb8;
	[tilespmem:$0x1E800] =	vst v63  }
0x48: {  	_ =	swait.ge [sflag:s14], $0x4000  }
0x49: {  	[sflag:s14] =	ssyncset.done $0x0  }
0x4a: {  	s30 =	sadd.s32 $0x100, s25;
	[sflag:s14] =	ssyncadd.s32 $0xFFFFC000  }
0x4b: {  	[tilespmem:s17], [sflag:$0x1] =	stream.indirect.gather [hbm4b:s4+s16], $0x80, s30, s16, $0xb8;
	[tilespmem:$0x1E800] =	vst v63  }
0x4c: {  	_ =	swait.ge [sflag:s20], $0x4000  }
0x4d: {  	[sflag:s20] =	ssyncset.done $0x0  }
0x4e: {  	s31 =	sadd.s32 $0x1480, s25;
	[sflag:s20] =	ssyncadd.s32 $0xFFFFC000  }
0x4f: {  	[spmem:s1] =	stream.indirect.scatter.add.f32 [tilespmem:s18], [sflag:$0x3], $0x80, s31, s16, $0xb8;
	[tilespmem:$0x1E800] =	vst v63  }
0x50: {  	_ =	swait.ge [sflag:s14], $0x4000  }
0x51: {  	[sflag:s14] =	ssyncset.done $0x0  }
0x52: {  	[sflag:s14] =	ssyncadd.s32 $0xFFFFC000  }
0x53: {  	[tilespmem:s18], [sflag:$0x2] =	stream.indirect.gather [hbm4b:s4+s16], $0x80, s21, s16, $0xb8;
	[tilespmem:$0x1E800] =	vst v63  }
0x54: {  	_ =	swait.ge [sflag:s19], $0x4000  }
0x55: {  	[sflag:s19] =	ssyncset.done $0x0  }
0x56: {  	[sflag:s19] =	ssyncadd.s32 $0xFFFFC000  }
0x57: {  	[spmem:s1] =	stream.indirect.scatter.add.f32 [tilespmem:s17], [sflag:$0x3], $0x80, s22, s16, $0xb8;
	[tilespmem:$0x1E800] =	vst v63  }
0x58: {  	_ =	swait.ge [sflag:s14], $0x4000  }
0x59: {  	[sflag:s14] =	ssyncset.done $0x0  }
0x5a: {  	[sflag:s14] =	ssyncadd.s32 $0xFFFFC000  }
0x5b: {  	_ =	swait.ge [sflag:s20], $0x4000  }
0x5c: {  	[sflag:s20] =	ssyncset.done $0x0  }
0x5d: {  	[sflag:s20] =	ssyncadd.s32 $0xFFFFC000  }
0x5e: {  	[spmem:s1] =	stream.indirect.scatter.add.f32 [tilespmem:s18], [sflag:$0x3], $0x80, s23, s16, $0xb8;
	[tilespmem:$0x1E800] =	vst v63  }
0x5f: {  	_ =	swait.ge [sflag:s14], $0x4000  }
0x60: {  	[sflag:s14] =	ssyncset.done $0x0  }
0x61: {  	s26 =	simm.s32 $0x0;
	[sflag:s14] =	ssyncadd.s32 $0xFFFFC000  }
0x62: {  	[tilespmem:s26], [sflag:$0x3] =	stream.linear.gather [hbm4b:s9+s26], $0x1400, $0x38;
	[tilespmem:$0x1E800] =	vst v63  }
0x63: {  	_ =	swait.ge [sflag:s14], $0x1400  }
0x64: {  	[sflag:s14] =	ssyncset.done $0x0  }
0x65: {  	[sflag:s14] =	ssyncadd.s32 $0xFFFFEC00  }
0x66: {  	[tilespmem:s15], [sflag:$0x3] =	stream.linear.gather [hbm4b:s10+s26], $0x1400, $0x38;
	[tilespmem:$0x1E800] =	vst v63  }
0x67: {  	_ =	swait.ge [sflag:s14], $0x1400  }
0x68: {  	[sflag:s14] =	ssyncset.done $0x0  }
0x69: {  	[sflag:s14] =	ssyncadd.s32 $0xFFFFEC00  }
0x6a: {  	[tilespmem:s17], [sflag:$0x1] =	stream.indirect.gather [hbm4b:s4+s16], $0x80, s26, s16, $0xb8;
	[tilespmem:$0x1E800] =	vst v63  }
0x6b: {  	s28 =	simm.s32 $0x80  }
0x6c: {  	[tilespmem:s18], [sflag:$0x2] =	stream.indirect.gather [hbm4b:s4+s16], $0x80, s28, s16, $0xb8;
	[tilespmem:$0x1E800] =	vst v63  }
0x6d: {  	_ =	swait.ge [sflag:s19], $0x4000  }
0x6e: {  	[sflag:s19] =	ssyncset.done $0x0  }
0x6f: {  	s29 =	simm.s32 $0x1400;
	[sflag:s19] =	ssyncadd.s32 $0xFFFFC000  }
0x70: {  	[spmem:s1] =	stream.indirect.scatter.add.f32 [tilespmem:s17], [sflag:$0x3], $0x80, s29, s16, $0xb8;
	[tilespmem:$0x1E800] =	vst v63  }
0x71: {  	_ =	swait.ge [sflag:s14], $0x4000  }
0x72: {  	[sflag:s14] =	ssyncset.done $0x0  }
0x73: {  	s30 =	simm.s32 $0x100;
	[sflag:s14] =	ssyncadd.s32 $0xFFFFC000  }
0x74: {  	[tilespmem:s17], [sflag:$0x1] =	stream.indirect.gather [hbm4b:s4+s16], $0x80, s30, s16, $0xb8;
	[tilespmem:$0x1E800] =	vst v63  }
0x75: {  	_ =	swait.ge [sflag:s20], $0x4000  }
0x76: {  	[sflag:s20] =	ssyncset.done $0x0  }
0x77: {  	s31 =	simm.s32 $0x1480;
	[sflag:s20] =	ssyncadd.s32 $0xFFFFC000  }
0x78: {  	[spmem:s1] =	stream.indirect.scatter.add.f32 [tilespmem:s18], [sflag:$0x3], $0x80, s31, s16, $0xb8;
	[tilespmem:$0x1E800] =	vst v63  }
0x79: {  	_ =	swait.ge [sflag:s14], $0x4000  }
0x7a: {  	s25 =	simm.s32 $0x100;
	s26 =	simm.s32 $0x800;
	[sflag:s14] =	ssyncset.done $0x0  }
.LBB2_4:
0x7b: {  	s28 =	sadd.s32 $0x80, s25  }
0x7c: {  	[sflag:s14] =	ssyncadd.s32 $0xFFFFC000;
	s29 =	smov.u32 s26;
	s30 =	sadd.s32 $0x400, s26  }
0x7d: {  	[tilespmem:s18], [sflag:$0x2] =	stream.indirect.gather [hbm4b:s4+s16], $0x80, s28, s16, $0xb8;
	[tilespmem:$0x1E800] =	vst v63  }
0x7e: {  	p0 =	sne.s32 s26, $0x4800;
	_ =	swait.ge [sflag:s19], $0x4000  }
0x7f: {  	[sflag:s19] =	ssyncset.done $0x0  }
0x80: {  	s26 =	sadd.s32 $0x1400, s25;
	[sflag:s19] =	ssyncadd.s32 $0xFFFFC000  }
0x81: {  	[spmem:s1] =	stream.indirect.scatter.add.f32 [tilespmem:s17], [sflag:$0x3], $0x80, s26, s16, $0xb8;
	[tilespmem:$0x1E800] =	vst v63  }
0x82: {  	_ =	swait.ge [sflag:s14], $0x4000  }
0x83: {  	[sflag:s14] =	ssyncset.done $0x0  }
0x84: {  	s26 =	sadd.s32 $0x100, s25;
	[sflag:s14] =	ssyncadd.s32 $0xFFFFC000  }
0x85: {  	[tilespmem:s17], [sflag:$0x1] =	stream.indirect.gather [hbm4b:s4+s16], $0x80, s26, s16, $0xb8;
	[tilespmem:$0x1E800] =	vst v63  }
0x86: {  	_ =	swait.ge [sflag:s20], $0x4000  }
.Ltmp1:
0x87: {  	[sflag:s20] =	ssyncset.done $0x0;
	(pc) =	sbr.rel @p0 .LBB2_4-.Ltmp1, $4  }
0x88: {  	s25 =	sadd.s32 $0x1480, s25;
	[sflag:s20] =	ssyncadd.s32 $0xFFFFC000  }
0x89: {  	[spmem:s1] =	stream.indirect.scatter.add.f32 [tilespmem:s18], [sflag:$0x3], $0x80, s25, s16, $0xb8;
	[tilespmem:$0x1E800] =	vst v63  }
0x8a: {  	_ =	swait.ge [sflag:s14], $0x4000  }
0x8b: {  	s26 =	smov.u32 s30;
	s25 =	sshra.s32 s29, $0x2;
	[sflag:s14] =	ssyncset.done $0x0  }
0x8c: {  	s26 =	sadd.s32 $0x80, s25;
	[sflag:s14] =	ssyncadd.s32 $0xFFFFC000  }
0x8d: {  	[tilespmem:s18], [sflag:$0x2] =	stream.indirect.gather [hbm4b:s4+s16], $0x80, s26, s16, $0xb8;
	[tilespmem:$0x1E800] =	vst v63  }
0x8e: {  	_ =	swait.ge [sflag:s19], $0x4000  }
0x8f: {  	[sflag:s19] =	ssyncset.done $0x0  }
0x90: {  	s29 =	sadd.s32 $0x1400, s25;
	[sflag:s19] =	ssyncadd.s32 $0xFFFFC000  }
0x91: {  	[spmem:s1] =	stream.indirect.scatter.add.f32 [tilespmem:s17], [sflag:$0x3], $0x80, s29, s16, $0xb8;
	[tilespmem:$0x1E800] =	vst v63  }
0x92: {  	_ =	swait.ge [sflag:s14], $0x4000  }
0x93: {  	[sflag:s14] =	ssyncset.done $0x0  }
0x94: {  	s30 =	sadd.s32 $0x100, s25;
	[sflag:s14] =	ssyncadd.s32 $0xFFFFC000  }
0x95: {  	[tilespmem:s17], [sflag:$0x1] =	stream.indirect.gather [hbm4b:s4+s16], $0x80, s30, s16, $0xb8;
	[tilespmem:$0x1E800] =	vst v63  }
0x96: {  	_ =	swait.ge [sflag:s20], $0x4000  }
0x97: {  	[sflag:s20] =	ssyncset.done $0x0  }
0x98: {  	s31 =	sadd.s32 $0x1480, s25;
	[sflag:s20] =	ssyncadd.s32 $0xFFFFC000  }
0x99: {  	[spmem:s1] =	stream.indirect.scatter.add.f32 [tilespmem:s18], [sflag:$0x3], $0x80, s31, s16, $0xb8;
	[tilespmem:$0x1E800] =	vst v63  }
0x9a: {  	_ =	swait.ge [sflag:s14], $0x4000  }
0x9b: {  	[sflag:s14] =	ssyncset.done $0x0  }
0x9c: {  	[sflag:s14] =	ssyncadd.s32 $0xFFFFC000  }
0x9d: {  	[tilespmem:s18], [sflag:$0x2] =	stream.indirect.gather [hbm4b:s4+s16], $0x80, s21, s16, $0xb8;
	[tilespmem:$0x1E800] =	vst v63  }
0x9e: {  	_ =	swait.ge [sflag:s19], $0x4000  }
0x9f: {  	[sflag:s19] =	ssyncset.done $0x0  }
0xa0: {  	[sflag:s19] =	ssyncadd.s32 $0xFFFFC000  }
0xa1: {  	[spmem:s1] =	stream.indirect.scatter.add.f32 [tilespmem:s17], [sflag:$0x3], $0x80, s22, s16, $0xb8;
	[tilespmem:$0x1E800] =	vst v63  }
0xa2: {  	_ =	swait.ge [sflag:s14], $0x4000  }
0xa3: {  	[sflag:s14] =	ssyncset.done $0x0  }
0xa4: {  	[sflag:s14] =	ssyncadd.s32 $0xFFFFC000  }
0xa5: {  	_ =	swait.ge [sflag:s20], $0x4000  }
0xa6: {  	[sflag:s20] =	ssyncset.done $0x0  }
0xa7: {  	[sflag:s20] =	ssyncadd.s32 $0xFFFFC000  }
0xa8: {  	[spmem:s1] =	stream.indirect.scatter.add.f32 [tilespmem:s18], [sflag:$0x3], $0x80, s23, s16, $0xb8;
	[tilespmem:$0x1E800] =	vst v63  }
0xa9: {  	_ =	swait.ge [sflag:s14], $0x4000  }
0xaa: {  	s24 =	sadd.s32 $0x1, s24;
	[sflag:s14] =	ssyncset.done $0x0  }
0xab: {  	p0 =	sne.s32 s24, s12;
	[sflag:s14] =	ssyncadd.s32 $0xFFFFC000  }
.Ltmp2:
0xac: {  	[bflag:$0x0] =	sbarrier.arrive $0xFFFF;
	(pc) =	sbr.rel @p0 .LBB2_1-.Ltmp2, $4  }
0xad: {  	[hbm:s11], [sflag:s6] =	dma.local [spmem:s13], $0x2800  }
0xae: {  	_ =	swait.ge [sflag:s14], $0x2800  }
0xaf: {  	[sflag:s14] =	ssyncset.done $0x0  }
0xb0: {  	[sflag:s14] =	ssyncadd.s32 $0xFFFFD800  }
0xb1: {  	_ =	sfence.sel $0x180000  }
0xb2: {  	[bflag:$0x0] =	sbarrier.arrive $0xFFFF  }
0xb3: {  	p0 =	sne.s32 s2, $0x0;
	_ =	strace $0x9000004D  }
0xb4: {  	s0 =	sadd.s32 @!p0 $0x100000, s0;
	[bflag:$0x2] =	sbarrier.arrive $0xFFFF  }
0xb5: {  	[sflag:s0] =	ssyncadd.tile.s32 @!p0 $0x1;
	_ =	shalt  }
.Lfunc_end2:
_tile_overlayer_lowered:
.L_overlay_start_2:
0xb6: {  	(tag) =	ssettag $0x2  }
0xb7: {  	s0 =	rddreg [dreg:$0x0];
	s2 =	stileid.u32  }
0xb8: {  	s1 =	rddreg [dreg:$0x1];
	p0 =	sne.s32 s2, $0x0  }
0xb9: {  	s3 =	rddreg [dreg:$0x2];
	[bflag:$0x3] =	sbarrier.arrive $0xFFFF;
	s2 =	simm.s32 @!p0 $0x1C03  }
0xba: {  	[timem:s3], [sflag:s2] =	dma.local @!p0 [hbm:s0], s1  }
0xbb: {  	s0 =	simm.s32 @!p0 $0x3  }
0xbc: {  	_ =	swait.ge @!p0 [sflag:s0], s1  }
0xbd: {  	s1 =	ssub.s32 @!p0 $0x0, s1;
	[sflag:s0] =	ssyncset.done @!p0 $0x0  }
0xbe: {  	[sflag:s0] =	ssyncadd.s32 @!p0 s1  }
0xbf: {  	[bflag:$0x3] =	sbarrier.arrive $0xFFFF  }
0xc0: {  	_ =	shalt  }

// kernel: kernel.8.cloned.1.call-start
scs
__scs_entry_jumppad:
0x0: {  	(pc) =	sbr.rel $0x88, $3  }
0x1: {  	(tag) =	ssettag $0x0;
	lr =	simm.s32 $0x1  }
0x2: {  	[smem:$0x3F89] =	sst lr;
	_ =	strace $0xD0000000  }
0x3: {  	_ = 	snop  }
0x4: {  	_ = 	snop  }
0x5: {  	_ = 	snop  }
0x6: {  	_ = 	snop  }
0x7: {  	_ = 	snop  }
__scs_overlays_trampoline_lowered:
0x8: {  	[smem:$0x3F98] =	sst s0  }
0x9: {  	[smem:$0x3F99] =	sst s1  }
0xa: {  	[smem:$0x3F9A] =	sst s2  }
0xb: {  	[smem:$0x3F9B] =	sst s3  }
0xc: {  	[smem:$0x3F9C] =	sst s4  }
0xd: {  	[smem:$0x3F9D] =	sst s5  }
0xe: {  	[smem:$0x3F9E] =	sst s6  }
0xf: {  	[smem:$0x3F9F] =	sst s7  }
0x10: {  	[smem:$0x3FA0] =	sst s8  }
0x11: {  	[smem:$0x3FA1] =	sst s9;
	s0 =	simm.s32 @!p0 $0x0  }
0x12: {  	s1 =	sld [smem:$0x3F87];
	s0 =	simm.s32 @p0 $0x1  }
0x13: {  	[smem:$0x3FA2] =	sst s0;
	s0 =	simm.s32 @!p1 $0x0  }
0x14: {  	s2 =	sld [smem:$0x3F86];
	s0 =	simm.s32 @p1 $0x1  }
0x15: {  	[smem:$0x3FA3] =	sst s0;
	s0 =	simm.s32 @!p2 $0x0  }
0x16: {  	s3 =	sld [smem:$0x3FDB];
	s0 =	simm.s32 @p2 $0x1  }
0x17: {  	s4 =	simm.s32 $0x1BF5;
	[smem:$0x3FA5] =	sst s0  }
0x18: {  	s0 =	sld [smem:$0x3F88];
	_ =	swait.ge [sflag:s4], $0x0  }
0x19: {  	s7 =	sld [smem:$0x3F89]  }
0x1a: {  	s8 =	sadd.s32 $0xFFFFE003, lr  }
0x1b: {  	s9 =	sadd.s32 $0xFFFFFEF7, lr;
	s5 =	simm.s32 $0xFFFFFFFF;
	p2 =	slt.u32 s8, $0xFFFFF086  }
0x1c: {  	p1 =	slt.u32 s9, $0xF7A;
	s5 =	simm.s32 @!p2 $0x0  }
0x1d: {  	s5 =	simm.s32 @p1 $0x1;
	p0 =	seq.s32 s7, s2  }
0x1e: {  	s7 =	smul.u32 @!p0 $0xF7A, s2;
	p2 =	seq.s32 @!p0 s5, $0x0  }
0x1f: {  	s9 =	smul.u32 $0xF7A, s1;
	s8 =	simm.s32 @!p0 $0x1BF5;
	p2 =	por !p2, p0  }
0x20: {  	[sflag:s8] =	ssyncset.s32 @!p0 $0xFFFFF086;
	s6 =	sadd.s32 @!p0 s3, s7;
	s7 =	simm.s32 @!p0 $0x108  }
0x21: {  	s3 =	sadd.s32 s3, s9;
	s6 =	sadd.s32 @!p0 $0x88, s6;
	s7 =	simm.s32 @p2 $0x1082  }
0x22: {  	[simem:s7], [sflag:s8] =	dma.local @!p0 [hbm:s6], $0xF7A  }
0x23: {  	s9 =	sor.u32 $0xD0000000, s2;
	s6 =	simm.s32 $0x108;
	_ =	swait.ge @!p0 [sflag:s8], $0x0  }
0x24: {  	s3 =	sadd.s32 $0x88, s3;
	s6 =	simm.s32 @!p1 $0x1082;
	[sflag:s4] =	ssyncset.s32 $0xFFFFF086  }
0x25: {  	[simem:s6], [sflag:s4] =	dma.local [hbm:s3], $0xF7A  }
0x26: {  	[smem:$0x3F89] =	sst s1;
	(tag) =	ssettag s2;
	_ =	strace s9  }
0x27: {  	s1 =	sld [smem:$0x3F99]  }
0x28: {  	s2 =	sld [smem:$0x3F9A]  }
0x29: {  	s4 =	sld [smem:$0x3F9C]  }
0x2a: {  	p0 =	seq.s32 s5, $0x0;
	s5 =	sld [smem:$0x3F9D]  }
0x2b: {  	s6 =	sld [smem:$0x3F9E]  }
0x2c: {  	s7 =	sld [smem:$0x3F9F]  }
0x2d: {  	s3 =	simm.s32 $0x108;
	s8 =	sld [smem:$0x3FA0]  }
0x2e: {  	s3 =	simm.s32 @!p0 $0x1082;
	s9 =	sld [smem:$0x3FA1]  }
0x2f: {  	lr =	sadd.s32 s0, s3;
	s0 =	sld [smem:$0x3F98]  }
0x30: {  	s3 =	sld [smem:$0x3F9B]  }
0x31: {  	[smem:$0x3FA4] =	sst s10  }
0x32: {  	s10 =	sld [smem:$0x3FA2];
	_ =	sdelay $0x3  }
0x33: {  	p0 =	seq.s32 s10, $0x1;
	s10 =	sld [smem:$0x3FA4];
	_ =	sdelay $0x3  }
0x34: {  	[smem:$0x3FA4] =	sst s10  }
0x35: {  	s10 =	sld [smem:$0x3FA3];
	_ =	sdelay $0x3  }
0x36: {  	p1 =	seq.s32 s10, $0x1;
	s10 =	sld [smem:$0x3FA4];
	_ =	sdelay $0x3  }
0x37: {  	[smem:$0x3FA4] =	sst s10  }
0x38: {  	s10 =	sld [smem:$0x3FA5]  }
0x39: {  	_ = 	snop;
	(pc) =	sbr.ind lr, $3  }
0x3a: {  	_ = 	snop  }
0x3b: {  	_ = 	snop  }
0x3c: {  	p2 =	seq.s32 s10, $0x1;
	s10 =	sld [smem:$0x3FA4]  }
0x3d: {  	_ =	shalt  }
0x3e: {  	_ =	shalt  }
0x3f: {  	_ =	shalt  }
0x40: {  	_ =	shalt  }
0x41: {  	_ =	shalt  }
0x42: {  	_ =	shalt  }
0x43: {  	_ =	shalt  }
0x44: {  	_ =	shalt  }
0x45: {  	_ =	shalt  }
0x46: {  	_ =	shalt  }
0x47: {  	_ =	shalt  }
0x48: {  	_ =	shalt  }
0x49: {  	_ =	shalt  }
0x4a: {  	_ =	shalt  }
0x4b: {  	_ =	shalt  }
0x4c: {  	_ =	shalt  }
0x4d: {  	_ =	shalt  }
0x4e: {  	_ =	shalt  }
0x4f: {  	_ =	shalt  }
0x50: {  	_ =	shalt  }
0x51: {  	_ =	shalt  }
0x52: {  	_ =	shalt  }
0x53: {  	_ =	shalt  }
0x54: {  	_ =	shalt  }
0x55: {  	_ =	shalt  }
0x56: {  	_ =	shalt  }
0x57: {  	_ =	shalt  }
0x58: {  	_ =	shalt  }
0x59: {  	_ =	shalt  }
0x5a: {  	_ =	shalt  }
0x5b: {  	_ =	shalt  }
0x5c: {  	_ =	shalt  }
0x5d: {  	_ =	shalt  }
0x5e: {  	_ =	shalt  }
0x5f: {  	_ =	shalt  }
0x60: {  	_ =	shalt  }
0x61: {  	_ =	shalt  }
0x62: {  	_ =	shalt  }
0x63: {  	_ =	shalt  }
0x64: {  	_ =	shalt  }
0x65: {  	_ =	shalt  }
0x66: {  	_ =	shalt  }
0x67: {  	_ =	shalt  }
0x68: {  	_ =	shalt  }
0x69: {  	_ =	shalt  }
0x6a: {  	_ =	shalt  }
0x6b: {  	_ =	shalt  }
0x6c: {  	_ =	shalt  }
0x6d: {  	_ =	shalt  }
0x6e: {  	_ =	shalt  }
0x6f: {  	_ =	shalt  }
0x70: {  	_ =	shalt  }
0x71: {  	_ =	shalt  }
0x72: {  	_ =	shalt  }
0x73: {  	_ =	shalt  }
0x74: {  	_ =	shalt  }
0x75: {  	_ =	shalt  }
0x76: {  	_ =	shalt  }
0x77: {  	_ =	shalt  }
0x78: {  	_ =	shalt  }
0x79: {  	_ =	shalt  }
0x7a: {  	_ =	shalt  }
0x7b: {  	_ =	shalt  }
0x7c: {  	_ =	shalt  }
0x7d: {  	_ =	shalt  }
0x7e: {  	_ =	shalt  }
0x7f: {  	_ =	shalt  }
0x80: {  	_ =	shalt  }
0x81: {  	_ =	shalt  }
0x82: {  	_ =	shalt  }
0x83: {  	_ =	shalt  }
0x84: {  	_ =	shalt  }
0x85: {  	_ =	shalt  }
0x86: {  	_ =	shalt  }
0x87: {  	_ =	shalt  }
.Lfunc_end0:
.L_simem_size_0:
called_computation_lowered:
.L_overlay_start_0:
0x88: {  	s2 =	sld [smem:$0x3FD9]  }
0x89: {  	s3 =	sld [smem:$0x3FFE];
	_ =	sdelay $0x1  }
0x8a: {  	s1 =	srdreg.scid  }
0x8b: {  	s0 =	sand.u32 $0x1, s1  }
0x8c: {  	s17 =	sshll.u32 s0, $0xA;
	s2 =	sadd.s32 s3, s2  }
0x8d: {  	s2 =	sadd.s32 s2, s17  }
0x8e: {  	[smem:$0x3FB0] =	sst s2  }
0x8f: {  	_ = 	snop  }
0x90: {  	s2 =	sld [smem:$0x3FC9];
	(tm) =	ssettm $0x1  }
0x91: {  	s18 =	sld [smem:$0x3FFB];
	_ =	sdelay $0x3  }
0x92: {  	_ =	strace s18  }
0x93: {  	s3 =	sld [smem:$0x3FFC];
	_ =	sdelay $0x3  }
0x94: {  	_ =	strace s3  }
0x95: {  	s3 =	sld [smem:$0x3FFD];
	_ =	sdelay $0x3  }
0x96: {  	_ =	strace s3  }
0x97: {  	_ =	strace $0x8FFFFFFF  }
0x98: {  	s19 =	sld [smem:$0x3FDB];
	_ =	sdelay $0x1  }
0x99: {  	s4 =	simm.s32 $_scs_section_size  }
0x9a: {  	s5 =	simm.s32 $_size__tile_overlayer_lowered;
	s6 =	simm.s32 $_tile_overlayer_lowered  }
0x9b: {  	s22 =	simm.s32 $0x1BFF;
	s21 =	sshll.u32 s6, $0x1;
	s3 =	sadd.s32 s4, s19  }
0x9c: {  	s7 =	simm.s32 $0x0;
	s20 =	sshll.u32 s5, $0x1;
	s5 =	sadd.s32 s21, s3  }
0x9d: {  	[timem:s7], [sflag:s22] =	dma.local [hbm:s5], s20  }
0x9e: {  	_ =	swait.ge [sflag:s22], s20  }
0x9f: {  	s4 =	ssub.s32 $0x0, s20;
	[sflag:s22] =	ssyncset.done $0x0  }
0xa0: {  	[sflag:s22] =	ssyncadd.s32 s4;
	_ =	sdelay $0x1  }
0xa1: {  	s23 =	simm.s32 $0x1B8B  }
0xa2: {  	_ =	swait.ge [sflag:s23], $0x1  }
0xa3: {  	[sflag:s23] =	ssyncset.done $0x0  }
0xa4: {  	s25 =	simm.s32 $0x1B8E;
	s24 =	sld [smem:$0x3FFE];
	[sflag:s23] =	ssyncadd.s32 $0xFFFFFFFF  }
0xa5: {  	s26 =	simm.s32 $execute0_lowered;
	[smem:$0x3FD2] =	sst s25  }
0xa6: {  	s5 =	sshll.u32 s26, $0x1;
	_ =	strace $0x80000046;
	[dreg:$0x1] =	wrdreg $0xFFFFFFFF  }
0xa7: {  	s28 =	simm.s32 $_size_execute0_lowered;
	s3 =	sadd.s32 s3, s5;
	[dreg:$0x0] =	wrdreg $0x0  }
0xa8: {  	s5 =	sshll.u32 s28, $0x1;
	[dreg:$0x2] =	wrdreg s3  }
0xa9: {  	[dreg:$0x3] =	wrdreg s5  }
0xaa: {  	[dreg:$0x4] =	wrdreg $0xC0  }
0xab: {  	_ =	task [dreg:s7], $0x5FFFF  }
0xac: {  	[dreg:$0x1] =	wrdreg $0xFFFFFFFF  }
0xad: {  	[dreg:$0x0] =	wrdreg $0x60  }
0xae: {  	[dreg:$0x2] =	wrdreg s2  }
0xaf: {  	[dreg:$0x3] =	wrdreg s24  }
0xb0: {  	[dreg:$0x4] =	wrdreg $0xA8000  }
0xb1: {  	[dreg:$0x5] =	wrdreg $0x9  }
0xb2: {  	_ =	task.clear_ibuf [dreg:s7], $0x6FFFF;
	_ =	strace $0x90000046  }
0xb3: {  	s29 =	simm.s32 $0x9;
	_ =	strace $0x80000048  }
0xb4: {  	_ =	swait.ge [sflag:s29], $0x1  }
0xb5: {  	[sflag:s29] =	ssyncadd.s32 $0xFFFFFFFF  }
0xb6: {  	_ =	strace $0x90000048  }
0xb7: {  	_ =	sfence  }
0xb8: {  	s30 =	sld [smem:$0x0];
	_ =	sdelay $0x2  }
0xb9: {  	s31 =	sshll.u32 s1, $0xD;
	s1 =	sshrl.u32 s1, $0x2  }
0xba: {  	s3 =	sand.u32 $0x4000, s31;
	s1 =	sadd.s32 s1, s30  }
0xbb: {  	s0 =	sor.u32 s3, s0;
	s1 =	sshll.u32 s1, $0x11  }
0xbc: {  	s0 =	sor.u32 s1, s0  }
0xbd: {  	s0 =	sadd.s32 $0x8F2B, s0  }
0xbe: {  	[sflag:s0] =	ssyncadd.remote.s32 $0x1  }
0xbf: {  	_ =	sfence.sel $0xFFFF  }
0xc0: {  	[dreg:$0x0] =	wrdreg $0xFFFFFFFF;
	(pc) =	sbr.abs _section_cstart, $3  }
0xc1: {  	[dreg:$0x1] =	wrdreg $0xFFFFFFFF  }
0xc2: {  	_ =	task.clear_ibuf [dreg:s7], $0x2FFFF;
	_ =	strace $0x9FFFFFFF  }
0xc3: {  	(tm) =	ssettm $0x7FFFFFFF  }
tec
execute0_lowered:
.L_overlay_start_1:
0x0: {  	(tag) =	ssettag $0x1  }
0x1: {  	s1 =	rddreg [dreg:$0x0]  }
0x2: {  	s6 =	rddreg [dreg:$0x1]  }
0x3: {  	s2 =	rddreg [dreg:$0x2]  }
0x4: {  	s3 =	srdreg.scid;
	s0 =	rddreg [dreg:$0x3]  }
0x5: {  	s4 =	simm.s32 $0x0;
	s16 =	simm.s32 $0x80;
	s17 =	simm.s32 $0x2800  }
0x6: {  	s18 =	simm.s32 $0x6800;
	s19 =	simm.s32 $0x1;
	s20 =	simm.s32 $0x2  }
0x7: {  	s21 =	simm.s32 $0x1380;
	s22 =	simm.s32 $0x2700;
	s23 =	simm.s32 $0x2780  }
0x8: {  	s7 =	sand.u32 $0x1, s3;
	s3 =	stileid.u32;
	[smem:$0x7FF] =	sst s4  }
0x9: {  	s10 =	sadd.s32 $0x4C00, s6;
	s11 =	sadd.s32 $0xEC00, s6;
	s8 =	smul.u32 $0x140000, s7  }
0xa: {  	s5 =	sadd.s32 $0x18C00, s6;
	s9 =	smul.u32 $0x14000, s3;
	_ =	strace $0x80000047  }
0xb: {  	s24 =	sshll.u32 s7, $0x4;
	s7 =	ssub.s32 $0x2, s7;
	s12 =	smul.u32 $0x50000, s3  }
0xc: {  	s26 =	sshll.u32 s3, $0x6;
	s13 =	sshrl.u32 s7, $0x1;
	s8 =	sadd.s32 s9, s8  }
0xd: {  	s9 =	sor.u32 s3, s24;
	s13 =	ssub.s32 s7, s13;
	s25 =	sshrl.u32 s12, $0x2  }
0xe: {  	s24 =	simm.s32 $0x0;
	s8 =	sshrl.u32 s8, $0x3;
	s14 =	smul.u32 $0x2800, s9  }
0xf: {  	s28 =	smul.u32 $0x500, s9;
	s30 =	sadd.s32 s25, s2;
	s12 =	smax.u32 s13, $0x1  }
0x10: {  	s15 =	sadd.s32 s8, s6;
	s6 =	sor.u32 $0x1C03, s26;
	s29 =	sshrl.u32 s14, $0x3  }
0x11: {  	s13 =	sshrl.u32 s30, $0x3;
	s7 =	sadd.s32 s10, s28;
	s31 =	sadd.s32 $0x280, s29  }
0x12: {  	s8 =	sadd.s32 s11, s28;
	s14 =	simm.s32 $0x3;
	s9 =	sadd.s32 s10, s31  }
0x13: {  	s10 =	sadd.s32 s11, s31;
	s11 =	sadd.s32 $0x1B400, s15;
	s15 =	simm.s32 $0x1400  }
.LBB2_1:
0x14: {  	[spmem:s13], [sflag:s6] =	dma.local [hbm:s5], $0x2800  }
0x15: {  	_ =	swait.ge [sflag:s14], $0x2800  }
0x16: {  	[sflag:s14] =	ssyncset.done $0x0  }
0x17: {  	[sflag:s14] =	ssyncadd.s32 $0xFFFFD800  }
0x18: {  	[bflag:$0x0] =	sbarrier.arrive $0xFFFF  }
0x19: {  	[tilespmem:s4], [sflag:$0x3] =	stream.linear.gather [hbm4b:s7+s4], $0x1400, $0x38;
	[tilespmem:$0x1E800] =	vst v63  }
0x1a: {  	_ =	swait.ge [sflag:s14], $0x1400  }
0x1b: {  	[sflag:s14] =	ssyncset.done $0x0  }
0x1c: {  	[sflag:s14] =	ssyncadd.s32 $0xFFFFEC00  }
0x1d: {  	[tilespmem:s15], [sflag:$0x3] =	stream.linear.gather [hbm4b:s8+s4], $0x1400, $0x38;
	[tilespmem:$0x1E800] =	vst v63  }
0x1e: {  	_ =	swait.ge [sflag:s14], $0x1400  }
0x1f: {  	[sflag:s14] =	ssyncset.done $0x0  }
0x20: {  	[sflag:s14] =	ssyncadd.s32 $0xFFFFEC00  }
0x21: {  	[tilespmem:s17], [sflag:$0x1] =	stream.indirect.gather [hbm4b:s1+s16], $0x80, s4, s16, $0xb8;
	[tilespmem:$0x1E800] =	vst v63  }
0x22: {  	s25 =	simm.s32 $0x80  }
0x23: {  	[tilespmem:s18], [sflag:$0x2] =	stream.indirect.gather [hbm4b:s1+s16], $0x80, s25, s16, $0xb8;
	[tilespmem:$0x1E800] =	vst v63  }
0x24: {  	_ =	swait.ge [sflag:s19], $0x4000  }
0x25: {  	[sflag:s19] =	ssyncset.done $0x0  }
0x26: {  	s29 =	simm.s32 $0x1400;
	[sflag:s19] =	ssyncadd.s32 $0xFFFFC000  }
0x27: {  	[spmem:s2] =	stream.indirect.scatter.add.f32 [tilespmem:s17], [sflag:$0x3], $0x80, s29, s16, $0xb8;
	[tilespmem:$0x1E800] =	vst v63  }
0x28: {  	_ =	swait.ge [sflag:s14], $0x4000  }
0x29: {  	[sflag:s14] =	ssyncset.done $0x0  }
0x2a: {  	s30 =	simm.s32 $0x100;
	[sflag:s14] =	ssyncadd.s32 $0xFFFFC000  }
0x2b: {  	[tilespmem:s17], [sflag:$0x1] =	stream.indirect.gather [hbm4b:s1+s16], $0x80, s30, s16, $0xb8;
	[tilespmem:$0x1E800] =	vst v63  }
0x2c: {  	_ =	swait.ge [sflag:s20], $0x4000  }
0x2d: {  	[sflag:s20] =	ssyncset.done $0x0  }
0x2e: {  	s31 =	simm.s32 $0x1480;
	[sflag:s20] =	ssyncadd.s32 $0xFFFFC000  }
0x2f: {  	[spmem:s2] =	stream.indirect.scatter.add.f32 [tilespmem:s18], [sflag:$0x3], $0x80, s31, s16, $0xb8;
	[tilespmem:$0x1E800] =	vst v63  }
0x30: {  	_ =	swait.ge [sflag:s14], $0x4000  }
0x31: {  	s26 =	simm.s32 $0x800;
	s25 =	simm.s32 $0x100;
	[sflag:s14] =	ssyncset.done $0x0  }
.LBB2_2:
0x32: {  	s28 =	sadd.s32 $0x80, s25  }
0x33: {  	[sflag:s14] =	ssyncadd.s32 $0xFFFFC000;
	s29 =	smov.u32 s26;
	s30 =	sadd.s32 $0x400, s26  }
0x34: {  	[tilespmem:s18], [sflag:$0x2] =	stream.indirect.gather [hbm4b:s1+s16], $0x80, s28, s16, $0xb8;
	[tilespmem:$0x1E800] =	vst v63  }
0x35: {  	p0 =	sne.s32 s26, $0x4800;
	_ =	swait.ge [sflag:s19], $0x4000  }
0x36: {  	[sflag:s19] =	ssyncset.done $0x0  }
0x37: {  	s26 =	sadd.s32 $0x1400, s25;
	[sflag:s19] =	ssyncadd.s32 $0xFFFFC000  }
0x38: {  	[spmem:s2] =	stream.indirect.scatter.add.f32 [tilespmem:s17], [sflag:$0x3], $0x80, s26, s16, $0xb8;
	[tilespmem:$0x1E800] =	vst v63  }
0x39: {  	_ =	swait.ge [sflag:s14], $0x4000  }
0x3a: {  	[sflag:s14] =	ssyncset.done $0x0  }
0x3b: {  	s26 =	sadd.s32 $0x100, s25;
	[sflag:s14] =	ssyncadd.s32 $0xFFFFC000  }
0x3c: {  	[tilespmem:s17], [sflag:$0x1] =	stream.indirect.gather [hbm4b:s1+s16], $0x80, s26, s16, $0xb8;
	[tilespmem:$0x1E800] =	vst v63  }
0x3d: {  	_ =	swait.ge [sflag:s20], $0x4000  }
.Ltmp0:
0x3e: {  	[sflag:s20] =	ssyncset.done $0x0;
	(pc) =	sbr.rel @p0 .LBB2_2-.Ltmp0, $4  }
0x3f: {  	s25 =	sadd.s32 $0x1480, s25;
	[sflag:s20] =	ssyncadd.s32 $0xFFFFC000  }
0x40: {  	[spmem:s2] =	stream.indirect.scatter.add.f32 [tilespmem:s18], [sflag:$0x3], $0x80, s25, s16, $0xb8;
	[tilespmem:$0x1E800] =	vst v63  }
0x41: {  	_ =	swait.ge [sflag:s14], $0x4000  }
0x42: {  	s26 =	smov.u32 s30;
	s25 =	sshra.s32 s29, $0x2;
	[sflag:s14] =	ssyncset.done $0x0  }
0x43: {  	s26 =	sadd.s32 $0x80, s25;
	[sflag:s14] =	ssyncadd.s32 $0xFFFFC000  }
0x44: {  	[tilespmem:s18], [sflag:$0x2] =	stream.indirect.gather [hbm4b:s1+s16], $0x80, s26, s16, $0xb8;
	[tilespmem:$0x1E800] =	vst v63  }
0x45: {  	_ =	swait.ge [sflag:s19], $0x4000  }
0x46: {  	[sflag:s19] =	ssyncset.done $0x0  }
0x47: {  	s29 =	sadd.s32 $0x1400, s25;
	[sflag:s19] =	ssyncadd.s32 $0xFFFFC000  }
0x48: {  	[spmem:s2] =	stream.indirect.scatter.add.f32 [tilespmem:s17], [sflag:$0x3], $0x80, s29, s16, $0xb8;
	[tilespmem:$0x1E800] =	vst v63  }
0x49: {  	_ =	swait.ge [sflag:s14], $0x4000  }
0x4a: {  	[sflag:s14] =	ssyncset.done $0x0  }
0x4b: {  	s30 =	sadd.s32 $0x100, s25;
	[sflag:s14] =	ssyncadd.s32 $0xFFFFC000  }
0x4c: {  	[tilespmem:s17], [sflag:$0x1] =	stream.indirect.gather [hbm4b:s1+s16], $0x80, s30, s16, $0xb8;
	[tilespmem:$0x1E800] =	vst v63  }
0x4d: {  	_ =	swait.ge [sflag:s20], $0x4000  }
0x4e: {  	[sflag:s20] =	ssyncset.done $0x0  }
0x4f: {  	s31 =	sadd.s32 $0x1480, s25;
	[sflag:s20] =	ssyncadd.s32 $0xFFFFC000  }
0x50: {  	[spmem:s2] =	stream.indirect.scatter.add.f32 [tilespmem:s18], [sflag:$0x3], $0x80, s31, s16, $0xb8;
	[tilespmem:$0x1E800] =	vst v63  }
0x51: {  	_ =	swait.ge [sflag:s14], $0x4000  }
0x52: {  	[sflag:s14] =	ssyncset.done $0x0  }
0x53: {  	[sflag:s14] =	ssyncadd.s32 $0xFFFFC000  }
0x54: {  	[tilespmem:s18], [sflag:$0x2] =	stream.indirect.gather [hbm4b:s1+s16], $0x80, s21, s16, $0xb8;
	[tilespmem:$0x1E800] =	vst v63  }
0x55: {  	_ =	swait.ge [sflag:s19], $0x4000  }
0x56: {  	[sflag:s19] =	ssyncset.done $0x0  }
0x57: {  	[sflag:s19] =	ssyncadd.s32 $0xFFFFC000  }
0x58: {  	[spmem:s2] =	stream.indirect.scatter.add.f32 [tilespmem:s17], [sflag:$0x3], $0x80, s22, s16, $0xb8;
	[tilespmem:$0x1E800] =	vst v63  }
0x59: {  	_ =	swait.ge [sflag:s14], $0x4000  }
0x5a: {  	[sflag:s14] =	ssyncset.done $0x0  }
0x5b: {  	[sflag:s14] =	ssyncadd.s32 $0xFFFFC000  }
0x5c: {  	_ =	swait.ge [sflag:s20], $0x4000  }
0x5d: {  	[sflag:s20] =	ssyncset.done $0x0  }
0x5e: {  	[sflag:s20] =	ssyncadd.s32 $0xFFFFC000  }
0x5f: {  	[spmem:s2] =	stream.indirect.scatter.add.f32 [tilespmem:s18], [sflag:$0x3], $0x80, s23, s16, $0xb8;
	[tilespmem:$0x1E800] =	vst v63  }
0x60: {  	_ =	swait.ge [sflag:s14], $0x4000  }
0x61: {  	[sflag:s14] =	ssyncset.done $0x0  }
0x62: {  	s26 =	simm.s32 $0x0;
	[sflag:s14] =	ssyncadd.s32 $0xFFFFC000  }
0x63: {  	[tilespmem:s26], [sflag:$0x3] =	stream.linear.gather [hbm4b:s9+s26], $0x1400, $0x38;
	[tilespmem:$0x1E800] =	vst v63  }
0x64: {  	_ =	swait.ge [sflag:s14], $0x1400  }
0x65: {  	[sflag:s14] =	ssyncset.done $0x0  }
0x66: {  	[sflag:s14] =	ssyncadd.s32 $0xFFFFEC00  }
0x67: {  	[tilespmem:s15], [sflag:$0x3] =	stream.linear.gather [hbm4b:s10+s26], $0x1400, $0x38;
	[tilespmem:$0x1E800] =	vst v63  }
0x68: {  	_ =	swait.ge [sflag:s14], $0x1400  }
0x69: {  	[sflag:s14] =	ssyncset.done $0x0  }
0x6a: {  	[sflag:s14] =	ssyncadd.s32 $0xFFFFEC00  }
0x6b: {  	[tilespmem:s17], [sflag:$0x1] =	stream.indirect.gather [hbm4b:s1+s16], $0x80, s26, s16, $0xb8;
	[tilespmem:$0x1E800] =	vst v63  }
0x6c: {  	s28 =	simm.s32 $0x80  }
0x6d: {  	[tilespmem:s18], [sflag:$0x2] =	stream.indirect.gather [hbm4b:s1+s16], $0x80, s28, s16, $0xb8;
	[tilespmem:$0x1E800] =	vst v63  }
0x6e: {  	_ =	swait.ge [sflag:s19], $0x4000  }
0x6f: {  	[sflag:s19] =	ssyncset.done $0x0  }
0x70: {  	s29 =	simm.s32 $0x1400;
	[sflag:s19] =	ssyncadd.s32 $0xFFFFC000  }
0x71: {  	[spmem:s2] =	stream.indirect.scatter.add.f32 [tilespmem:s17], [sflag:$0x3], $0x80, s29, s16, $0xb8;
	[tilespmem:$0x1E800] =	vst v63  }
0x72: {  	_ =	swait.ge [sflag:s14], $0x4000  }
0x73: {  	[sflag:s14] =	ssyncset.done $0x0  }
0x74: {  	s30 =	simm.s32 $0x100;
	[sflag:s14] =	ssyncadd.s32 $0xFFFFC000  }
0x75: {  	[tilespmem:s17], [sflag:$0x1] =	stream.indirect.gather [hbm4b:s1+s16], $0x80, s30, s16, $0xb8;
	[tilespmem:$0x1E800] =	vst v63  }
0x76: {  	_ =	swait.ge [sflag:s20], $0x4000  }
0x77: {  	[sflag:s20] =	ssyncset.done $0x0  }
0x78: {  	s31 =	simm.s32 $0x1480;
	[sflag:s20] =	ssyncadd.s32 $0xFFFFC000  }
0x79: {  	[spmem:s2] =	stream.indirect.scatter.add.f32 [tilespmem:s18], [sflag:$0x3], $0x80, s31, s16, $0xb8;
	[tilespmem:$0x1E800] =	vst v63  }
0x7a: {  	_ =	swait.ge [sflag:s14], $0x4000  }
0x7b: {  	s25 =	simm.s32 $0x100;
	s26 =	simm.s32 $0x800;
	[sflag:s14] =	ssyncset.done $0x0  }
.LBB2_4:
0x7c: {  	s28 =	sadd.s32 $0x80, s25  }
0x7d: {  	[sflag:s14] =	ssyncadd.s32 $0xFFFFC000;
	s29 =	smov.u32 s26;
	s30 =	sadd.s32 $0x400, s26  }
0x7e: {  	[tilespmem:s18], [sflag:$0x2] =	stream.indirect.gather [hbm4b:s1+s16], $0x80, s28, s16, $0xb8;
	[tilespmem:$0x1E800] =	vst v63  }
0x7f: {  	p0 =	sne.s32 s26, $0x4800;
	_ =	swait.ge [sflag:s19], $0x4000  }
0x80: {  	[sflag:s19] =	ssyncset.done $0x0  }
0x81: {  	s26 =	sadd.s32 $0x1400, s25;
	[sflag:s19] =	ssyncadd.s32 $0xFFFFC000  }
0x82: {  	[spmem:s2] =	stream.indirect.scatter.add.f32 [tilespmem:s17], [sflag:$0x3], $0x80, s26, s16, $0xb8;
	[tilespmem:$0x1E800] =	vst v63  }
0x83: {  	_ =	swait.ge [sflag:s14], $0x4000  }
0x84: {  	[sflag:s14] =	ssyncset.done $0x0  }
0x85: {  	s26 =	sadd.s32 $0x100, s25;
	[sflag:s14] =	ssyncadd.s32 $0xFFFFC000  }
0x86: {  	[tilespmem:s17], [sflag:$0x1] =	stream.indirect.gather [hbm4b:s1+s16], $0x80, s26, s16, $0xb8;
	[tilespmem:$0x1E800] =	vst v63  }
0x87: {  	_ =	swait.ge [sflag:s20], $0x4000  }
.Ltmp1:
0x88: {  	[sflag:s20] =	ssyncset.done $0x0;
	(pc) =	sbr.rel @p0 .LBB2_4-.Ltmp1, $4  }
0x89: {  	s25 =	sadd.s32 $0x1480, s25;
	[sflag:s20] =	ssyncadd.s32 $0xFFFFC000  }
0x8a: {  	[spmem:s2] =	stream.indirect.scatter.add.f32 [tilespmem:s18], [sflag:$0x3], $0x80, s25, s16, $0xb8;
	[tilespmem:$0x1E800] =	vst v63  }
0x8b: {  	_ =	swait.ge [sflag:s14], $0x4000  }
0x8c: {  	s26 =	smov.u32 s30;
	s25 =	sshra.s32 s29, $0x2;
	[sflag:s14] =	ssyncset.done $0x0  }
0x8d: {  	s26 =	sadd.s32 $0x80, s25;
	[sflag:s14] =	ssyncadd.s32 $0xFFFFC000  }
0x8e: {  	[tilespmem:s18], [sflag:$0x2] =	stream.indirect.gather [hbm4b:s1+s16], $0x80, s26, s16, $0xb8;
	[tilespmem:$0x1E800] =	vst v63  }
0x8f: {  	_ =	swait.ge [sflag:s19], $0x4000  }
0x90: {  	[sflag:s19] =	ssyncset.done $0x0  }
0x91: {  	s29 =	sadd.s32 $0x1400, s25;
	[sflag:s19] =	ssyncadd.s32 $0xFFFFC000  }
0x92: {  	[spmem:s2] =	stream.indirect.scatter.add.f32 [tilespmem:s17], [sflag:$0x3], $0x80, s29, s16, $0xb8;
	[tilespmem:$0x1E800] =	vst v63  }
0x93: {  	_ =	swait.ge [sflag:s14], $0x4000  }
0x94: {  	[sflag:s14] =	ssyncset.done $0x0  }
0x95: {  	s30 =	sadd.s32 $0x100, s25;
	[sflag:s14] =	ssyncadd.s32 $0xFFFFC000  }
0x96: {  	[tilespmem:s17], [sflag:$0x1] =	stream.indirect.gather [hbm4b:s1+s16], $0x80, s30, s16, $0xb8;
	[tilespmem:$0x1E800] =	vst v63  }
0x97: {  	_ =	swait.ge [sflag:s20], $0x4000  }
0x98: {  	[sflag:s20] =	ssyncset.done $0x0  }
0x99: {  	s31 =	sadd.s32 $0x1480, s25;
	[sflag:s20] =	ssyncadd.s32 $0xFFFFC000  }
0x9a: {  	[spmem:s2] =	stream.indirect.scatter.add.f32 [tilespmem:s18], [sflag:$0x3], $0x80, s31, s16, $0xb8;
	[tilespmem:$0x1E800] =	vst v63  }
0x9b: {  	_ =	swait.ge [sflag:s14], $0x4000  }
0x9c: {  	[sflag:s14] =	ssyncset.done $0x0  }
0x9d: {  	[sflag:s14] =	ssyncadd.s32 $0xFFFFC000  }
0x9e: {  	[tilespmem:s18], [sflag:$0x2] =	stream.indirect.gather [hbm4b:s1+s16], $0x80, s21, s16, $0xb8;
	[tilespmem:$0x1E800] =	vst v63  }
0x9f: {  	_ =	swait.ge [sflag:s19], $0x4000  }
0xa0: {  	[sflag:s19] =	ssyncset.done $0x0  }
0xa1: {  	[sflag:s19] =	ssyncadd.s32 $0xFFFFC000  }
0xa2: {  	[spmem:s2] =	stream.indirect.scatter.add.f32 [tilespmem:s17], [sflag:$0x3], $0x80, s22, s16, $0xb8;
	[tilespmem:$0x1E800] =	vst v63  }
0xa3: {  	_ =	swait.ge [sflag:s14], $0x4000  }
0xa4: {  	[sflag:s14] =	ssyncset.done $0x0  }
0xa5: {  	[sflag:s14] =	ssyncadd.s32 $0xFFFFC000  }
0xa6: {  	_ =	swait.ge [sflag:s20], $0x4000  }
0xa7: {  	[sflag:s20] =	ssyncset.done $0x0  }
0xa8: {  	[sflag:s20] =	ssyncadd.s32 $0xFFFFC000  }
0xa9: {  	[spmem:s2] =	stream.indirect.scatter.add.f32 [tilespmem:s18], [sflag:$0x3], $0x80, s23, s16, $0xb8;
	[tilespmem:$0x1E800] =	vst v63  }
0xaa: {  	_ =	swait.ge [sflag:s14], $0x4000  }
0xab: {  	s24 =	sadd.s32 $0x1, s24;
	[sflag:s14] =	ssyncset.done $0x0  }
0xac: {  	p0 =	sne.s32 s24, s12;
	[sflag:s14] =	ssyncadd.s32 $0xFFFFC000  }
.Ltmp2:
0xad: {  	[bflag:$0x0] =	sbarrier.arrive $0xFFFF;
	(pc) =	sbr.rel @p0 .LBB2_1-.Ltmp2, $4  }
0xae: {  	[hbm:s11], [sflag:s6] =	dma.local [spmem:s13], $0x2800  }
0xaf: {  	_ =	swait.ge [sflag:s14], $0x2800  }
0xb0: {  	[sflag:s14] =	ssyncset.done $0x0  }
0xb1: {  	[sflag:s14] =	ssyncadd.s32 $0xFFFFD800  }
0xb2: {  	_ =	sfence.sel $0x180000  }
0xb3: {  	[bflag:$0x0] =	sbarrier.arrive $0xFFFF  }
0xb4: {  	p0 =	sne.s32 s3, $0x0;
	_ =	strace $0x90000047  }
0xb5: {  	s0 =	sadd.s32 @!p0 $0x100000, s0;
	[bflag:$0x2] =	sbarrier.arrive $0xFFFF  }
0xb6: {  	[sflag:s0] =	ssyncadd.tile.s32 @!p0 $0x1;
	_ =	shalt  }
.Lfunc_end2:
_tile_overlayer_lowered:
.L_overlay_start_2:
0xb7: {  	(tag) =	ssettag $0x2  }
0xb8: {  	s0 =	rddreg [dreg:$0x0];
	s2 =	stileid.u32  }
0xb9: {  	s1 =	rddreg [dreg:$0x1];
	p0 =	sne.s32 s2, $0x0  }
0xba: {  	s3 =	rddreg [dreg:$0x2];
	[bflag:$0x3] =	sbarrier.arrive $0xFFFF;
	s2 =	simm.s32 @!p0 $0x1C03  }
0xbb: {  	[timem:s3], [sflag:s2] =	dma.local @!p0 [hbm:s0], s1  }
0xbc: {  	s0 =	simm.s32 @!p0 $0x3  }
0xbd: {  	_ =	swait.ge @!p0 [sflag:s0], s1  }
0xbe: {  	s1 =	ssub.s32 @!p0 $0x0, s1;
	[sflag:s0] =	ssyncset.done @!p0 $0x0  }
0xbf: {  	[sflag:s0] =	ssyncadd.s32 @!p0 s1  }
0xc0: {  	[bflag:$0x3] =	sbarrier.arrive $0xFFFF  }
0xc1: {  	_ =	shalt  }

</sc_bundles>
